<compile_context>
chip_gen: v7x
topology: tpu7x:2x2x1
jax: 0.10.2.dev20260603
libtpu: 0.0.44.dev20260713+nightly
codegen_flags: <defaults>
</compile_context>

<pallas_src>
import jax
import jax.numpy as jnp
import numpy as np
from jax import lax
from jax.experimental import pallas as pl
from jax.experimental.pallas import tpu as pltpu
from jax.experimental.pallas import tpu_sc as plsc

ROWS = 16
N = 1_000_000
NP2 = 1 << 20
NC = 2
NS = 16
ROWS_PER_CORE = ROWS // NC
CHUNK = NP2 // NS
NQ = 4
QUARTER = CHUNK // NQ
VPQ = QUARTER // 16
R = 256
TAIL = N - (NS - 1) * CHUNK
NPAD = 1000064
TAILP = NPAD - (NS - 1) * CHUNK

MININT = np.int32(-(2**31))
MAXINT = np.int32(2**31 - 1)


def _digit(k, shift):
    d = lax.shift_right_logical(k, jnp.int32(shift)) if shift else k
    return jnp.bitwise_and(d, jnp.int32(R - 1))


def _fwd_transform(u, rmask_v):
    sgn = lax.shift_right_arithmetic(u, 31)
    masc = jnp.bitwise_xor(u, jnp.bitwise_or(sgn, MININT))
    return jnp.bitwise_xor(masc, rmask_v)


def _inv_transform(k, rmask_v):
    masc = jnp.bitwise_xor(k, rmask_v)
    sb = lax.shift_right_arithmetic(masc, 31)
    flip = jnp.bitwise_or(MININT, jnp.bitwise_and(jnp.bitwise_not(sb), MAXINT))
    return jnp.bitwise_xor(masc, flip)


def _make_kernel():
    mesh = plsc.VectorSubcoreMesh(
        core_axis_name="c", subcore_axis_name="s", num_cores=NC, num_subcores=NS
    )

    out_type = (
        jax.ShapeDtypeStruct((ROWS, NPAD), jnp.float32),
        jax.ShapeDtypeStruct((ROWS, NPAD), jnp.float32),
        jax.ShapeDtypeStruct((ROWS * NP2,), jnp.float32),
        jax.ShapeDtypeStruct((ROWS * NP2,), jnp.float32),
        jax.ShapeDtypeStruct((ROWS * NP2,), jnp.float32),
        jax.ShapeDtypeStruct((ROWS * NP2,), jnp.float32),
        jax.ShapeDtypeStruct((NC * NS * NQ * QUARTER,), jnp.int32),
    )

    scratch = dict(
        kbuf=pltpu.VMEM((QUARTER,), jnp.float32),
        obuf=pltpu.VMEM((QUARTER,), jnp.int32),
        hbuf=pltpu.VMEM((R * 16,), jnp.int32),
        cnt=pltpu.VMEM((R,), jnp.int32),
        tloc=pltpu.VMEM((R,), jnp.int32),
        tall_loc=pltpu.VMEM((NS, R), jnp.int32),
        gbuf=pltpu.VMEM((R,), jnp.int32),
        rmask_buf=pltpu.VMEM((16,), jnp.int32),
        tall=pltpu.VMEM_SHARED((NS, R), jnp.int32),
        smem=pltpu.VMEM_SHARED((NPAD,), jnp.float32),
    )

    names = list(scratch.keys())
    scratch_types = [scratch[k] for k in names]

    def body(x_hbm, xtail_hbm, rmask_hbm, vals_hbm, idx_hbm, ka, pa, kb, pb,
             oscr_hbm, *scr):
        sd = dict(zip(names, scr))
        kbuf, obuf = sd["kbuf"], sd["obuf"]
        hbuf, cnt = sd["hbuf"], sd["cnt"]
        tloc, tall_loc = sd["tloc"], sd["tall_loc"]
        gbuf = sd["gbuf"]
        tall, smem = sd["tall"], sd["smem"]

        c = lax.axis_index("c")
        s = lax.axis_index("s")
        lane = lax.iota(jnp.int32, 16)
        ones = jnp.ones((16,), jnp.int32)

        pltpu.sync_copy(rmask_hbm, sd["rmask_buf"])
        rmask_v = sd["rmask_buf"][...]
        pad_bits_first = jnp.where(
            rmask_v < 0, jnp.full((16,), -1, jnp.int32), jnp.full((16,), MAXINT)
        )
        pad_fill_first = plsc.bitcast(pad_bits_first, jnp.float32)
        pad_fill_mid = plsc.bitcast(jnp.full((16,), -1, jnp.int32), jnp.float32)

        def emit_pass(shift, first, last, key_hbm, pay_hbm, kout_hbm, pout_hbm):
            in_row = N if first else NP2
            out_row = N if last else NP2
            pad_fill = pad_fill_first if first else pad_fill_mid

            def load_key(j):
                u = plsc.bitcast(kbuf[pl.ds(j * 16, 16)], jnp.int32)
                if first:
                    return _fwd_transform(u, rmask_v)
                return u

            def stage_keys(q, rowg):
                base = rowg * in_row + s * CHUNK + q * QUARTER

                @pl.when(jnp.logical_or(s < NS - 1, q == 0))
                def _():
                    if first:
                        pltpu.sync_copy(
                            key_hbm.at[rowg, pl.ds(s * CHUNK + q * QUARTER, QUARTER)],
                            kbuf,
                        )
                    else:
                        pltpu.sync_copy(key_hbm.at[pl.ds(base, QUARTER)], kbuf)

                @pl.when(jnp.logical_and(s == NS - 1, q > 0))
                def _():
                    def fill(i, _):
                        kbuf[pl.ds(i * 16, 16)] = pad_fill
                        return 0

                    lax.fori_loop(0, QUARTER // 16, fill, 0)
                    real = N - ((NS - 1) * CHUNK + QUARTER)

                    @pl.when(q == 1)
                    def _():
                        if first:
                            roff = (NS - 1) * CHUNK + QUARTER
                            pltpu.sync_copy(
                                key_hbm.at[rowg, pl.ds(roff, real - 64)],
                                kbuf.at[pl.ds(0, real - 64)],
                            )
                            pltpu.sync_copy(
                                xtail_hbm.at[pl.ds(rowg * 64, 64)],
                                kbuf.at[pl.ds(real - 64, 64)],
                            )
                        else:
                            b1 = rowg * in_row + (NS - 1) * CHUNK + QUARTER
                            pltpu.sync_copy(
                                key_hbm.at[pl.ds(b1, real)], kbuf.at[pl.ds(0, real)]
                            )

            def copy_out(dst_hbm, out_base):
                if not last:
                    pltpu.sync_copy(
                        smem.at[pl.ds(s * CHUNK, CHUNK)],
                        dst_hbm.at[pl.ds(out_base + s * CHUNK, CHUNK)],
                    )
                    return

                @pl.when(s < NS - 1)
                def _():
                    pltpu.sync_copy(
                        smem.at[pl.ds(s * CHUNK, CHUNK)],
                        dst_hbm.at[out_base, pl.ds(s * CHUNK, CHUNK)],
                    )

                @pl.when(s == NS - 1)
                def _():
                    tbase = (NS - 1) * CHUNK
                    pltpu.sync_copy(
                        smem.at[pl.ds(tbase, TAILP)],
                        dst_hbm.at[out_base, pl.ds(tbase, TAILP)],
                    )

            def row_body(rr, _):
                rowg = c * ROWS_PER_CORE + rr

                def zh(i, _):
                    hbuf[pl.ds(i * 16, 16)] = jnp.zeros((16,), jnp.int32)
                    return 0

                lax.fori_loop(0, R, zh, 0)

                def qa(q, _):
                    stage_keys(q, rowg)

                    def ha(j, _):
                        d = _digit(load_key(j), shift)
                        plsc.addupdate_scatter(hbuf, [d * 16 + lane], ones)
                        return 0

                    lax.fori_loop(0, VPQ, ha, 0)
                    return 0

                lax.fori_loop(0, NQ, qa, 0)

                def td(d, _):
                    v = hbuf[pl.ds(d * 16, 16)]
                    hbuf[pl.ds(d * 16, 16)] = plsc.cumsum(v)
                    return 0

                lax.fori_loop(0, R, td, 0)

                def td2(dv, _):
                    idxs = (dv * 16 + lane) * 16 + 15
                    tloc[pl.ds(dv * 16, 16)] = plsc.load_gather(hbuf, [idxs])
                    return 0

                lax.fori_loop(0, R // 16, td2, 0)

                pltpu.sync_copy(tloc, tall.at[s])
                plsc.subcore_barrier()
                pltpu.sync_copy(tall, tall_loc)

                def sdv(dv, _):
                    def tt(t2, accs):
                        accg, accs_ = accs
                        v = tall_loc[t2, pl.ds(dv * 16, 16)]
                        return (accg + v, accs_ + jnp.where(t2 < s, v, jnp.int32(0)))

                    accg, accs_ = lax.fori_loop(
                        0,
                        NS,
                        tt,
                        (jnp.zeros((16,), jnp.int32), jnp.zeros((16,), jnp.int32)),
                    )
                    gbuf[pl.ds(dv * 16, 16)] = accg
                    cnt[pl.ds(dv * 16, 16)] = accs_
                    return 0

                lax.fori_loop(0, R // 16, sdv, 0)

                def pdv(dv, carry):
                    g = gbuf[pl.ds(dv * 16, 16)]
                    incl = plsc.cumsum(g)
                    b0 = (incl - g) + carry + cnt[pl.ds(dv * 16, 16)]
                    cnt[pl.ds(dv * 16, 16)] = b0
                    return carry + jnp.sum(g)

                lax.fori_loop(0, R // 16, pdv, jnp.int32(0))

                def qb(q, _):
                    stage_keys(q, rowg)

                    def sb(j, _):
                        k = load_key(j)
                        if first:
                            kbuf[pl.ds(j * 16, 16)] = plsc.bitcast(k, jnp.float32)
                        d = _digit(k, shift)
                        pc, lastm = plsc.scan_count(d)
                        nxt = plsc.load_gather(cnt, [d]) + pc
                        plsc.store_scatter(cnt, [d], nxt, mask=lastm)
                        off = nxt - 1
                        off = jnp.where(off >= N, jnp.int32(-1), off)
                        if last:
                            v = plsc.bitcast(_inv_transform(k, rmask_v), jnp.float32)
                            kbuf[pl.ds(j * 16, 16)] = v
                        obuf[pl.ds(j * 16, 16)] = off
                        return 0

                    lax.fori_loop(0, VPQ, sb, 0)
                    pltpu.sync_copy(
                        kbuf, smem.at[plsc.Indices(obuf, ignored_value=-1)]
                    )
                    oregion = ((c * NS + s) * NQ + q) * QUARTER
                    pltpu.sync_copy(obuf, oscr_hbm.at[pl.ds(oregion, QUARTER)])
                    return 0

                lax.fori_loop(0, NQ, qb, 0)

                plsc.subcore_barrier()
                copy_out(kout_hbm, rowg if last else rowg * out_row)
                plsc.subcore_barrier()

                def qp(q, _):
                    if first:
                        pos_base = s * CHUNK + q * QUARTER + lane

                        def pf(j, _):
                            kbuf[pl.ds(j * 16, 16)] = plsc.bitcast(
                                pos_base + j * 16, jnp.float32
                            )
                            return 0

                        lax.fori_loop(0, VPQ, pf, 0)
                    else:
                        pbase = rowg * NP2 + s * CHUNK + q * QUARTER
                        pltpu.sync_copy(pay_hbm.at[pl.ds(pbase, QUARTER)], kbuf)
                    oregion = ((c * NS + s) * NQ + q) * QUARTER
                    pltpu.sync_copy(oscr_hbm.at[pl.ds(oregion, QUARTER)], obuf)
                    pltpu.sync_copy(
                        kbuf, smem.at[plsc.Indices(obuf, ignored_value=-1)]
                    )
                    return 0

                lax.fori_loop(0, NQ, qp, 0)

                plsc.subcore_barrier()
                copy_out(pout_hbm, rowg if last else rowg * out_row)
                plsc.subcore_barrier()
                return 0

            lax.fori_loop(0, ROWS_PER_CORE, row_body, 0)

        emit_pass(0, True, False, x_hbm, None, ka, pa)
        emit_pass(8, False, False, ka, pa, kb, pb)
        emit_pass(16, False, False, kb, pb, ka, pa)
        emit_pass(24, False, True, ka, pa, vals_hbm, idx_hbm)

    return pl.kernel(
        body, out_type=out_type, mesh=mesh, scratch_types=scratch_types,
        compiler_params=pltpu.CompilerParams(needs_layout_passes=False),
        name="radix_sort_fused",
    )


@jax.jit
def kernel(x, reverse):
    rmask = jnp.where(reverse, jnp.int32(-1), jnp.int32(0))
    rmask = jnp.broadcast_to(rmask, (16,))
    xtail = x[:, N - 64:].reshape(ROWS * 64)

    run = _make_kernel()
    vals, idx_bits, *_ = run(x, xtail, rmask)

    idx = lax.bitcast_convert_type(idx_bits[:, :N], jnp.int32)
    return vals[:, :N], idx.astype(jnp.int64)

# --- scband reference (transcript-rebuilt; emitter-appended) ---
"""Pipeline reference for scband-torch-ops-aten-sort-str-module-53987738911100 (READ-ONLY COPY).

The authoritative reference and input builder live on the scoring server;
editing this copy changes nothing except your own understanding.
"""

import jax, jax.numpy as jnp
import numpy as np


def setup_inputs(seed: int = 0) -> dict:
    key = jax.random.key(seed)
    x = jax.random.normal(key, (16, 1000000), dtype=jnp.float32)
    return {"x": x, "reverse": True}


def reference(x, reverse):
    # torch.ops.aten.sort with descending=reverse -> (values, indices)
    sort_key = jnp.where(reverse, -x, x)
    idx = jnp.argsort(sort_key, axis=-1)
    values = jnp.take_along_axis(x, idx, axis=-1)
    return values, idx.astype(jnp.int64)

if __name__ == "__main__":
    import jax
    _d = setup_inputs()
    print(jax.jit(kernel)(*tuple(_d.values())))

</pallas_src>

<mosaic_0001>
#map = affine_map<(d0, d1) -> (0, 0)>
#map1 = affine_map<(d0, d1) -> (0)>
module attributes {stable_mosaic.version = 14 : i64} {
  func.func @radix_sort_fused(%arg0: i32, %arg1: i32, %arg2: memref<16x1000000xf32, #tpu.memory_space<hbm>>, %arg3: memref<1024xf32, #tpu.memory_space<hbm>>, %arg4: memref<16xi32, #tpu.memory_space<hbm>>, %arg5: memref<16x1000064xf32, #tpu.memory_space<hbm>>, %arg6: memref<16x1000064xf32, #tpu.memory_space<hbm>>, %arg7: memref<16777216xf32, #tpu.memory_space<hbm>>, %arg8: memref<16777216xf32, #tpu.memory_space<hbm>>, %arg9: memref<16777216xf32, #tpu.memory_space<hbm>>, %arg10: memref<16777216xf32, #tpu.memory_space<hbm>>, %arg11: memref<2097152xi32, #tpu.memory_space<hbm>>, %arg12: memref<16384xf32, #tpu.memory_space<vmem>>, %arg13: memref<16384xi32, #tpu.memory_space<vmem>>, %arg14: memref<4096xi32, #tpu.memory_space<vmem>>, %arg15: memref<256xi32, #tpu.memory_space<vmem>>, %arg16: memref<256xi32, #tpu.memory_space<vmem>>, %arg17: memref<16x256xi32, #tpu.memory_space<vmem>>, %arg18: memref<256xi32, #tpu.memory_space<vmem>>, %arg19: memref<16xi32, #tpu.memory_space<vmem>>, %arg20: memref<16x256xi32, #tpu.memory_space<vmem_shared>>, %arg21: memref<1000064xf32, #tpu.memory_space<vmem_shared>>) attributes {dimension_semantics = [#tpu.dimension_semantics<core_parallel>, #tpu.dimension_semantics<subcore_parallel>], iteration_bounds = array<i64: 2, 16>, scalar_prefetch = 0 : i64, scratch_operands = 10 : i64, tpu.core_type = #tpu.core_type<sc_vector_subcore>, window_params = [{transform_indices = #map}, {transform_indices = #map1}, {transform_indices = #map1}, {transform_indices = #map}, {transform_indices = #map}, {transform_indices = #map1}, {transform_indices = #map1}, {transform_indices = #map1}, {transform_indices = #map1}, {transform_indices = #map1}]} {
    %iota3A = tpu.iota {dimensions = array<i32: 0>} : vector<16xi32>
    %broadcast_in_dim3A = arith.constant 1 : i32
    %broadcast_in_dim3A_0 = vector.broadcast %broadcast_in_dim3A : i32 to vector<16xi32>
    "tpu.region"() ({
      %run_scoped3A = tpu.sem_alloc : memref<!tpu.dma_semaphore, #tpu.memory_space<semaphore_mem>>
      tpu.enqueue_dma source(%arg4 : memref<16xi32, #tpu.memory_space<hbm>>) target(%arg19 : memref<16xi32, #tpu.memory_space<vmem>>) target_semaphore(%run_scoped3A : memref<!tpu.dma_semaphore, #tpu.memory_space<semaphore_mem>>)
      tpu.wait_dma2 semaphore(%run_scoped3A : memref<!tpu.dma_semaphore, #tpu.memory_space<semaphore_mem>>) src(%arg4 : memref<16xi32, #tpu.memory_space<hbm>>) dst(%arg19 : memref<16xi32, #tpu.memory_space<vmem>>)
      tpu.yield
    }) : () -> ()
    %get3A = arith.constant 0 : index
    %get3A_1 = tpu.vector_load %arg19[%get3A] {strides = array<i32>} : memref<16xi32, #tpu.memory_space<vmem>>, vector<16xi32>,
    %lt3A = arith.constant 0 : i32
    %lt3A_2 = vector.broadcast %lt3A : i32 to vector<16xi32>
    %lt3A_3 = arith.cmpi slt, %get3A_1, %lt3A_2 : vector<16xi32>
    %broadcast_in_dim3A_4 = arith.constant -1 : i32
    %broadcast_in_dim3A_5 = vector.broadcast %broadcast_in_dim3A_4 : i32 to vector<16xi32>
    %broadcast_in_dim3A_6 = arith.constant 2147483647 : i32
    %broadcast_in_dim3A_7 = vector.broadcast %broadcast_in_dim3A_6 : i32 to vector<16xi32>
    %select_n3A = arith.select %lt3A_3, %broadcast_in_dim3A_5, %broadcast_in_dim3A_7 : vector<16xi1>, vector<16xi32>
    %bitcast3A = vector.bitcast %select_n3A : vector<16xi32> to vector<16xf32>
    %broadcast_in_dim3A_8 = arith.constant -1 : i32
    %broadcast_in_dim3A_9 = vector.broadcast %broadcast_in_dim3A_8 : i32 to vector<16xi32>
    %bitcast3A_10 = vector.bitcast %broadcast_in_dim3A_9 : vector<16xi32> to vector<16xf32>
    %scan3A = arith.constant 0 : i32
    %scan3A_11 = arith.constant 0 : i32
    %scan3A_12 = arith.constant 8 : i32
    %scan3A_13 = arith.addi %scan3A_11, %scan3A_12 : i32
    %scan3A_14 = arith.constant 1 : i32
    %scan3A_15 = scf.for %scan3A_38 = %scan3A_11 to %scan3A_13 step %scan3A_14 iter_args(%scan3A_39 = %scan3A) -> (i32)  : i32 {
      %mul3A = arith.constant 8 : i32
      %mul3A_40 = arith.muli %arg0, %mul3A : i32
      %add3A = arith.addi %mul3A_40, %scan3A_38 : i32
      %scan3A_41 = arith.constant 0 : i32
      %scan3A_42 = arith.constant 0 : i32
      %scan3A_43 = arith.constant 256 : i32
      %scan3A_44 = arith.addi %scan3A_42, %scan3A_43 : i32
      %scan3A_45 = arith.constant 1 : i32
      %scan3A_46 = scf.for %scan3A_116 = %scan3A_42 to %scan3A_44 step %scan3A_45 iter_args(%scan3A_117 = %scan3A_41) -> (i32)  : i32 {
        %broadcast_in_dim3A_118 = arith.constant 0 : i32
        %broadcast_in_dim3A_119 = vector.broadcast %broadcast_in_dim3A_118 : i32 to vector<16xi32>
        %mul3A_120 = arith.constant 16 : i32
        %mul3A_121 = arith.muli %scan3A_116, %mul3A_120 : i32
        %swap3A = arith.index_cast %mul3A_121 : i32 to index
        %swap3A_122 = tpu.vector_load %arg14[%swap3A] {strides = array<i32>} : memref<4096xi32, #tpu.memory_space<vmem>>, vector<16xi32>,
        tpu.vector_store %arg14[%swap3A], %broadcast_in_dim3A_119 {strides = array<i32>} : memref<4096xi32, #tpu.memory_space<vmem>>, vector<16xi32>,
        %scan3A_123 = arith.constant 0 : i32
        scf.yield %scan3A_123 : i32
      }
      %scan3A_47 = arith.constant 256 : i32
      %scan3A_48 = arith.constant 0 : i32
      %scan3A_49 = arith.constant 0 : i32
      %scan3A_50 = arith.constant 4 : i32
      %scan3A_51 = arith.addi %scan3A_49, %scan3A_50 : i32
      %scan3A_52 = arith.constant 1 : i32
      %scan3A_53 = scf.for %scan3A_116 = %scan3A_49 to %scan3A_51 step %scan3A_52 iter_args(%scan3A_117 = %scan3A_48) -> (i32)  : i32 {
        %mul3A_118 = arith.constant 1000000 : i32
        %mul3A_119 = arith.muli %add3A, %mul3A_118 : i32
        %mul3A_120 = arith.constant 65536 : i32
        %mul3A_121 = arith.muli %arg1, %mul3A_120 : i32
        %add3A_122 = arith.addi %mul3A_119, %mul3A_121 : i32
        %mul3A_123 = arith.constant 16384 : i32
        %mul3A_124 = arith.muli %scan3A_116, %mul3A_123 : i32
        %add3A_125 = arith.addi %add3A_122, %mul3A_124 : i32
        %lt3A_126 = arith.constant 15 : i32
        %lt3A_127 = arith.cmpi slt, %arg1, %lt3A_126 : i32
        %eq3A = arith.constant 0 : i32
        %eq3A_128 = arith.cmpi eq, %scan3A_116, %eq3A : i32
        %or3A = arith.ori %lt3A_127, %eq3A_128 : i1
        %convert_element_type3A = arith.extui %or3A : i1 to i32
        %cond3A = arith.constant 0 : i32
        %cond3A_129 = arith.cmpi ne, %convert_element_type3A, %cond3A : i32
        scf.if %cond3A_129 {
          %mul3A_144 = arith.constant 65536 : i32
          %mul3A_145 = arith.muli %arg1, %mul3A_144 : i32
          %mul3A_146 = arith.constant 16384 : i32
          %mul3A_147 = arith.muli %scan3A_116, %mul3A_146 : i32
          %add3A_148 = arith.addi %mul3A_145, %mul3A_147 : i32
          "tpu.region"() ({
            %run_scoped3A = tpu.sem_alloc : memref<!tpu.dma_semaphore, #tpu.memory_space<semaphore_mem>>
            %dma_start3A = tpu.memref_slice %arg2[%add3A, %add3A_148] : memref<16x1000000xf32, #tpu.memory_space<hbm>> -> memref<1x16384xf32, #tpu.memory_space<hbm>>
            %dma_start3A_149 = tpu.memref_squeeze %dma_start3A : memref<1x16384xf32, #tpu.memory_space<hbm>> -> memref<16384xf32, #tpu.memory_space<hbm>>
            %dma_start3A_150 = tpu.memref_slice %arg2[%add3A, %add3A_148] : memref<16x1000000xf32, #tpu.memory_space<hbm>> -> memref<1x16384xf32, #tpu.memory_space<hbm>>
            %dma_start3A_151 = tpu.memref_squeeze %dma_start3A_150 : memref<1x16384xf32, #tpu.memory_space<hbm>> -> memref<16384xf32, #tpu.memory_space<hbm>>
            tpu.enqueue_dma source(%dma_start3A_151 : memref<16384xf32, #tpu.memory_space<hbm>>) target(%arg12 : memref<16384xf32, #tpu.memory_space<vmem>>) target_semaphore(%run_scoped3A : memref<!tpu.dma_semaphore, #tpu.memory_space<semaphore_mem>>)
            %dma_wait3A = tpu.memref_slice %arg2[%add3A, %add3A_148] : memref<16x1000000xf32, #tpu.memory_space<hbm>> -> memref<1x16384xf32, #tpu.memory_space<hbm>>
            %dma_wait3A_152 = tpu.memref_squeeze %dma_wait3A : memref<1x16384xf32, #tpu.memory_space<hbm>> -> memref<16384xf32, #tpu.memory_space<hbm>>
            %dma_wait3A_153 = tpu.memref_slice %arg2[%add3A, %add3A_148] : memref<16x1000000xf32, #tpu.memory_space<hbm>> -> memref<1x16384xf32, #tpu.memory_space<hbm>>
            %dma_wait3A_154 = tpu.memref_squeeze %dma_wait3A_153 : memref<1x16384xf32, #tpu.memory_space<hbm>> -> memref<16384xf32, #tpu.memory_space<hbm>>
            tpu.wait_dma2 semaphore(%run_scoped3A : memref<!tpu.dma_semaphore, #tpu.memory_space<semaphore_mem>>) src(%dma_wait3A_154 : memref<16384xf32, #tpu.memory_space<hbm>>) dst(%arg12 : memref<16384xf32, #tpu.memory_space<vmem>>)
            tpu.yield
          }) : () -> ()
        } else {
        }
        %eq3A_130 = arith.constant 15 : i32
        %eq3A_131 = arith.cmpi eq, %arg1, %eq3A_130 : i32
        %gt3A = arith.constant 0 : i32
        %gt3A_132 = arith.cmpi sgt, %scan3A_116, %gt3A : i32
        %and3A = arith.andi %eq3A_131, %gt3A_132 : i1
        %convert_element_type3A_133 = arith.extui %and3A : i1 to i32
        %cond3A_134 = arith.constant 0 : i32
        %cond3A_135 = arith.cmpi ne, %convert_element_type3A_133, %cond3A_134 : i32
        scf.if %cond3A_135 {
          %scan3A_144 = arith.constant 0 : i32
          %scan3A_145 = arith.constant 0 : i32
          %scan3A_146 = arith.constant 1024 : i32
          %scan3A_147 = arith.addi %scan3A_145, %scan3A_146 : i32
          %scan3A_148 = arith.constant 1 : i32
          %scan3A_149 = scf.for %scan3A_156 = %scan3A_145 to %scan3A_147 step %scan3A_148 iter_args(%scan3A_157 = %scan3A_144) -> (i32)  : i32 {
            %mul3A_158 = arith.constant 16 : i32
            %mul3A_159 = arith.muli %scan3A_156, %mul3A_158 : i32
            %swap3A = arith.index_cast %mul3A_159 : i32 to index
            %swap3A_160 = tpu.vector_load %arg12[%swap3A] {strides = array<i32>} : memref<16384xf32, #tpu.memory_space<vmem>>, vector<16xf32>,
            tpu.vector_store %arg12[%swap3A], %bitcast3A {strides = array<i32>} : memref<16384xf32, #tpu.memory_space<vmem>>, vector<16xf32>,
            %scan3A_161 = arith.constant 0 : i32
            scf.yield %scan3A_161 : i32
          }
          %scan3A_150 = arith.constant 1024 : i32
          %eq3A_151 = arith.constant 1 : i32
          %eq3A_152 = arith.cmpi eq, %scan3A_116, %eq3A_151 : i32
          %convert_element_type3A_153 = arith.extui %eq3A_152 : i1 to i32
          %cond3A_154 = arith.constant 0 : i32
          %cond3A_155 = arith.cmpi ne, %convert_element_type3A_153, %cond3A_154 : i32
          scf.if %cond3A_155 {
            "tpu.region"() ({
              %run_scoped3A = tpu.sem_alloc : memref<!tpu.dma_semaphore, #tpu.memory_space<semaphore_mem>>
              %dma_start3A = arith.constant 0 : i32
              %dma_start3A_158 = tpu.memref_slice %arg12[%dma_start3A] : memref<16384xf32, #tpu.memory_space<vmem>> -> memref<512xf32, #tpu.memory_space<vmem>>
              %dma_start3A_159 = arith.constant 999424 : i32
              %dma_start3A_160 = tpu.memref_slice %arg2[%add3A, %dma_start3A_159] : memref<16x1000000xf32, #tpu.memory_space<hbm>> -> memref<1x512xf32, #tpu.memory_space<hbm>>
              %dma_start3A_161 = tpu.memref_squeeze %dma_start3A_160 : memref<1x512xf32, #tpu.memory_space<hbm>> -> memref<512xf32, #tpu.memory_space<hbm>>
              %dma_start3A_162 = arith.constant 0 : i32
              %dma_start3A_163 = tpu.memref_slice %arg12[%dma_start3A_162] : memref<16384xf32, #tpu.memory_space<vmem>> -> memref<512xf32, #tpu.memory_space<vmem>>
              %dma_start3A_164 = arith.constant 999424 : i32
              %dma_start3A_165 = tpu.memref_slice %arg2[%add3A, %dma_start3A_164] : memref<16x1000000xf32, #tpu.memory_space<hbm>> -> memref<1x512xf32, #tpu.memory_space<hbm>>
              %dma_start3A_166 = tpu.memref_squeeze %dma_start3A_165 : memref<1x512xf32, #tpu.memory_space<hbm>> -> memref<512xf32, #tpu.memory_space<hbm>>
              tpu.enqueue_dma source(%dma_start3A_166 : memref<512xf32, #tpu.memory_space<hbm>>) target(%dma_start3A_163 : memref<512xf32, #tpu.memory_space<vmem>>) target_semaphore(%run_scoped3A : memref<!tpu.dma_semaphore, #tpu.memory_space<semaphore_mem>>)
              %dma_wait3A = arith.constant 0 : i32
              %dma_wait3A_167 = tpu.memref_slice %arg12[%dma_wait3A] : memref<16384xf32, #tpu.memory_space<vmem>> -> memref<512xf32, #tpu.memory_space<vmem>>
              %dma_wait3A_168 = arith.constant 999424 : i32
              %dma_wait3A_169 = tpu.memref_slice %arg2[%add3A, %dma_wait3A_168] : memref<16x1000000xf32, #tpu.memory_space<hbm>> -> memref<1x512xf32, #tpu.memory_space<hbm>>
              %dma_wait3A_170 = tpu.memref_squeeze %dma_wait3A_169 : memref<1x512xf32, #tpu.memory_space<hbm>> -> memref<512xf32, #tpu.memory_space<hbm>>
              %dma_wait3A_171 = arith.constant 0 : i32
              %dma_wait3A_172 = tpu.memref_slice %arg12[%dma_wait3A_171] : memref<16384xf32, #tpu.memory_space<vmem>> -> memref<512xf32, #tpu.memory_space<vmem>>
              %dma_wait3A_173 = arith.constant 999424 : i32
              %dma_wait3A_174 = tpu.memref_slice %arg2[%add3A, %dma_wait3A_173] : memref<16x1000000xf32, #tpu.memory_space<hbm>> -> memref<1x512xf32, #tpu.memory_space<hbm>>
              %dma_wait3A_175 = tpu.memref_squeeze %dma_wait3A_174 : memref<1x512xf32, #tpu.memory_space<hbm>> -> memref<512xf32, #tpu.memory_space<hbm>>
              tpu.wait_dma2 semaphore(%run_scoped3A : memref<!tpu.dma_semaphore, #tpu.memory_space<semaphore_mem>>) src(%dma_wait3A_175 : memref<512xf32, #tpu.memory_space<hbm>>) dst(%dma_wait3A_172 : memref<512xf32, #tpu.memory_space<vmem>>)
              tpu.yield
            }) : () -> ()
            %mul3A_156 = arith.constant 64 : i32
            %mul3A_157 = arith.muli %add3A, %mul3A_156 : i32
            "tpu.region"() ({
              %run_scoped3A = tpu.sem_alloc : memref<!tpu.dma_semaphore, #tpu.memory_space<semaphore_mem>>
              %dma_start3A = arith.constant 512 : i32
              %dma_start3A_158 = tpu.memref_slice %arg12[%dma_start3A] : memref<16384xf32, #tpu.memory_space<vmem>> -> memref<64xf32, #tpu.memory_space<vmem>>
              %dma_start3A_159 = tpu.memref_slice %arg3[%mul3A_157] : memref<1024xf32, #tpu.memory_space<hbm>> -> memref<64xf32, #tpu.memory_space<hbm>>
              %dma_start3A_160 = arith.constant 512 : i32
              %dma_start3A_161 = tpu.memref_slice %arg12[%dma_start3A_160] : memref<16384xf32, #tpu.memory_space<vmem>> -> memref<64xf32, #tpu.memory_space<vmem>>
              %dma_start3A_162 = tpu.memref_slice %arg3[%mul3A_157] : memref<1024xf32, #tpu.memory_space<hbm>> -> memref<64xf32, #tpu.memory_space<hbm>>
              tpu.enqueue_dma source(%dma_start3A_162 : memref<64xf32, #tpu.memory_space<hbm>>) target(%dma_start3A_161 : memref<64xf32, #tpu.memory_space<vmem>>) target_semaphore(%run_scoped3A : memref<!tpu.dma_semaphore, #tpu.memory_space<semaphore_mem>>)
              %dma_wait3A = arith.constant 512 : i32
              %dma_wait3A_163 = tpu.memref_slice %arg12[%dma_wait3A] : memref<16384xf32, #tpu.memory_space<vmem>> -> memref<64xf32, #tpu.memory_space<vmem>>
              %dma_wait3A_164 = tpu.memref_slice %arg3[%mul3A_157] : memref<1024xf32, #tpu.memory_space<hbm>> -> memref<64xf32, #tpu.memory_space<hbm>>
              %dma_wait3A_165 = arith.constant 512 : i32
              %dma_wait3A_166 = tpu.memref_slice %arg12[%dma_wait3A_165] : memref<16384xf32, #tpu.memory_space<vmem>> -> memref<64xf32, #tpu.memory_space<vmem>>
              %dma_wait3A_167 = tpu.memref_slice %arg3[%mul3A_157] : memref<1024xf32, #tpu.memory_space<hbm>> -> memref<64xf32, #tpu.memory_space<hbm>>
              tpu.wait_dma2 semaphore(%run_scoped3A : memref<!tpu.dma_semaphore, #tpu.memory_space<semaphore_mem>>) src(%dma_wait3A_167 : memref<64xf32, #tpu.memory_space<hbm>>) dst(%dma_wait3A_166 : memref<64xf32, #tpu.memory_space<vmem>>)
              tpu.yield
            }) : () -> ()
          } else {
          }
        } else {
        }
        %scan3A_136 = arith.constant 0 : i32
        %scan3A_137 = arith.constant 0 : i32
        %scan3A_138 = arith.constant 1024 : i32
        %scan3A_139 = arith.addi %scan3A_137, %scan3A_138 : i32
        %scan3A_140 = arith.constant 1 : i32
        %scan3A_141 = scf.for %scan3A_144 = %scan3A_137 to %scan3A_139 step %scan3A_140 iter_args(%scan3A_145 = %scan3A_136) -> (i32)  : i32 {
          %mul3A_146 = arith.constant 16 : i32
          %mul3A_147 = arith.muli %scan3A_144, %mul3A_146 : i32
          %get3A_148 = arith.index_cast %mul3A_147 : i32 to index
          %get3A_149 = tpu.vector_load %arg12[%get3A_148] {strides = array<i32>} : memref<16384xf32, #tpu.memory_space<vmem>>, vector<16xf32>,
          %bitcast3A_150 = vector.bitcast %get3A_149 : vector<16xf32> to vector<16xi32>
          %shift_right_arithmetic3A = arith.constant 31 : i32
          %shift_right_arithmetic3A_151 = vector.broadcast %shift_right_arithmetic3A : i32 to vector<16xi32>
          %shift_right_arithmetic3A_152 = arith.shrsi %bitcast3A_150, %shift_right_arithmetic3A_151 : vector<16xi32>
          %or3A_153 = arith.constant -2147483648 : i32
          %or3A_154 = vector.broadcast %or3A_153 : i32 to vector<16xi32>
          %or3A_155 = arith.ori %shift_right_arithmetic3A_152, %or3A_154 : vector<16xi32>
          %xor3A = arith.xori %bitcast3A_150, %or3A_155 : vector<16xi32>
          %xor3A_156 = arith.xori %xor3A, %get3A_1 : vector<16xi32>
          %and3A_157 = arith.constant 255 : i32
          %and3A_158 = vector.broadcast %and3A_157 : i32 to vector<16xi32>
          %and3A_159 = arith.andi %xor3A_156, %and3A_158 : vector<16xi32>
          %mul3A_160 = arith.constant 16 : i32
          %mul3A_161 = vector.broadcast %mul3A_160 : i32 to vector<16xi32>
          %mul3A_162 = arith.muli %and3A_159, %mul3A_161 : vector<16xi32>
          %add3A_163 = arith.addi %mul3A_162, %iota3A : vector<16xi32>
          tpu.vector_store_idx %arg14[%add3A_163], %broadcast_in_dim3A_0 {add = true} : memref<4096xi32, #tpu.memory_space<vmem>>[vector<16xi32>], vector<16xi32>,
          %scan3A_164 = arith.constant 0 : i32
          scf.yield %scan3A_164 : i32
        }
        %scan3A_142 = arith.constant 1024 : i32
        %scan3A_143 = arith.constant 0 : i32
        scf.yield %scan3A_143 : i32
      }
      %scan3A_54 = arith.constant 4 : i32
      %scan3A_55 = arith.constant 0 : i32
      %scan3A_56 = arith.constant 0 : i32
      %scan3A_57 = arith.constant 256 : i32
      %scan3A_58 = arith.addi %scan3A_56, %scan3A_57 : i32
      %scan3A_59 = arith.constant 1 : i32
      %scan3A_60 = scf.for %scan3A_116 = %scan3A_56 to %scan3A_58 step %scan3A_59 iter_args(%scan3A_117 = %scan3A_55) -> (i32)  : i32 {
        %mul3A_118 = arith.constant 16 : i32
        %mul3A_119 = arith.muli %scan3A_116, %mul3A_118 : i32
        %get3A_120 = arith.index_cast %mul3A_119 : i32 to index
        %get3A_121 = tpu.vector_load %arg14[%get3A_120] {strides = array<i32>} : memref<4096xi32, #tpu.memory_space<vmem>>, vector<16xi32>,
        %broadcast_in_dim3A_122 = arith.constant true
        %broadcast_in_dim3A_123 = vector.broadcast %broadcast_in_dim3A_122 : i1 to vector<16xi1>
        %masked_cumsum3A = tpu.scan <sum>, %get3A_121 masked %broadcast_in_dim3A_123 : vector<16xi32>, vector<16xi1> -> vector<16xi32>
        %mul3A_124 = arith.constant 16 : i32
        %mul3A_125 = arith.muli %scan3A_116, %mul3A_124 : i32
        %swap3A = arith.index_cast %mul3A_125 : i32 to index
        %swap3A_126 = tpu.vector_load %arg14[%swap3A] {strides = array<i32>} : memref<4096xi32, #tpu.memory_space<vmem>>, vector<16xi32>,
        tpu.vector_store %arg14[%swap3A], %masked_cumsum3A {strides = array<i32>} : memref<4096xi32, #tpu.memory_space<vmem>>, vector<16xi32>,
        %scan3A_127 = arith.constant 0 : i32
        scf.yield %scan3A_127 : i32
      }
      %scan3A_61 = arith.constant 256 : i32
      %scan3A_62 = arith.constant 0 : i32
      %scan3A_63 = arith.constant 0 : i32
      %scan3A_64 = arith.constant 16 : i32
      %scan3A_65 = arith.addi %scan3A_63, %scan3A_64 : i32
      %scan3A_66 = arith.constant 1 : i32
      %scan3A_67 = scf.for %scan3A_116 = %scan3A_63 to %scan3A_65 step %scan3A_66 iter_args(%scan3A_117 = %scan3A_62) -> (i32)  : i32 {
        %mul3A_118 = arith.constant 16 : i32
        %mul3A_119 = arith.muli %scan3A_116, %mul3A_118 : i32
        %add3A_120 = vector.broadcast %mul3A_119 : i32 to vector<16xi32>
        %add3A_121 = arith.addi %add3A_120, %iota3A : vector<16xi32>
        %mul3A_122 = arith.constant 16 : i32
        %mul3A_123 = vector.broadcast %mul3A_122 : i32 to vector<16xi32>
        %mul3A_124 = arith.muli %add3A_121, %mul3A_123 : vector<16xi32>
        %add3A_125 = arith.constant 15 : i32
        %add3A_126 = vector.broadcast %add3A_125 : i32 to vector<16xi32>
        %add3A_127 = arith.addi %mul3A_124, %add3A_126 : vector<16xi32>
        %gather3A = tpu.vector_load_idx %arg14[%add3A_127] : memref<4096xi32, #tpu.memory_space<vmem>>[vector<16xi32>], vector<16xi32>,
        %mul3A_128 = arith.constant 16 : i32
        %mul3A_129 = arith.muli %scan3A_116, %mul3A_128 : i32
        %swap3A = arith.index_cast %mul3A_129 : i32 to index
        %swap3A_130 = tpu.vector_load %arg16[%swap3A] {strides = array<i32>} : memref<256xi32, #tpu.memory_space<vmem>>, vector<16xi32>,
        tpu.vector_store %arg16[%swap3A], %gather3A {strides = array<i32>} : memref<256xi32, #tpu.memory_space<vmem>>, vector<16xi32>,
        %scan3A_131 = arith.constant 0 : i32
        scf.yield %scan3A_131 : i32
      }
      %scan3A_68 = arith.constant 16 : i32
      "tpu.region"() ({
        %run_scoped3A = tpu.sem_alloc : memref<!tpu.dma_semaphore, #tpu.memory_space<semaphore_mem>>
        %dma_start3A = arith.constant 0 : i32
        %dma_start3A_116 = tpu.memref_slice %arg20[%arg1, %dma_start3A] : memref<16x256xi32, #tpu.memory_space<vmem_shared>> -> memref<1x256xi32, #tpu.memory_space<vmem_shared>>
        %dma_start3A_117 = tpu.memref_squeeze %dma_start3A_116 : memref<1x256xi32, #tpu.memory_space<vmem_shared>> -> memref<256xi32, #tpu.memory_space<vmem_shared>>
        %dma_start3A_118 = arith.constant 0 : i32
        %dma_start3A_119 = tpu.memref_slice %arg20[%arg1, %dma_start3A_118] : memref<16x256xi32, #tpu.memory_space<vmem_shared>> -> memref<1x256xi32, #tpu.memory_space<vmem_shared>>
        %dma_start3A_120 = tpu.memref_squeeze %dma_start3A_119 : memref<1x256xi32, #tpu.memory_space<vmem_shared>> -> memref<256xi32, #tpu.memory_space<vmem_shared>>
        tpu.enqueue_dma source(%arg16 : memref<256xi32, #tpu.memory_space<vmem>>) target(%dma_start3A_120 : memref<256xi32, #tpu.memory_space<vmem_shared>>) target_semaphore(%run_scoped3A : memref<!tpu.dma_semaphore, #tpu.memory_space<semaphore_mem>>)
        %dma_wait3A = arith.constant 0 : i32
        %dma_wait3A_121 = tpu.memref_slice %arg20[%arg1, %dma_wait3A] : memref<16x256xi32, #tpu.memory_space<vmem_shared>> -> memref<1x256xi32, #tpu.memory_space<vmem_shared>>
        %dma_wait3A_122 = tpu.memref_squeeze %dma_wait3A_121 : memref<1x256xi32, #tpu.memory_space<vmem_shared>> -> memref<256xi32, #tpu.memory_space<vmem_shared>>
        %dma_wait3A_123 = arith.constant 0 : i32
        %dma_wait3A_124 = tpu.memref_slice %arg20[%arg1, %dma_wait3A_123] : memref<16x256xi32, #tpu.memory_space<vmem_shared>> -> memref<1x256xi32, #tpu.memory_space<vmem_shared>>
        %dma_wait3A_125 = tpu.memref_squeeze %dma_wait3A_124 : memref<1x256xi32, #tpu.memory_space<vmem_shared>> -> memref<256xi32, #tpu.memory_space<vmem_shared>>
        tpu.wait_dma2 semaphore(%run_scoped3A : memref<!tpu.dma_semaphore, #tpu.memory_space<semaphore_mem>>) src(%arg16 : memref<256xi32, #tpu.memory_space<vmem>>) dst(%dma_wait3A_125 : memref<256xi32, #tpu.memory_space<vmem_shared>>)
        tpu.yield
      }) : () -> ()
      %barrier3A = arith.constant 0 : index
      tpu.barrier barrier_id(%barrier3A)
      "tpu.region"() ({
        %run_scoped3A = tpu.sem_alloc : memref<!tpu.dma_semaphore, #tpu.memory_space<semaphore_mem>>
        tpu.enqueue_dma source(%arg20 : memref<16x256xi32, #tpu.memory_space<vmem_shared>>) target(%arg17 : memref<16x256xi32, #tpu.memory_space<vmem>>) target_semaphore(%run_scoped3A : memref<!tpu.dma_semaphore, #tpu.memory_space<semaphore_mem>>)
        tpu.wait_dma2 semaphore(%run_scoped3A : memref<!tpu.dma_semaphore, #tpu.memory_space<semaphore_mem>>) src(%arg20 : memref<16x256xi32, #tpu.memory_space<vmem_shared>>) dst(%arg17 : memref<16x256xi32, #tpu.memory_space<vmem>>)
        tpu.yield
      }) : () -> ()
      %scan3A_69 = arith.constant 0 : i32
      %scan3A_70 = arith.constant 0 : i32
      %scan3A_71 = arith.constant 16 : i32
      %scan3A_72 = arith.addi %scan3A_70, %scan3A_71 : i32
      %scan3A_73 = arith.constant 1 : i32
      %scan3A_74 = scf.for %scan3A_116 = %scan3A_70 to %scan3A_72 step %scan3A_73 iter_args(%scan3A_117 = %scan3A_69) -> (i32)  : i32 {
        %broadcast_in_dim3A_118 = arith.constant 0 : i32
        %broadcast_in_dim3A_119 = vector.broadcast %broadcast_in_dim3A_118 : i32 to vector<16xi32>
        %broadcast_in_dim3A_120 = arith.constant 0 : i32
        %broadcast_in_dim3A_121 = vector.broadcast %broadcast_in_dim3A_120 : i32 to vector<16xi32>
        %scan3A_122 = arith.constant 0 : i32
        %scan3A_123 = arith.constant 16 : i32
        %scan3A_124 = arith.addi %scan3A_122, %scan3A_123 : i32
        %scan3A_125 = arith.constant 1 : i32
        %scan3A_126:2 = scf.for %scan3A_136 = %scan3A_122 to %scan3A_124 step %scan3A_125 iter_args(%scan3A_137 = %broadcast_in_dim3A_119, %scan3A_138 = %broadcast_in_dim3A_121) -> (vector<16xi32>, vector<16xi32>)  : i32 {
          %mul3A_139 = arith.constant 16 : i32
          %mul3A_140 = arith.muli %scan3A_116, %mul3A_139 : i32
          %get3A_141 = arith.index_cast %scan3A_136 : i32 to index
          %get3A_142 = arith.index_cast %mul3A_140 : i32 to index
          %get3A_143 = tpu.vector_load %arg17[%get3A_141, %get3A_142] {strides = array<i32>} : memref<16x256xi32, #tpu.memory_space<vmem>>, vector<16xi32>,
          %add3A_144 = arith.addi %scan3A_137, %get3A_143 : vector<16xi32>
          %lt3A_145 = arith.cmpi slt, %scan3A_136, %arg1 : i32
          %jit3A = arith.constant 0 : i32
          %broadcast_in_dim3A_146 = vector.broadcast %jit3A : i32 to vector<16xi32>
          %select_n3A_147 = arith.select %lt3A_145, %get3A_143, %broadcast_in_dim3A_146 : vector<16xi32>
          %add3A_148 = arith.addi %scan3A_138, %select_n3A_147 : vector<16xi32>
          scf.yield %add3A_144, %add3A_148 : vector<16xi32>, vector<16xi32>
        }
        %scan3A_127 = arith.constant 16 : i32
        %mul3A_128 = arith.constant 16 : i32
        %mul3A_129 = arith.muli %scan3A_116, %mul3A_128 : i32
        %swap3A = arith.index_cast %mul3A_129 : i32 to index
        %swap3A_130 = tpu.vector_load %arg18[%swap3A] {strides = array<i32>} : memref<256xi32, #tpu.memory_space<vmem>>, vector<16xi32>,
        tpu.vector_store %arg18[%swap3A], %scan3A_126#0 {strides = array<i32>} : memref<256xi32, #tpu.memory_space<vmem>>, vector<16xi32>,
        %mul3A_131 = arith.constant 16 : i32
        %mul3A_132 = arith.muli %scan3A_116, %mul3A_131 : i32
        %swap3A_133 = arith.index_cast %mul3A_132 : i32 to index
        %swap3A_134 = tpu.vector_load %arg15[%swap3A_133] {strides = array<i32>} : memref<256xi32, #tpu.memory_space<vmem>>, vector<16xi32>,
        tpu.vector_store %arg15[%swap3A_133], %scan3A_126#1 {strides = array<i32>} : memref<256xi32, #tpu.memory_space<vmem>>, vector<16xi32>,
        %scan3A_135 = arith.constant 0 : i32
        scf.yield %scan3A_135 : i32
      }
      %scan3A_75 = arith.constant 16 : i32
      %scan3A_76 = arith.constant 0 : i32
      %scan3A_77 = arith.constant 0 : i32
      %scan3A_78 = arith.constant 16 : i32
      %scan3A_79 = arith.addi %scan3A_77, %scan3A_78 : i32
      %scan3A_80 = arith.constant 1 : i32
      %scan3A_81 = scf.for %scan3A_116 = %scan3A_77 to %scan3A_79 step %scan3A_80 iter_args(%scan3A_117 = %scan3A_76) -> (i32)  : i32 {
        %mul3A_118 = arith.constant 16 : i32
        %mul3A_119 = arith.muli %scan3A_116, %mul3A_118 : i32
        %get3A_120 = arith.index_cast %mul3A_119 : i32 to index
        %get3A_121 = tpu.vector_load %arg18[%get3A_120] {strides = array<i32>} : memref<256xi32, #tpu.memory_space<vmem>>, vector<16xi32>,
        %broadcast_in_dim3A_122 = arith.constant true
        %broadcast_in_dim3A_123 = vector.broadcast %broadcast_in_dim3A_122 : i1 to vector<16xi1>
        %masked_cumsum3A = tpu.scan <sum>, %get3A_121 masked %broadcast_in_dim3A_123 : vector<16xi32>, vector<16xi1> -> vector<16xi32>
        %sub3A = arith.subi %masked_cumsum3A, %get3A_121 : vector<16xi32>
        %add3A_124 = vector.broadcast %scan3A_117 : i32 to vector<16xi32>
        %add3A_125 = arith.addi %sub3A, %add3A_124 : vector<16xi32>
        %mul3A_126 = arith.constant 16 : i32
        %mul3A_127 = arith.muli %scan3A_116, %mul3A_126 : i32
        %get3A_128 = arith.index_cast %mul3A_127 : i32 to index
        %get3A_129 = tpu.vector_load %arg15[%get3A_128] {strides = array<i32>} : memref<256xi32, #tpu.memory_space<vmem>>, vector<16xi32>,
        %add3A_130 = arith.addi %add3A_125, %get3A_129 : vector<16xi32>
        %mul3A_131 = arith.constant 16 : i32
        %mul3A_132 = arith.muli %scan3A_116, %mul3A_131 : i32
        %swap3A = arith.index_cast %mul3A_132 : i32 to index
        %swap3A_133 = tpu.vector_load %arg15[%swap3A] {strides = array<i32>} : memref<256xi32, #tpu.memory_space<vmem>>, vector<16xi32>,
        tpu.vector_store %arg15[%swap3A], %add3A_130 {strides = array<i32>} : memref<256xi32, #tpu.memory_space<vmem>>, vector<16xi32>,
        %reduce_sum3A = arith.constant true
        %reduce_sum3A_134 = vector.broadcast %reduce_sum3A : i1 to vector<16xi1>
        %reduce_sum3A_135 = tpu.scan <sum>, %get3A_121 masked %reduce_sum3A_134 : vector<16xi32>, vector<16xi1> -> vector<16xi32>
        %reduce_sum3A_136 = vector.extract %reduce_sum3A_135[15] : i32 from vector<16xi32>
        %add3A_137 = arith.addi %scan3A_117, %reduce_sum3A_136 : i32
        scf.yield %add3A_137 : i32
      }
      %scan3A_82 = arith.constant 16 : i32
      %scan3A_83 = arith.constant 0 : i32
      %scan3A_84 = arith.constant 0 : i32
      %scan3A_85 = arith.constant 4 : i32
      %scan3A_86 = arith.addi %scan3A_84, %scan3A_85 : i32
      %scan3A_87 = arith.constant 1 : i32
      %scan3A_88 = scf.for %scan3A_116 = %scan3A_84 to %scan3A_86 step %scan3A_87 iter_args(%scan3A_117 = %scan3A_83) -> (i32)  : i32 {
        %mul3A_118 = arith.constant 1000000 : i32
        %mul3A_119 = arith.muli %add3A, %mul3A_118 : i32
        %mul3A_120 = arith.constant 65536 : i32
        %mul3A_121 = arith.muli %arg1, %mul3A_120 : i32
        %add3A_122 = arith.addi %mul3A_119, %mul3A_121 : i32
        %mul3A_123 = arith.constant 16384 : i32
        %mul3A_124 = arith.muli %scan3A_116, %mul3A_123 : i32
        %add3A_125 = arith.addi %add3A_122, %mul3A_124 : i32
        %lt3A_126 = arith.constant 15 : i32
        %lt3A_127 = arith.cmpi slt, %arg1, %lt3A_126 : i32
        %eq3A = arith.constant 0 : i32
        %eq3A_128 = arith.cmpi eq, %scan3A_116, %eq3A : i32
        %or3A = arith.ori %lt3A_127, %eq3A_128 : i1
        %convert_element_type3A = arith.extui %or3A : i1 to i32
        %cond3A = arith.constant 0 : i32
        %cond3A_129 = arith.cmpi ne, %convert_element_type3A, %cond3A : i32
        scf.if %cond3A_129 {
          %mul3A_152 = arith.constant 65536 : i32
          %mul3A_153 = arith.muli %arg1, %mul3A_152 : i32
          %mul3A_154 = arith.constant 16384 : i32
          %mul3A_155 = arith.muli %scan3A_116, %mul3A_154 : i32
          %add3A_156 = arith.addi %mul3A_153, %mul3A_155 : i32
          "tpu.region"() ({
            %run_scoped3A = tpu.sem_alloc : memref<!tpu.dma_semaphore, #tpu.memory_space<semaphore_mem>>
            %dma_start3A = tpu.memref_slice %arg2[%add3A, %add3A_156] : memref<16x1000000xf32, #tpu.memory_space<hbm>> -> memref<1x16384xf32, #tpu.memory_space<hbm>>
            %dma_start3A_157 = tpu.memref_squeeze %dma_start3A : memref<1x16384xf32, #tpu.memory_space<hbm>> -> memref<16384xf32, #tpu.memory_space<hbm>>
            %dma_start3A_158 = tpu.memref_slice %arg2[%add3A, %add3A_156] : memref<16x1000000xf32, #tpu.memory_space<hbm>> -> memref<1x16384xf32, #tpu.memory_space<hbm>>
            %dma_start3A_159 = tpu.memref_squeeze %dma_start3A_158 : memref<1x16384xf32, #tpu.memory_space<hbm>> -> memref<16384xf32, #tpu.memory_space<hbm>>
            tpu.enqueue_dma source(%dma_start3A_159 : memref<16384xf32, #tpu.memory_space<hbm>>) target(%arg12 : memref<16384xf32, #tpu.memory_space<vmem>>) target_semaphore(%run_scoped3A : memref<!tpu.dma_semaphore, #tpu.memory_space<semaphore_mem>>)
            %dma_wait3A = tpu.memref_slice %arg2[%add3A, %add3A_156] : memref<16x1000000xf32, #tpu.memory_space<hbm>> -> memref<1x16384xf32, #tpu.memory_space<hbm>>
            %dma_wait3A_160 = tpu.memref_squeeze %dma_wait3A : memref<1x16384xf32, #tpu.memory_space<hbm>> -> memref<16384xf32, #tpu.memory_space<hbm>>
            %dma_wait3A_161 = tpu.memref_slice %arg2[%add3A, %add3A_156] : memref<16x1000000xf32, #tpu.memory_space<hbm>> -> memref<1x16384xf32, #tpu.memory_space<hbm>>
            %dma_wait3A_162 = tpu.memref_squeeze %dma_wait3A_161 : memref<1x16384xf32, #tpu.memory_space<hbm>> -> memref<16384xf32, #tpu.memory_space<hbm>>
            tpu.wait_dma2 semaphore(%run_scoped3A : memref<!tpu.dma_semaphore, #tpu.memory_space<semaphore_mem>>) src(%dma_wait3A_162 : memref<16384xf32, #tpu.memory_space<hbm>>) dst(%arg12 : memref<16384xf32, #tpu.memory_space<vmem>>)
            tpu.yield
          }) : () -> ()
        } else {
        }
        %eq3A_130 = arith.constant 15 : i32
        %eq3A_131 = arith.cmpi eq, %arg1, %eq3A_130 : i32
        %gt3A = arith.constant 0 : i32
        %gt3A_132 = arith.cmpi sgt, %scan3A_116, %gt3A : i32
        %and3A = arith.andi %eq3A_131, %gt3A_132 : i1
        %convert_element_type3A_133 = arith.extui %and3A : i1 to i32
        %cond3A_134 = arith.constant 0 : i32
        %cond3A_135 = arith.cmpi ne, %convert_element_type3A_133, %cond3A_134 : i32
        scf.if %cond3A_135 {
          %scan3A_152 = arith.constant 0 : i32
          %scan3A_153 = arith.constant 0 : i32
          %scan3A_154 = arith.constant 1024 : i32
          %scan3A_155 = arith.addi %scan3A_153, %scan3A_154 : i32
          %scan3A_156 = arith.constant 1 : i32
          %scan3A_157 = scf.for %scan3A_164 = %scan3A_153 to %scan3A_155 step %scan3A_156 iter_args(%scan3A_165 = %scan3A_152) -> (i32)  : i32 {
            %mul3A_166 = arith.constant 16 : i32
            %mul3A_167 = arith.muli %scan3A_164, %mul3A_166 : i32
            %swap3A = arith.index_cast %mul3A_167 : i32 to index
            %swap3A_168 = tpu.vector_load %arg12[%swap3A] {strides = array<i32>} : memref<16384xf32, #tpu.memory_space<vmem>>, vector<16xf32>,
            tpu.vector_store %arg12[%swap3A], %bitcast3A {strides = array<i32>} : memref<16384xf32, #tpu.memory_space<vmem>>, vector<16xf32>,
            %scan3A_169 = arith.constant 0 : i32
            scf.yield %scan3A_169 : i32
          }
          %scan3A_158 = arith.constant 1024 : i32
          %eq3A_159 = arith.constant 1 : i32
          %eq3A_160 = arith.cmpi eq, %scan3A_116, %eq3A_159 : i32
          %convert_element_type3A_161 = arith.extui %eq3A_160 : i1 to i32
          %cond3A_162 = arith.constant 0 : i32
          %cond3A_163 = arith.cmpi ne, %convert_element_type3A_161, %cond3A_162 : i32
          scf.if %cond3A_163 {
            "tpu.region"() ({
              %run_scoped3A = tpu.sem_alloc : memref<!tpu.dma_semaphore, #tpu.memory_space<semaphore_mem>>
              %dma_start3A = arith.constant 0 : i32
              %dma_start3A_166 = tpu.memref_slice %arg12[%dma_start3A] : memref<16384xf32, #tpu.memory_space<vmem>> -> memref<512xf32, #tpu.memory_space<vmem>>
              %dma_start3A_167 = arith.constant 999424 : i32
              %dma_start3A_168 = tpu.memref_slice %arg2[%add3A, %dma_start3A_167] : memref<16x1000000xf32, #tpu.memory_space<hbm>> -> memref<1x512xf32, #tpu.memory_space<hbm>>
              %dma_start3A_169 = tpu.memref_squeeze %dma_start3A_168 : memref<1x512xf32, #tpu.memory_space<hbm>> -> memref<512xf32, #tpu.memory_space<hbm>>
              %dma_start3A_170 = arith.constant 0 : i32
              %dma_start3A_171 = tpu.memref_slice %arg12[%dma_start3A_170] : memref<16384xf32, #tpu.memory_space<vmem>> -> memref<512xf32, #tpu.memory_space<vmem>>
              %dma_start3A_172 = arith.constant 999424 : i32
              %dma_start3A_173 = tpu.memref_slice %arg2[%add3A, %dma_start3A_172] : memref<16x1000000xf32, #tpu.memory_space<hbm>> -> memref<1x512xf32, #tpu.memory_space<hbm>>
              %dma_start3A_174 = tpu.memref_squeeze %dma_start3A_173 : memref<1x512xf32, #tpu.memory_space<hbm>> -> memref<512xf32, #tpu.memory_space<hbm>>
              tpu.enqueue_dma source(%dma_start3A_174 : memref<512xf32, #tpu.memory_space<hbm>>) target(%dma_start3A_171 : memref<512xf32, #tpu.memory_space<vmem>>) target_semaphore(%run_scoped3A : memref<!tpu.dma_semaphore, #tpu.memory_space<semaphore_mem>>)
              %dma_wait3A = arith.constant 0 : i32
              %dma_wait3A_175 = tpu.memref_slice %arg12[%dma_wait3A] : memref<16384xf32, #tpu.memory_space<vmem>> -> memref<512xf32, #tpu.memory_space<vmem>>
              %dma_wait3A_176 = arith.constant 999424 : i32
              %dma_wait3A_177 = tpu.memref_slice %arg2[%add3A, %dma_wait3A_176] : memref<16x1000000xf32, #tpu.memory_space<hbm>> -> memref<1x512xf32, #tpu.memory_space<hbm>>
              %dma_wait3A_178 = tpu.memref_squeeze %dma_wait3A_177 : memref<1x512xf32, #tpu.memory_space<hbm>> -> memref<512xf32, #tpu.memory_space<hbm>>
              %dma_wait3A_179 = arith.constant 0 : i32
              %dma_wait3A_180 = tpu.memref_slice %arg12[%dma_wait3A_179] : memref<16384xf32, #tpu.memory_space<vmem>> -> memref<512xf32, #tpu.memory_space<vmem>>
              %dma_wait3A_181 = arith.constant 999424 : i32
              %dma_wait3A_182 = tpu.memref_slice %arg2[%add3A, %dma_wait3A_181] : memref<16x1000000xf32, #tpu.memory_space<hbm>> -> memref<1x512xf32, #tpu.memory_space<hbm>>
              %dma_wait3A_183 = tpu.memref_squeeze %dma_wait3A_182 : memref<1x512xf32, #tpu.memory_space<hbm>> -> memref<512xf32, #tpu.memory_space<hbm>>
              tpu.wait_dma2 semaphore(%run_scoped3A : memref<!tpu.dma_semaphore, #tpu.memory_space<semaphore_mem>>) src(%dma_wait3A_183 : memref<512xf32, #tpu.memory_space<hbm>>) dst(%dma_wait3A_180 : memref<512xf32, #tpu.memory_space<vmem>>)
              tpu.yield
            }) : () -> ()
            %mul3A_164 = arith.constant 64 : i32
            %mul3A_165 = arith.muli %add3A, %mul3A_164 : i32
            "tpu.region"() ({
              %run_scoped3A = tpu.sem_alloc : memref<!tpu.dma_semaphore, #tpu.memory_space<semaphore_mem>>
              %dma_start3A = arith.constant 512 : i32
              %dma_start3A_166 = tpu.memref_slice %arg12[%dma_start3A] : memref<16384xf32, #tpu.memory_space<vmem>> -> memref<64xf32, #tpu.memory_space<vmem>>
              %dma_start3A_167 = tpu.memref_slice %arg3[%mul3A_165] : memref<1024xf32, #tpu.memory_space<hbm>> -> memref<64xf32, #tpu.memory_space<hbm>>
              %dma_start3A_168 = arith.constant 512 : i32
              %dma_start3A_169 = tpu.memref_slice %arg12[%dma_start3A_168] : memref<16384xf32, #tpu.memory_space<vmem>> -> memref<64xf32, #tpu.memory_space<vmem>>
              %dma_start3A_170 = tpu.memref_slice %arg3[%mul3A_165] : memref<1024xf32, #tpu.memory_space<hbm>> -> memref<64xf32, #tpu.memory_space<hbm>>
              tpu.enqueue_dma source(%dma_start3A_170 : memref<64xf32, #tpu.memory_space<hbm>>) target(%dma_start3A_169 : memref<64xf32, #tpu.memory_space<vmem>>) target_semaphore(%run_scoped3A : memref<!tpu.dma_semaphore, #tpu.memory_space<semaphore_mem>>)
              %dma_wait3A = arith.constant 512 : i32
              %dma_wait3A_171 = tpu.memref_slice %arg12[%dma_wait3A] : memref<16384xf32, #tpu.memory_space<vmem>> -> memref<64xf32, #tpu.memory_space<vmem>>
              %dma_wait3A_172 = tpu.memref_slice %arg3[%mul3A_165] : memref<1024xf32, #tpu.memory_space<hbm>> -> memref<64xf32, #tpu.memory_space<hbm>>
              %dma_wait3A_173 = arith.constant 512 : i32
              %dma_wait3A_174 = tpu.memref_slice %arg12[%dma_wait3A_173] : memref<16384xf32, #tpu.memory_space<vmem>> -> memref<64xf32, #tpu.memory_space<vmem>>
              %dma_wait3A_175 = tpu.memref_slice %arg3[%mul3A_165] : memref<1024xf32, #tpu.memory_space<hbm>> -> memref<64xf32, #tpu.memory_space<hbm>>
              tpu.wait_dma2 semaphore(%run_scoped3A : memref<!tpu.dma_semaphore, #tpu.memory_space<semaphore_mem>>) src(%dma_wait3A_175 : memref<64xf32, #tpu.memory_space<hbm>>) dst(%dma_wait3A_174 : memref<64xf32, #tpu.memory_space<vmem>>)
              tpu.yield
            }) : () -> ()
          } else {
          }
        } else {
        }
        %scan3A_136 = arith.constant 0 : i32
        %scan3A_137 = arith.constant 0 : i32
        %scan3A_138 = arith.constant 1024 : i32
        %scan3A_139 = arith.addi %scan3A_137, %scan3A_138 : i32
        %scan3A_140 = arith.constant 1 : i32
        %scan3A_141 = scf.for %scan3A_152 = %scan3A_137 to %scan3A_139 step %scan3A_140 iter_args(%scan3A_153 = %scan3A_136) -> (i32)  : i32 {
          %mul3A_154 = arith.constant 16 : i32
          %mul3A_155 = arith.muli %scan3A_152, %mul3A_154 : i32
          %get3A_156 = arith.index_cast %mul3A_155 : i32 to index
          %get3A_157 = tpu.vector_load %arg12[%get3A_156] {strides = array<i32>} : memref<16384xf32, #tpu.memory_space<vmem>>, vector<16xf32>,
          %bitcast3A_158 = vector.bitcast %get3A_157 : vector<16xf32> to vector<16xi32>
          %shift_right_arithmetic3A = arith.constant 31 : i32
          %shift_right_arithmetic3A_159 = vector.broadcast %shift_right_arithmetic3A : i32 to vector<16xi32>
          %shift_right_arithmetic3A_160 = arith.shrsi %bitcast3A_158, %shift_right_arithmetic3A_159 : vector<16xi32>
          %or3A_161 = arith.constant -2147483648 : i32
          %or3A_162 = vector.broadcast %or3A_161 : i32 to vector<16xi32>
          %or3A_163 = arith.ori %shift_right_arithmetic3A_160, %or3A_162 : vector<16xi32>
          %xor3A = arith.xori %bitcast3A_158, %or3A_163 : vector<16xi32>
          %xor3A_164 = arith.xori %xor3A, %get3A_1 : vector<16xi32>
          %bitcast3A_165 = vector.bitcast %xor3A_164 : vector<16xi32> to vector<16xf32>
          %mul3A_166 = arith.constant 16 : i32
          %mul3A_167 = arith.muli %scan3A_152, %mul3A_166 : i32
          %swap3A = arith.index_cast %mul3A_167 : i32 to index
          %swap3A_168 = tpu.vector_load %arg12[%swap3A] {strides = array<i32>} : memref<16384xf32, #tpu.memory_space<vmem>>, vector<16xf32>,
          tpu.vector_store %arg12[%swap3A], %bitcast3A_165 {strides = array<i32>} : memref<16384xf32, #tpu.memory_space<vmem>>, vector<16xf32>,
          %and3A_169 = arith.constant 255 : i32
          %and3A_170 = vector.broadcast %and3A_169 : i32 to vector<16xi32>
          %and3A_171 = arith.andi %xor3A_164, %and3A_170 : vector<16xi32>
          %broadcast_in_dim3A_172 = arith.constant true
          %broadcast_in_dim3A_173 = vector.broadcast %broadcast_in_dim3A_172 : i1 to vector<16xi1>
          %unique3A, %unique3A_174 = tpu.scan_count mask(%broadcast_in_dim3A_173 : vector<16xi1>) value(%and3A_171 : vector<16xi32>) : vector<16xi1>, vector<16xi32>
          %gather3A = tpu.vector_load_idx %arg15[%and3A_171] : memref<256xi32, #tpu.memory_space<vmem>>[vector<16xi32>], vector<16xi32>,
          %add3A_175 = arith.addi %gather3A, %unique3A_174 : vector<16xi32>
          tpu.vector_store_idx %arg15[%and3A_171], %add3A_175 masked %unique3A : memref<256xi32, #tpu.memory_space<vmem>>[vector<16xi32>], vector<16xi32>, vector<16xi1>
          %sub3A = arith.constant 1 : i32
          %sub3A_176 = vector.broadcast %sub3A : i32 to vector<16xi32>
          %sub3A_177 = arith.subi %add3A_175, %sub3A_176 : vector<16xi32>
          %ge3A = arith.constant 1000000 : i32
          %ge3A_178 = vector.broadcast %ge3A : i32 to vector<16xi32>
          %ge3A_179 = arith.cmpi sge, %sub3A_177, %ge3A_178 : vector<16xi32>
          %jit3A = arith.constant -1 : i32
          %broadcast_in_dim3A_180 = vector.broadcast %jit3A : i32 to vector<16xi32>
          %select_n3A_181 = arith.select %ge3A_179, %broadcast_in_dim3A_180, %sub3A_177 : vector<16xi1>, vector<16xi32>
          %mul3A_182 = arith.constant 16 : i32
          %mul3A_183 = arith.muli %scan3A_152, %mul3A_182 : i32
          %swap3A_184 = arith.index_cast %mul3A_183 : i32 to index
          %swap3A_185 = tpu.vector_load %arg13[%swap3A_184] {strides = array<i32>} : memref<16384xi32, #tpu.memory_space<vmem>>, vector<16xi32>,
          tpu.vector_store %arg13[%swap3A_184], %select_n3A_181 {strides = array<i32>} : memref<16384xi32, #tpu.memory_space<vmem>>, vector<16xi32>,
          %scan3A_186 = arith.constant 0 : i32
          scf.yield %scan3A_186 : i32
        }
        %scan3A_142 = arith.constant 1024 : i32
        "tpu.region"() ({
          %run_scoped3A = tpu.sem_alloc : memref<!tpu.dma_semaphore, #tpu.memory_space<semaphore_mem>>
          %dma_start3A = arith.constant 0 : i32
          %dma_start3A_152 = tpu.memref_slice %arg21[%dma_start3A] : memref<1000064xf32, #tpu.memory_space<vmem_shared>> -> memref<1000064xf32, #tpu.memory_space<vmem_shared>>
          %dma_start3A_153 = arith.constant -1 : i32
          tpu.enqueue_indirect_dma source(%arg12 : memref<16384xf32, #tpu.memory_space<vmem>>) target(%dma_start3A_152 : memref<1000064xf32, #tpu.memory_space<vmem_shared>>) offsets(%arg13 : memref<16384xi32, #tpu.memory_space<vmem>>) offset_filter(%dma_start3A_153) semaphore(%run_scoped3A : memref<!tpu.dma_semaphore, #tpu.memory_space<semaphore_mem>>)
          %dma_wait3A = arith.constant 0 : i32
          %dma_wait3A_154 = tpu.memref_slice %arg21[%dma_wait3A] : memref<1000064xf32, #tpu.memory_space<vmem_shared>> -> memref<1000064xf32, #tpu.memory_space<vmem_shared>>
          tpu.wait_indirect_dma semaphore(%run_scoped3A : memref<!tpu.dma_semaphore, #tpu.memory_space<semaphore_mem>>) src(%arg12 : memref<16384xf32, #tpu.memory_space<vmem>>) dst(%dma_wait3A_154 : memref<1000064xf32, #tpu.memory_space<vmem_shared>>)
          tpu.yield
        }) : () -> ()
        %mul3A_143 = arith.constant 16 : i32
        %mul3A_144 = arith.muli %arg0, %mul3A_143 : i32
        %add3A_145 = arith.addi %mul3A_144, %arg1 : i32
        %mul3A_146 = arith.constant 4 : i32
        %mul3A_147 = arith.muli %add3A_145, %mul3A_146 : i32
        %add3A_148 = arith.addi %mul3A_147, %scan3A_116 : i32
        %mul3A_149 = arith.constant 16384 : i32
        %mul3A_150 = arith.muli %add3A_148, %mul3A_149 : i32
        "tpu.region"() ({
          %run_scoped3A = tpu.sem_alloc : memref<!tpu.dma_semaphore, #tpu.memory_space<semaphore_mem>>
          %dma_start3A = tpu.memref_slice %arg11[%mul3A_150] : memref<2097152xi32, #tpu.memory_space<hbm>> -> memref<16384xi32, #tpu.memory_space<hbm>>
          %dma_start3A_152 = tpu.memref_slice %arg11[%mul3A_150] : memref<2097152xi32, #tpu.memory_space<hbm>> -> memref<16384xi32, #tpu.memory_space<hbm>>
          tpu.enqueue_dma source(%arg13 : memref<16384xi32, #tpu.memory_space<vmem>>) target(%dma_start3A_152 : memref<16384xi32, #tpu.memory_space<hbm>>) target_semaphore(%run_scoped3A : memref<!tpu.dma_semaphore, #tpu.memory_space<semaphore_mem>>)
          %dma_wait3A = tpu.memref_slice %arg11[%mul3A_150] : memref<2097152xi32, #tpu.memory_space<hbm>> -> memref<16384xi32, #tpu.memory_space<hbm>>
          %dma_wait3A_153 = tpu.memref_slice %arg11[%mul3A_150] : memref<2097152xi32, #tpu.memory_space<hbm>> -> memref<16384xi32, #tpu.memory_space<hbm>>
          tpu.wait_dma2 semaphore(%run_scoped3A : memref<!tpu.dma_semaphore, #tpu.memory_space<semaphore_mem>>) src(%arg13 : memref<16384xi32, #tpu.memory_space<vmem>>) dst(%dma_wait3A_153 : memref<16384xi32, #tpu.memory_space<hbm>>)
          tpu.yield
        }) : () -> ()
        %scan3A_151 = arith.constant 0 : i32
        scf.yield %scan3A_151 : i32
      }
      %scan3A_89 = arith.constant 4 : i32
      %barrier3A_90 = arith.constant 0 : index
      tpu.barrier barrier_id(%barrier3A_90)
      %mul3A_91 = arith.constant 1048576 : i32
      %mul3A_92 = arith.muli %add3A, %mul3A_91 : i32
      %mul3A_93 = arith.constant 65536 : i32
      %mul3A_94 = arith.muli %arg1, %mul3A_93 : i32
      %mul3A_95 = arith.constant 65536 : i32
      %mul3A_96 = arith.muli %arg1, %mul3A_95 : i32
      %add3A_97 = arith.addi %mul3A_92, %mul3A_96 : i32
      "tpu.region"() ({
        %run_scoped3A = tpu.sem_alloc : memref<!tpu.dma_semaphore, #tpu.memory_space<semaphore_mem>>
        %dma_start3A = tpu.memref_slice %arg7[%add3A_97] : memref<16777216xf32, #tpu.memory_space<hbm>> -> memref<65536xf32, #tpu.memory_space<hbm>>
        %dma_start3A_116 = tpu.memref_slice %arg21[%mul3A_94] : memref<1000064xf32, #tpu.memory_space<vmem_shared>> -> memref<65536xf32, #tpu.memory_space<vmem_shared>>
        tpu.enqueue_dma source(%dma_start3A_116 : memref<65536xf32, #tpu.memory_space<vmem_shared>>) target(%dma_start3A : memref<65536xf32, #tpu.memory_space<hbm>>) target_semaphore(%run_scoped3A : memref<!tpu.dma_semaphore, #tpu.memory_space<semaphore_mem>>)
        %dma_wait3A = tpu.memref_slice %arg7[%add3A_97] : memref<16777216xf32, #tpu.memory_space<hbm>> -> memref<65536xf32, #tpu.memory_space<hbm>>
        %dma_wait3A_117 = tpu.memref_slice %arg21[%mul3A_94] : memref<1000064xf32, #tpu.memory_space<vmem_shared>> -> memref<65536xf32, #tpu.memory_space<vmem_shared>>
        tpu.wait_dma2 semaphore(%run_scoped3A : memref<!tpu.dma_semaphore, #tpu.memory_space<semaphore_mem>>) src(%dma_wait3A_117 : memref<65536xf32, #tpu.memory_space<vmem_shared>>) dst(%dma_wait3A : memref<65536xf32, #tpu.memory_space<hbm>>)
        tpu.yield
      }) : () -> ()
      %barrier3A_98 = arith.constant 0 : index
      tpu.barrier barrier_id(%barrier3A_98)
      %scan3A_99 = arith.constant 0 : i32
      %scan3A_100 = arith.constant 0 : i32
      %scan3A_101 = arith.constant 4 : i32
      %scan3A_102 = arith.addi %scan3A_100, %scan3A_101 : i32
      %scan3A_103 = arith.constant 1 : i32
      %scan3A_104 = scf.for %scan3A_116 = %scan3A_100 to %scan3A_102 step %scan3A_103 iter_args(%scan3A_117 = %scan3A_99) -> (i32)  : i32 {
        %mul3A_118 = arith.constant 65536 : i32
        %mul3A_119 = arith.muli %arg1, %mul3A_118 : i32
        %mul3A_120 = arith.constant 16384 : i32
        %mul3A_121 = arith.muli %scan3A_116, %mul3A_120 : i32
        %add3A_122 = arith.addi %mul3A_119, %mul3A_121 : i32
        %add3A_123 = vector.broadcast %add3A_122 : i32 to vector<16xi32>
        %add3A_124 = arith.addi %add3A_123, %iota3A : vector<16xi32>
        %scan3A_125 = arith.constant 0 : i32
        %scan3A_126 = arith.constant 0 : i32
        %scan3A_127 = arith.constant 1024 : i32
        %scan3A_128 = arith.addi %scan3A_126, %scan3A_127 : i32
        %scan3A_129 = arith.constant 1 : i32
        %scan3A_130 = scf.for %scan3A_141 = %scan3A_126 to %scan3A_128 step %scan3A_129 iter_args(%scan3A_142 = %scan3A_125) -> (i32)  : i32 {
          %mul3A_143 = arith.constant 16 : i32
          %mul3A_144 = arith.muli %scan3A_141, %mul3A_143 : i32
          %add3A_145 = vector.broadcast %mul3A_144 : i32 to vector<16xi32>
          %add3A_146 = arith.addi %add3A_124, %add3A_145 : vector<16xi32>
          %bitcast3A_147 = vector.bitcast %add3A_146 : vector<16xi32> to vector<16xf32>
          %mul3A_148 = arith.constant 16 : i32
          %mul3A_149 = arith.muli %scan3A_141, %mul3A_148 : i32
          %swap3A = arith.index_cast %mul3A_149 : i32 to index
          %swap3A_150 = tpu.vector_load %arg12[%swap3A] {strides = array<i32>} : memref<16384xf32, #tpu.memory_space<vmem>>, vector<16xf32>,
          tpu.vector_store %arg12[%swap3A], %bitcast3A_147 {strides = array<i32>} : memref<16384xf32, #tpu.memory_space<vmem>>, vector<16xf32>,
          %scan3A_151 = arith.constant 0 : i32
          scf.yield %scan3A_151 : i32
        }
        %scan3A_131 = arith.constant 1024 : i32
        %mul3A_132 = arith.constant 16 : i32
        %mul3A_133 = arith.muli %arg0, %mul3A_132 : i32
        %add3A_134 = arith.addi %mul3A_133, %arg1 : i32
        %mul3A_135 = arith.constant 4 : i32
        %mul3A_136 = arith.muli %add3A_134, %mul3A_135 : i32
        %add3A_137 = arith.addi %mul3A_136, %scan3A_116 : i32
        %mul3A_138 = arith.constant 16384 : i32
        %mul3A_139 = arith.muli %add3A_137, %mul3A_138 : i32
        "tpu.region"() ({
          %run_scoped3A = tpu.sem_alloc : memref<!tpu.dma_semaphore, #tpu.memory_space<semaphore_mem>>
          %dma_start3A = tpu.memref_slice %arg11[%mul3A_139] : memref<2097152xi32, #tpu.memory_space<hbm>> -> memref<16384xi32, #tpu.memory_space<hbm>>
          %dma_start3A_141 = tpu.memref_slice %arg11[%mul3A_139] : memref<2097152xi32, #tpu.memory_space<hbm>> -> memref<16384xi32, #tpu.memory_space<hbm>>
          tpu.enqueue_dma source(%dma_start3A_141 : memref<16384xi32, #tpu.memory_space<hbm>>) target(%arg13 : memref<16384xi32, #tpu.memory_space<vmem>>) target_semaphore(%run_scoped3A : memref<!tpu.dma_semaphore, #tpu.memory_space<semaphore_mem>>)
          %dma_wait3A = tpu.memref_slice %arg11[%mul3A_139] : memref<2097152xi32, #tpu.memory_space<hbm>> -> memref<16384xi32, #tpu.memory_space<hbm>>
          %dma_wait3A_142 = tpu.memref_slice %arg11[%mul3A_139] : memref<2097152xi32, #tpu.memory_space<hbm>> -> memref<16384xi32, #tpu.memory_space<hbm>>
          tpu.wait_dma2 semaphore(%run_scoped3A : memref<!tpu.dma_semaphore, #tpu.memory_space<semaphore_mem>>) src(%dma_wait3A_142 : memref<16384xi32, #tpu.memory_space<hbm>>) dst(%arg13 : memref<16384xi32, #tpu.memory_space<vmem>>)
          tpu.yield
        }) : () -> ()
        "tpu.region"() ({
          %run_scoped3A = tpu.sem_alloc : memref<!tpu.dma_semaphore, #tpu.memory_space<semaphore_mem>>
          %dma_start3A = arith.constant 0 : i32
          %dma_start3A_141 = tpu.memref_slice %arg21[%dma_start3A] : memref<1000064xf32, #tpu.memory_space<vmem_shared>> -> memref<1000064xf32, #tpu.memory_space<vmem_shared>>
          %dma_start3A_142 = arith.constant -1 : i32
          tpu.enqueue_indirect_dma source(%arg12 : memref<16384xf32, #tpu.memory_space<vmem>>) target(%dma_start3A_141 : memref<1000064xf32, #tpu.memory_space<vmem_shared>>) offsets(%arg13 : memref<16384xi32, #tpu.memory_space<vmem>>) offset_filter(%dma_start3A_142) semaphore(%run_scoped3A : memref<!tpu.dma_semaphore, #tpu.memory_space<semaphore_mem>>)
          %dma_wait3A = arith.constant 0 : i32
          %dma_wait3A_143 = tpu.memref_slice %arg21[%dma_wait3A] : memref<1000064xf32, #tpu.memory_space<vmem_shared>> -> memref<1000064xf32, #tpu.memory_space<vmem_shared>>
          tpu.wait_indirect_dma semaphore(%run_scoped3A : memref<!tpu.dma_semaphore, #tpu.memory_space<semaphore_mem>>) src(%arg12 : memref<16384xf32, #tpu.memory_space<vmem>>) dst(%dma_wait3A_143 : memref<1000064xf32, #tpu.memory_space<vmem_shared>>)
          tpu.yield
        }) : () -> ()
        %scan3A_140 = arith.constant 0 : i32
        scf.yield %scan3A_140 : i32
      }
      %scan3A_105 = arith.constant 4 : i32
      %barrier3A_106 = arith.constant 0 : index
      tpu.barrier barrier_id(%barrier3A_106)
      %mul3A_107 = arith.constant 1048576 : i32
      %mul3A_108 = arith.muli %add3A, %mul3A_107 : i32
      %mul3A_109 = arith.constant 65536 : i32
      %mul3A_110 = arith.muli %arg1, %mul3A_109 : i32
      %mul3A_111 = arith.constant 65536 : i32
      %mul3A_112 = arith.muli %arg1, %mul3A_111 : i32
      %add3A_113 = arith.addi %mul3A_108, %mul3A_112 : i32
      "tpu.region"() ({
        %run_scoped3A = tpu.sem_alloc : memref<!tpu.dma_semaphore, #tpu.memory_space<semaphore_mem>>
        %dma_start3A = tpu.memref_slice %arg8[%add3A_113] : memref<16777216xf32, #tpu.memory_space<hbm>> -> memref<65536xf32, #tpu.memory_space<hbm>>
        %dma_start3A_116 = tpu.memref_slice %arg21[%mul3A_110] : memref<1000064xf32, #tpu.memory_space<vmem_shared>> -> memref<65536xf32, #tpu.memory_space<vmem_shared>>
        tpu.enqueue_dma source(%dma_start3A_116 : memref<65536xf32, #tpu.memory_space<vmem_shared>>) target(%dma_start3A : memref<65536xf32, #tpu.memory_space<hbm>>) target_semaphore(%run_scoped3A : memref<!tpu.dma_semaphore, #tpu.memory_space<semaphore_mem>>)
        %dma_wait3A = tpu.memref_slice %arg8[%add3A_113] : memref<16777216xf32, #tpu.memory_space<hbm>> -> memref<65536xf32, #tpu.memory_space<hbm>>
        %dma_wait3A_117 = tpu.memref_slice %arg21[%mul3A_110] : memref<1000064xf32, #tpu.memory_space<vmem_shared>> -> memref<65536xf32, #tpu.memory_space<vmem_shared>>
        tpu.wait_dma2 semaphore(%run_scoped3A : memref<!tpu.dma_semaphore, #tpu.memory_space<semaphore_mem>>) src(%dma_wait3A_117 : memref<65536xf32, #tpu.memory_space<vmem_shared>>) dst(%dma_wait3A : memref<65536xf32, #tpu.memory_space<hbm>>)
        tpu.yield
      }) : () -> ()
      %barrier3A_114 = arith.constant 0 : index
      tpu.barrier barrier_id(%barrier3A_114)
      %scan3A_115 = arith.constant 0 : i32
      scf.yield %scan3A_115 : i32
    }
    %scan3A_16 = arith.constant 8 : i32
    %scan3A_17 = arith.constant 0 : i32
    %scan3A_18 = arith.constant 0 : i32
    %scan3A_19 = arith.constant 8 : i32
    %scan3A_20 = arith.addi %scan3A_18, %scan3A_19 : i32
    %scan3A_21 = arith.constant 1 : i32
    %scan3A_22 = scf.for %scan3A_38 = %scan3A_18 to %scan3A_20 step %scan3A_21 iter_args(%scan3A_39 = %scan3A_17) -> (i32)  : i32 {
      %mul3A = arith.constant 8 : i32
      %mul3A_40 = arith.muli %arg0, %mul3A : i32
      %add3A = arith.addi %mul3A_40, %scan3A_38 : i32
      %scan3A_41 = arith.constant 0 : i32
      %scan3A_42 = arith.constant 0 : i32
      %scan3A_43 = arith.constant 256 : i32
      %scan3A_44 = arith.addi %scan3A_42, %scan3A_43 : i32
      %scan3A_45 = arith.constant 1 : i32
      %scan3A_46 = scf.for %scan3A_116 = %scan3A_42 to %scan3A_44 step %scan3A_45 iter_args(%scan3A_117 = %scan3A_41) -> (i32)  : i32 {
        %broadcast_in_dim3A_118 = arith.constant 0 : i32
        %broadcast_in_dim3A_119 = vector.broadcast %broadcast_in_dim3A_118 : i32 to vector<16xi32>
        %mul3A_120 = arith.constant 16 : i32
        %mul3A_121 = arith.muli %scan3A_116, %mul3A_120 : i32
        %swap3A = arith.index_cast %mul3A_121 : i32 to index
        %swap3A_122 = tpu.vector_load %arg14[%swap3A] {strides = array<i32>} : memref<4096xi32, #tpu.memory_space<vmem>>, vector<16xi32>,
        tpu.vector_store %arg14[%swap3A], %broadcast_in_dim3A_119 {strides = array<i32>} : memref<4096xi32, #tpu.memory_space<vmem>>, vector<16xi32>,
        %scan3A_123 = arith.constant 0 : i32
        scf.yield %scan3A_123 : i32
      }
      %scan3A_47 = arith.constant 256 : i32
      %scan3A_48 = arith.constant 0 : i32
      %scan3A_49 = arith.constant 0 : i32
      %scan3A_50 = arith.constant 4 : i32
      %scan3A_51 = arith.addi %scan3A_49, %scan3A_50 : i32
      %scan3A_52 = arith.constant 1 : i32
      %scan3A_53 = scf.for %scan3A_116 = %scan3A_49 to %scan3A_51 step %scan3A_52 iter_args(%scan3A_117 = %scan3A_48) -> (i32)  : i32 {
        %mul3A_118 = arith.constant 1048576 : i32
        %mul3A_119 = arith.muli %add3A, %mul3A_118 : i32
        %mul3A_120 = arith.constant 65536 : i32
        %mul3A_121 = arith.muli %arg1, %mul3A_120 : i32
        %add3A_122 = arith.addi %mul3A_119, %mul3A_121 : i32
        %mul3A_123 = arith.constant 16384 : i32
        %mul3A_124 = arith.muli %scan3A_116, %mul3A_123 : i32
        %add3A_125 = arith.addi %add3A_122, %mul3A_124 : i32
        %lt3A_126 = arith.constant 15 : i32
        %lt3A_127 = arith.cmpi slt, %arg1, %lt3A_126 : i32
        %eq3A = arith.constant 0 : i32
        %eq3A_128 = arith.cmpi eq, %scan3A_116, %eq3A : i32
        %or3A = arith.ori %lt3A_127, %eq3A_128 : i1
        %convert_element_type3A = arith.extui %or3A : i1 to i32
        %cond3A = arith.constant 0 : i32
        %cond3A_129 = arith.cmpi ne, %convert_element_type3A, %cond3A : i32
        scf.if %cond3A_129 {
          "tpu.region"() ({
            %run_scoped3A = tpu.sem_alloc : memref<!tpu.dma_semaphore, #tpu.memory_space<semaphore_mem>>
            %dma_start3A = tpu.memref_slice %arg7[%add3A_125] : memref<16777216xf32, #tpu.memory_space<hbm>> -> memref<16384xf32, #tpu.memory_space<hbm>>
            %dma_start3A_144 = tpu.memref_slice %arg7[%add3A_125] : memref<16777216xf32, #tpu.memory_space<hbm>> -> memref<16384xf32, #tpu.memory_space<hbm>>
            tpu.enqueue_dma source(%dma_start3A_144 : memref<16384xf32, #tpu.memory_space<hbm>>) target(%arg12 : memref<16384xf32, #tpu.memory_space<vmem>>) target_semaphore(%run_scoped3A : memref<!tpu.dma_semaphore, #tpu.memory_space<semaphore_mem>>)
            %dma_wait3A = tpu.memref_slice %arg7[%add3A_125] : memref<16777216xf32, #tpu.memory_space<hbm>> -> memref<16384xf32, #tpu.memory_space<hbm>>
            %dma_wait3A_145 = tpu.memref_slice %arg7[%add3A_125] : memref<16777216xf32, #tpu.memory_space<hbm>> -> memref<16384xf32, #tpu.memory_space<hbm>>
            tpu.wait_dma2 semaphore(%run_scoped3A : memref<!tpu.dma_semaphore, #tpu.memory_space<semaphore_mem>>) src(%dma_wait3A_145 : memref<16384xf32, #tpu.memory_space<hbm>>) dst(%arg12 : memref<16384xf32, #tpu.memory_space<vmem>>)
            tpu.yield
          }) : () -> ()
        } else {
        }
        %eq3A_130 = arith.constant 15 : i32
        %eq3A_131 = arith.cmpi eq, %arg1, %eq3A_130 : i32
        %gt3A = arith.constant 0 : i32
        %gt3A_132 = arith.cmpi sgt, %scan3A_116, %gt3A : i32
        %and3A = arith.andi %eq3A_131, %gt3A_132 : i1
        %convert_element_type3A_133 = arith.extui %and3A : i1 to i32
        %cond3A_134 = arith.constant 0 : i32
        %cond3A_135 = arith.cmpi ne, %convert_element_type3A_133, %cond3A_134 : i32
        scf.if %cond3A_135 {
          %scan3A_144 = arith.constant 0 : i32
          %scan3A_145 = arith.constant 0 : i32
          %scan3A_146 = arith.constant 1024 : i32
          %scan3A_147 = arith.addi %scan3A_145, %scan3A_146 : i32
          %scan3A_148 = arith.constant 1 : i32
          %scan3A_149 = scf.for %scan3A_156 = %scan3A_145 to %scan3A_147 step %scan3A_148 iter_args(%scan3A_157 = %scan3A_144) -> (i32)  : i32 {
            %mul3A_158 = arith.constant 16 : i32
            %mul3A_159 = arith.muli %scan3A_156, %mul3A_158 : i32
            %swap3A = arith.index_cast %mul3A_159 : i32 to index
            %swap3A_160 = tpu.vector_load %arg12[%swap3A] {strides = array<i32>} : memref<16384xf32, #tpu.memory_space<vmem>>, vector<16xf32>,
            tpu.vector_store %arg12[%swap3A], %bitcast3A_10 {strides = array<i32>} : memref<16384xf32, #tpu.memory_space<vmem>>, vector<16xf32>,
            %scan3A_161 = arith.constant 0 : i32
            scf.yield %scan3A_161 : i32
          }
          %scan3A_150 = arith.constant 1024 : i32
          %eq3A_151 = arith.constant 1 : i32
          %eq3A_152 = arith.cmpi eq, %scan3A_116, %eq3A_151 : i32
          %convert_element_type3A_153 = arith.extui %eq3A_152 : i1 to i32
          %cond3A_154 = arith.constant 0 : i32
          %cond3A_155 = arith.cmpi ne, %convert_element_type3A_153, %cond3A_154 : i32
          scf.if %cond3A_155 {
            %mul3A_156 = arith.constant 1048576 : i32
            %mul3A_157 = arith.muli %add3A, %mul3A_156 : i32
            %add3A_158 = arith.constant 983040 : i32
            %add3A_159 = arith.addi %mul3A_157, %add3A_158 : i32
            %add3A_160 = arith.constant 16384 : i32
            %add3A_161 = arith.addi %add3A_159, %add3A_160 : i32
            "tpu.region"() ({
              %run_scoped3A = tpu.sem_alloc : memref<!tpu.dma_semaphore, #tpu.memory_space<semaphore_mem>>
              %dma_start3A = arith.constant 0 : i32
              %dma_start3A_162 = tpu.memref_slice %arg12[%dma_start3A] : memref<16384xf32, #tpu.memory_space<vmem>> -> memref<576xf32, #tpu.memory_space<vmem>>
              %dma_start3A_163 = tpu.memref_slice %arg7[%add3A_161] : memref<16777216xf32, #tpu.memory_space<hbm>> -> memref<576xf32, #tpu.memory_space<hbm>>
              %dma_start3A_164 = arith.constant 0 : i32
              %dma_start3A_165 = tpu.memref_slice %arg12[%dma_start3A_164] : memref<16384xf32, #tpu.memory_space<vmem>> -> memref<576xf32, #tpu.memory_space<vmem>>
              %dma_start3A_166 = tpu.memref_slice %arg7[%add3A_161] : memref<16777216xf32, #tpu.memory_space<hbm>> -> memref<576xf32, #tpu.memory_space<hbm>>
              tpu.enqueue_dma source(%dma_start3A_166 : memref<576xf32, #tpu.memory_space<hbm>>) target(%dma_start3A_165 : memref<576xf32, #tpu.memory_space<vmem>>) target_semaphore(%run_scoped3A : memref<!tpu.dma_semaphore, #tpu.memory_space<semaphore_mem>>)
              %dma_wait3A = arith.constant 0 : i32
              %dma_wait3A_167 = tpu.memref_slice %arg12[%dma_wait3A] : memref<16384xf32, #tpu.memory_space<vmem>> -> memref<576xf32, #tpu.memory_space<vmem>>
              %dma_wait3A_168 = tpu.memref_slice %arg7[%add3A_161] : memref<16777216xf32, #tpu.memory_space<hbm>> -> memref<576xf32, #tpu.memory_space<hbm>>
              %dma_wait3A_169 = arith.constant 0 : i32
              %dma_wait3A_170 = tpu.memref_slice %arg12[%dma_wait3A_169] : memref<16384xf32, #tpu.memory_space<vmem>> -> memref<576xf32, #tpu.memory_space<vmem>>
              %dma_wait3A_171 = tpu.memref_slice %arg7[%add3A_161] : memref<16777216xf32, #tpu.memory_space<hbm>> -> memref<576xf32, #tpu.memory_space<hbm>>
              tpu.wait_dma2 semaphore(%run_scoped3A : memref<!tpu.dma_semaphore, #tpu.memory_space<semaphore_mem>>) src(%dma_wait3A_171 : memref<576xf32, #tpu.memory_space<hbm>>) dst(%dma_wait3A_170 : memref<576xf32, #tpu.memory_space<vmem>>)
              tpu.yield
            }) : () -> ()
          } else {
          }
        } else {
        }
        %scan3A_136 = arith.constant 0 : i32
        %scan3A_137 = arith.constant 0 : i32
        %scan3A_138 = arith.constant 1024 : i32
        %scan3A_139 = arith.addi %scan3A_137, %scan3A_138 : i32
        %scan3A_140 = arith.constant 1 : i32
        %scan3A_141 = scf.for %scan3A_144 = %scan3A_137 to %scan3A_139 step %scan3A_140 iter_args(%scan3A_145 = %scan3A_136) -> (i32)  : i32 {
          %mul3A_146 = arith.constant 16 : i32
          %mul3A_147 = arith.muli %scan3A_144, %mul3A_146 : i32
          %get3A_148 = arith.index_cast %mul3A_147 : i32 to index
          %get3A_149 = tpu.vector_load %arg12[%get3A_148] {strides = array<i32>} : memref<16384xf32, #tpu.memory_space<vmem>>, vector<16xf32>,
          %bitcast3A_150 = vector.bitcast %get3A_149 : vector<16xf32> to vector<16xi32>
          %shift_right_logical3A = arith.constant 8 : i32
          %shift_right_logical3A_151 = vector.broadcast %shift_right_logical3A : i32 to vector<16xi32>
          %shift_right_logical3A_152 = arith.shrui %bitcast3A_150, %shift_right_logical3A_151 : vector<16xi32>
          %and3A_153 = arith.constant 255 : i32
          %and3A_154 = vector.broadcast %and3A_153 : i32 to vector<16xi32>
          %and3A_155 = arith.andi %shift_right_logical3A_152, %and3A_154 : vector<16xi32>
          %mul3A_156 = arith.constant 16 : i32
          %mul3A_157 = vector.broadcast %mul3A_156 : i32 to vector<16xi32>
          %mul3A_158 = arith.muli %and3A_155, %mul3A_157 : vector<16xi32>
          %add3A_159 = arith.addi %mul3A_158, %iota3A : vector<16xi32>
          tpu.vector_store_idx %arg14[%add3A_159], %broadcast_in_dim3A_0 {add = true} : memref<4096xi32, #tpu.memory_space<vmem>>[vector<16xi32>], vector<16xi32>,
          %scan3A_160 = arith.constant 0 : i32
          scf.yield %scan3A_160 : i32
        }
        %scan3A_142 = arith.constant 1024 : i32
        %scan3A_143 = arith.constant 0 : i32
        scf.yield %scan3A_143 : i32
      }
      %scan3A_54 = arith.constant 4 : i32
      %scan3A_55 = arith.constant 0 : i32
      %scan3A_56 = arith.constant 0 : i32
      %scan3A_57 = arith.constant 256 : i32
      %scan3A_58 = arith.addi %scan3A_56, %scan3A_57 : i32
      %scan3A_59 = arith.constant 1 : i32
      %scan3A_60 = scf.for %scan3A_116 = %scan3A_56 to %scan3A_58 step %scan3A_59 iter_args(%scan3A_117 = %scan3A_55) -> (i32)  : i32 {
        %mul3A_118 = arith.constant 16 : i32
        %mul3A_119 = arith.muli %scan3A_116, %mul3A_118 : i32
        %get3A_120 = arith.index_cast %mul3A_119 : i32 to index
        %get3A_121 = tpu.vector_load %arg14[%get3A_120] {strides = array<i32>} : memref<4096xi32, #tpu.memory_space<vmem>>, vector<16xi32>,
        %broadcast_in_dim3A_122 = arith.constant true
        %broadcast_in_dim3A_123 = vector.broadcast %broadcast_in_dim3A_122 : i1 to vector<16xi1>
        %masked_cumsum3A = tpu.scan <sum>, %get3A_121 masked %broadcast_in_dim3A_123 : vector<16xi32>, vector<16xi1> -> vector<16xi32>
        %mul3A_124 = arith.constant 16 : i32
        %mul3A_125 = arith.muli %scan3A_116, %mul3A_124 : i32
        %swap3A = arith.index_cast %mul3A_125 : i32 to index
        %swap3A_126 = tpu.vector_load %arg14[%swap3A] {strides = array<i32>} : memref<4096xi32, #tpu.memory_space<vmem>>, vector<16xi32>,
        tpu.vector_store %arg14[%swap3A], %masked_cumsum3A {strides = array<i32>} : memref<4096xi32, #tpu.memory_space<vmem>>, vector<16xi32>,
        %scan3A_127 = arith.constant 0 : i32
        scf.yield %scan3A_127 : i32
      }
      %scan3A_61 = arith.constant 256 : i32
      %scan3A_62 = arith.constant 0 : i32
      %scan3A_63 = arith.constant 0 : i32
      %scan3A_64 = arith.constant 16 : i32
      %scan3A_65 = arith.addi %scan3A_63, %scan3A_64 : i32
      %scan3A_66 = arith.constant 1 : i32
      %scan3A_67 = scf.for %scan3A_116 = %scan3A_63 to %scan3A_65 step %scan3A_66 iter_args(%scan3A_117 = %scan3A_62) -> (i32)  : i32 {
        %mul3A_118 = arith.constant 16 : i32
        %mul3A_119 = arith.muli %scan3A_116, %mul3A_118 : i32
        %add3A_120 = vector.broadcast %mul3A_119 : i32 to vector<16xi32>
        %add3A_121 = arith.addi %add3A_120, %iota3A : vector<16xi32>
        %mul3A_122 = arith.constant 16 : i32
        %mul3A_123 = vector.broadcast %mul3A_122 : i32 to vector<16xi32>
        %mul3A_124 = arith.muli %add3A_121, %mul3A_123 : vector<16xi32>
        %add3A_125 = arith.constant 15 : i32
        %add3A_126 = vector.broadcast %add3A_125 : i32 to vector<16xi32>
        %add3A_127 = arith.addi %mul3A_124, %add3A_126 : vector<16xi32>
        %gather3A = tpu.vector_load_idx %arg14[%add3A_127] : memref<4096xi32, #tpu.memory_space<vmem>>[vector<16xi32>], vector<16xi32>,
        %mul3A_128 = arith.constant 16 : i32
        %mul3A_129 = arith.muli %scan3A_116, %mul3A_128 : i32
        %swap3A = arith.index_cast %mul3A_129 : i32 to index
        %swap3A_130 = tpu.vector_load %arg16[%swap3A] {strides = array<i32>} : memref<256xi32, #tpu.memory_space<vmem>>, vector<16xi32>,
        tpu.vector_store %arg16[%swap3A], %gather3A {strides = array<i32>} : memref<256xi32, #tpu.memory_space<vmem>>, vector<16xi32>,
        %scan3A_131 = arith.constant 0 : i32
        scf.yield %scan3A_131 : i32
      }
      %scan3A_68 = arith.constant 16 : i32
      "tpu.region"() ({
        %run_scoped3A = tpu.sem_alloc : memref<!tpu.dma_semaphore, #tpu.memory_space<semaphore_mem>>
        %dma_start3A = arith.constant 0 : i32
        %dma_start3A_116 = tpu.memref_slice %arg20[%arg1, %dma_start3A] : memref<16x256xi32, #tpu.memory_space<vmem_shared>> -> memref<1x256xi32, #tpu.memory_space<vmem_shared>>
        %dma_start3A_117 = tpu.memref_squeeze %dma_start3A_116 : memref<1x256xi32, #tpu.memory_space<vmem_shared>> -> memref<256xi32, #tpu.memory_space<vmem_shared>>
        %dma_start3A_118 = arith.constant 0 : i32
        %dma_start3A_119 = tpu.memref_slice %arg20[%arg1, %dma_start3A_118] : memref<16x256xi32, #tpu.memory_space<vmem_shared>> -> memref<1x256xi32, #tpu.memory_space<vmem_shared>>
        %dma_start3A_120 = tpu.memref_squeeze %dma_start3A_119 : memref<1x256xi32, #tpu.memory_space<vmem_shared>> -> memref<256xi32, #tpu.memory_space<vmem_shared>>
        tpu.enqueue_dma source(%arg16 : memref<256xi32, #tpu.memory_space<vmem>>) target(%dma_start3A_120 : memref<256xi32, #tpu.memory_space<vmem_shared>>) target_semaphore(%run_scoped3A : memref<!tpu.dma_semaphore, #tpu.memory_space<semaphore_mem>>)
        %dma_wait3A = arith.constant 0 : i32
        %dma_wait3A_121 = tpu.memref_slice %arg20[%arg1, %dma_wait3A] : memref<16x256xi32, #tpu.memory_space<vmem_shared>> -> memref<1x256xi32, #tpu.memory_space<vmem_shared>>
        %dma_wait3A_122 = tpu.memref_squeeze %dma_wait3A_121 : memref<1x256xi32, #tpu.memory_space<vmem_shared>> -> memref<256xi32, #tpu.memory_space<vmem_shared>>
        %dma_wait3A_123 = arith.constant 0 : i32
        %dma_wait3A_124 = tpu.memref_slice %arg20[%arg1, %dma_wait3A_123] : memref<16x256xi32, #tpu.memory_space<vmem_shared>> -> memref<1x256xi32, #tpu.memory_space<vmem_shared>>
        %dma_wait3A_125 = tpu.memref_squeeze %dma_wait3A_124 : memref<1x256xi32, #tpu.memory_space<vmem_shared>> -> memref<256xi32, #tpu.memory_space<vmem_shared>>
        tpu.wait_dma2 semaphore(%run_scoped3A : memref<!tpu.dma_semaphore, #tpu.memory_space<semaphore_mem>>) src(%arg16 : memref<256xi32, #tpu.memory_space<vmem>>) dst(%dma_wait3A_125 : memref<256xi32, #tpu.memory_space<vmem_shared>>)
        tpu.yield
      }) : () -> ()
      %barrier3A = arith.constant 0 : index
      tpu.barrier barrier_id(%barrier3A)
      "tpu.region"() ({
        %run_scoped3A = tpu.sem_alloc : memref<!tpu.dma_semaphore, #tpu.memory_space<semaphore_mem>>
        tpu.enqueue_dma source(%arg20 : memref<16x256xi32, #tpu.memory_space<vmem_shared>>) target(%arg17 : memref<16x256xi32, #tpu.memory_space<vmem>>) target_semaphore(%run_scoped3A : memref<!tpu.dma_semaphore, #tpu.memory_space<semaphore_mem>>)
        tpu.wait_dma2 semaphore(%run_scoped3A : memref<!tpu.dma_semaphore, #tpu.memory_space<semaphore_mem>>) src(%arg20 : memref<16x256xi32, #tpu.memory_space<vmem_shared>>) dst(%arg17 : memref<16x256xi32, #tpu.memory_space<vmem>>)
        tpu.yield
      }) : () -> ()
      %scan3A_69 = arith.constant 0 : i32
      %scan3A_70 = arith.constant 0 : i32
      %scan3A_71 = arith.constant 16 : i32
      %scan3A_72 = arith.addi %scan3A_70, %scan3A_71 : i32
      %scan3A_73 = arith.constant 1 : i32
      %scan3A_74 = scf.for %scan3A_116 = %scan3A_70 to %scan3A_72 step %scan3A_73 iter_args(%scan3A_117 = %scan3A_69) -> (i32)  : i32 {
        %broadcast_in_dim3A_118 = arith.constant 0 : i32
        %broadcast_in_dim3A_119 = vector.broadcast %broadcast_in_dim3A_118 : i32 to vector<16xi32>
        %broadcast_in_dim3A_120 = arith.constant 0 : i32
        %broadcast_in_dim3A_121 = vector.broadcast %broadcast_in_dim3A_120 : i32 to vector<16xi32>
        %scan3A_122 = arith.constant 0 : i32
        %scan3A_123 = arith.constant 16 : i32
        %scan3A_124 = arith.addi %scan3A_122, %scan3A_123 : i32
        %scan3A_125 = arith.constant 1 : i32
        %scan3A_126:2 = scf.for %scan3A_136 = %scan3A_122 to %scan3A_124 step %scan3A_125 iter_args(%scan3A_137 = %broadcast_in_dim3A_119, %scan3A_138 = %broadcast_in_dim3A_121) -> (vector<16xi32>, vector<16xi32>)  : i32 {
          %mul3A_139 = arith.constant 16 : i32
          %mul3A_140 = arith.muli %scan3A_116, %mul3A_139 : i32
          %get3A_141 = arith.index_cast %scan3A_136 : i32 to index
          %get3A_142 = arith.index_cast %mul3A_140 : i32 to index
          %get3A_143 = tpu.vector_load %arg17[%get3A_141, %get3A_142] {strides = array<i32>} : memref<16x256xi32, #tpu.memory_space<vmem>>, vector<16xi32>,
          %add3A_144 = arith.addi %scan3A_137, %get3A_143 : vector<16xi32>
          %lt3A_145 = arith.cmpi slt, %scan3A_136, %arg1 : i32
          %jit3A = arith.constant 0 : i32
          %broadcast_in_dim3A_146 = vector.broadcast %jit3A : i32 to vector<16xi32>
          %select_n3A_147 = arith.select %lt3A_145, %get3A_143, %broadcast_in_dim3A_146 : vector<16xi32>
          %add3A_148 = arith.addi %scan3A_138, %select_n3A_147 : vector<16xi32>
          scf.yield %add3A_144, %add3A_148 : vector<16xi32>, vector<16xi32>
        }
        %scan3A_127 = arith.constant 16 : i32
        %mul3A_128 = arith.constant 16 : i32
        %mul3A_129 = arith.muli %scan3A_116, %mul3A_128 : i32
        %swap3A = arith.index_cast %mul3A_129 : i32 to index
        %swap3A_130 = tpu.vector_load %arg18[%swap3A] {strides = array<i32>} : memref<256xi32, #tpu.memory_space<vmem>>, vector<16xi32>,
        tpu.vector_store %arg18[%swap3A], %scan3A_126#0 {strides = array<i32>} : memref<256xi32, #tpu.memory_space<vmem>>, vector<16xi32>,
        %mul3A_131 = arith.constant 16 : i32
        %mul3A_132 = arith.muli %scan3A_116, %mul3A_131 : i32
        %swap3A_133 = arith.index_cast %mul3A_132 : i32 to index
        %swap3A_134 = tpu.vector_load %arg15[%swap3A_133] {strides = array<i32>} : memref<256xi32, #tpu.memory_space<vmem>>, vector<16xi32>,
        tpu.vector_store %arg15[%swap3A_133], %scan3A_126#1 {strides = array<i32>} : memref<256xi32, #tpu.memory_space<vmem>>, vector<16xi32>,
        %scan3A_135 = arith.constant 0 : i32
        scf.yield %scan3A_135 : i32
      }
      %scan3A_75 = arith.constant 16 : i32
      %scan3A_76 = arith.constant 0 : i32
      %scan3A_77 = arith.constant 0 : i32
      %scan3A_78 = arith.constant 16 : i32
      %scan3A_79 = arith.addi %scan3A_77, %scan3A_78 : i32
      %scan3A_80 = arith.constant 1 : i32
      %scan3A_81 = scf.for %scan3A_116 = %scan3A_77 to %scan3A_79 step %scan3A_80 iter_args(%scan3A_117 = %scan3A_76) -> (i32)  : i32 {
        %mul3A_118 = arith.constant 16 : i32
        %mul3A_119 = arith.muli %scan3A_116, %mul3A_118 : i32
        %get3A_120 = arith.index_cast %mul3A_119 : i32 to index
        %get3A_121 = tpu.vector_load %arg18[%get3A_120] {strides = array<i32>} : memref<256xi32, #tpu.memory_space<vmem>>, vector<16xi32>,
        %broadcast_in_dim3A_122 = arith.constant true
        %broadcast_in_dim3A_123 = vector.broadcast %broadcast_in_dim3A_122 : i1 to vector<16xi1>
        %masked_cumsum3A = tpu.scan <sum>, %get3A_121 masked %broadcast_in_dim3A_123 : vector<16xi32>, vector<16xi1> -> vector<16xi32>
        %sub3A = arith.subi %masked_cumsum3A, %get3A_121 : vector<16xi32>
        %add3A_124 = vector.broadcast %scan3A_117 : i32 to vector<16xi32>
        %add3A_125 = arith.addi %sub3A, %add3A_124 : vector<16xi32>
        %mul3A_126 = arith.constant 16 : i32
        %mul3A_127 = arith.muli %scan3A_116, %mul3A_126 : i32
        %get3A_128 = arith.index_cast %mul3A_127 : i32 to index
        %get3A_129 = tpu.vector_load %arg15[%get3A_128] {strides = array<i32>} : memref<256xi32, #tpu.memory_space<vmem>>, vector<16xi32>,
        %add3A_130 = arith.addi %add3A_125, %get3A_129 : vector<16xi32>
        %mul3A_131 = arith.constant 16 : i32
        %mul3A_132 = arith.muli %scan3A_116, %mul3A_131 : i32
        %swap3A = arith.index_cast %mul3A_132 : i32 to index
        %swap3A_133 = tpu.vector_load %arg15[%swap3A] {strides = array<i32>} : memref<256xi32, #tpu.memory_space<vmem>>, vector<16xi32>,
        tpu.vector_store %arg15[%swap3A], %add3A_130 {strides = array<i32>} : memref<256xi32, #tpu.memory_space<vmem>>, vector<16xi32>,
        %reduce_sum3A = arith.constant true
        %reduce_sum3A_134 = vector.broadcast %reduce_sum3A : i1 to vector<16xi1>
        %reduce_sum3A_135 = tpu.scan <sum>, %get3A_121 masked %reduce_sum3A_134 : vector<16xi32>, vector<16xi1> -> vector<16xi32>
        %reduce_sum3A_136 = vector.extract %reduce_sum3A_135[15] : i32 from vector<16xi32>
        %add3A_137 = arith.addi %scan3A_117, %reduce_sum3A_136 : i32
        scf.yield %add3A_137 : i32
      }
      %scan3A_82 = arith.constant 16 : i32
      %scan3A_83 = arith.constant 0 : i32
      %scan3A_84 = arith.constant 0 : i32
      %scan3A_85 = arith.constant 4 : i32
      %scan3A_86 = arith.addi %scan3A_84, %scan3A_85 : i32
      %scan3A_87 = arith.constant 1 : i32
      %scan3A_88 = scf.for %scan3A_116 = %scan3A_84 to %scan3A_86 step %scan3A_87 iter_args(%scan3A_117 = %scan3A_83) -> (i32)  : i32 {
        %mul3A_118 = arith.constant 1048576 : i32
        %mul3A_119 = arith.muli %add3A, %mul3A_118 : i32
        %mul3A_120 = arith.constant 65536 : i32
        %mul3A_121 = arith.muli %arg1, %mul3A_120 : i32
        %add3A_122 = arith.addi %mul3A_119, %mul3A_121 : i32
        %mul3A_123 = arith.constant 16384 : i32
        %mul3A_124 = arith.muli %scan3A_116, %mul3A_123 : i32
        %add3A_125 = arith.addi %add3A_122, %mul3A_124 : i32
        %lt3A_126 = arith.constant 15 : i32
        %lt3A_127 = arith.cmpi slt, %arg1, %lt3A_126 : i32
        %eq3A = arith.constant 0 : i32
        %eq3A_128 = arith.cmpi eq, %scan3A_116, %eq3A : i32
        %or3A = arith.ori %lt3A_127, %eq3A_128 : i1
        %convert_element_type3A = arith.extui %or3A : i1 to i32
        %cond3A = arith.constant 0 : i32
        %cond3A_129 = arith.cmpi ne, %convert_element_type3A, %cond3A : i32
        scf.if %cond3A_129 {
          "tpu.region"() ({
            %run_scoped3A = tpu.sem_alloc : memref<!tpu.dma_semaphore, #tpu.memory_space<semaphore_mem>>
            %dma_start3A = tpu.memref_slice %arg7[%add3A_125] : memref<16777216xf32, #tpu.memory_space<hbm>> -> memref<16384xf32, #tpu.memory_space<hbm>>
            %dma_start3A_152 = tpu.memref_slice %arg7[%add3A_125] : memref<16777216xf32, #tpu.memory_space<hbm>> -> memref<16384xf32, #tpu.memory_space<hbm>>
            tpu.enqueue_dma source(%dma_start3A_152 : memref<16384xf32, #tpu.memory_space<hbm>>) target(%arg12 : memref<16384xf32, #tpu.memory_space<vmem>>) target_semaphore(%run_scoped3A : memref<!tpu.dma_semaphore, #tpu.memory_space<semaphore_mem>>)
            %dma_wait3A = tpu.memref_slice %arg7[%add3A_125] : memref<16777216xf32, #tpu.memory_space<hbm>> -> memref<16384xf32, #tpu.memory_space<hbm>>
            %dma_wait3A_153 = tpu.memref_slice %arg7[%add3A_125] : memref<16777216xf32, #tpu.memory_space<hbm>> -> memref<16384xf32, #tpu.memory_space<hbm>>
            tpu.wait_dma2 semaphore(%run_scoped3A : memref<!tpu.dma_semaphore, #tpu.memory_space<semaphore_mem>>) src(%dma_wait3A_153 : memref<16384xf32, #tpu.memory_space<hbm>>) dst(%arg12 : memref<16384xf32, #tpu.memory_space<vmem>>)
            tpu.yield
          }) : () -> ()
        } else {
        }
        %eq3A_130 = arith.constant 15 : i32
        %eq3A_131 = arith.cmpi eq, %arg1, %eq3A_130 : i32
        %gt3A = arith.constant 0 : i32
        %gt3A_132 = arith.cmpi sgt, %scan3A_116, %gt3A : i32
        %and3A = arith.andi %eq3A_131, %gt3A_132 : i1
        %convert_element_type3A_133 = arith.extui %and3A : i1 to i32
        %cond3A_134 = arith.constant 0 : i32
        %cond3A_135 = arith.cmpi ne, %convert_element_type3A_133, %cond3A_134 : i32
        scf.if %cond3A_135 {
          %scan3A_152 = arith.constant 0 : i32
          %scan3A_153 = arith.constant 0 : i32
          %scan3A_154 = arith.constant 1024 : i32
          %scan3A_155 = arith.addi %scan3A_153, %scan3A_154 : i32
          %scan3A_156 = arith.constant 1 : i32
          %scan3A_157 = scf.for %scan3A_164 = %scan3A_153 to %scan3A_155 step %scan3A_156 iter_args(%scan3A_165 = %scan3A_152) -> (i32)  : i32 {
            %mul3A_166 = arith.constant 16 : i32
            %mul3A_167 = arith.muli %scan3A_164, %mul3A_166 : i32
            %swap3A = arith.index_cast %mul3A_167 : i32 to index
            %swap3A_168 = tpu.vector_load %arg12[%swap3A] {strides = array<i32>} : memref<16384xf32, #tpu.memory_space<vmem>>, vector<16xf32>,
            tpu.vector_store %arg12[%swap3A], %bitcast3A_10 {strides = array<i32>} : memref<16384xf32, #tpu.memory_space<vmem>>, vector<16xf32>,
            %scan3A_169 = arith.constant 0 : i32
            scf.yield %scan3A_169 : i32
          }
          %scan3A_158 = arith.constant 1024 : i32
          %eq3A_159 = arith.constant 1 : i32
          %eq3A_160 = arith.cmpi eq, %scan3A_116, %eq3A_159 : i32
          %convert_element_type3A_161 = arith.extui %eq3A_160 : i1 to i32
          %cond3A_162 = arith.constant 0 : i32
          %cond3A_163 = arith.cmpi ne, %convert_element_type3A_161, %cond3A_162 : i32
          scf.if %cond3A_163 {
            %mul3A_164 = arith.constant 1048576 : i32
            %mul3A_165 = arith.muli %add3A, %mul3A_164 : i32
            %add3A_166 = arith.constant 983040 : i32
            %add3A_167 = arith.addi %mul3A_165, %add3A_166 : i32
            %add3A_168 = arith.constant 16384 : i32
            %add3A_169 = arith.addi %add3A_167, %add3A_168 : i32
            "tpu.region"() ({
              %run_scoped3A = tpu.sem_alloc : memref<!tpu.dma_semaphore, #tpu.memory_space<semaphore_mem>>
              %dma_start3A = arith.constant 0 : i32
              %dma_start3A_170 = tpu.memref_slice %arg12[%dma_start3A] : memref<16384xf32, #tpu.memory_space<vmem>> -> memref<576xf32, #tpu.memory_space<vmem>>
              %dma_start3A_171 = tpu.memref_slice %arg7[%add3A_169] : memref<16777216xf32, #tpu.memory_space<hbm>> -> memref<576xf32, #tpu.memory_space<hbm>>
              %dma_start3A_172 = arith.constant 0 : i32
              %dma_start3A_173 = tpu.memref_slice %arg12[%dma_start3A_172] : memref<16384xf32, #tpu.memory_space<vmem>> -> memref<576xf32, #tpu.memory_space<vmem>>
              %dma_start3A_174 = tpu.memref_slice %arg7[%add3A_169] : memref<16777216xf32, #tpu.memory_space<hbm>> -> memref<576xf32, #tpu.memory_space<hbm>>
              tpu.enqueue_dma source(%dma_start3A_174 : memref<576xf32, #tpu.memory_space<hbm>>) target(%dma_start3A_173 : memref<576xf32, #tpu.memory_space<vmem>>) target_semaphore(%run_scoped3A : memref<!tpu.dma_semaphore, #tpu.memory_space<semaphore_mem>>)
              %dma_wait3A = arith.constant 0 : i32
              %dma_wait3A_175 = tpu.memref_slice %arg12[%dma_wait3A] : memref<16384xf32, #tpu.memory_space<vmem>> -> memref<576xf32, #tpu.memory_space<vmem>>
              %dma_wait3A_176 = tpu.memref_slice %arg7[%add3A_169] : memref<16777216xf32, #tpu.memory_space<hbm>> -> memref<576xf32, #tpu.memory_space<hbm>>
              %dma_wait3A_177 = arith.constant 0 : i32
              %dma_wait3A_178 = tpu.memref_slice %arg12[%dma_wait3A_177] : memref<16384xf32, #tpu.memory_space<vmem>> -> memref<576xf32, #tpu.memory_space<vmem>>
              %dma_wait3A_179 = tpu.memref_slice %arg7[%add3A_169] : memref<16777216xf32, #tpu.memory_space<hbm>> -> memref<576xf32, #tpu.memory_space<hbm>>
              tpu.wait_dma2 semaphore(%run_scoped3A : memref<!tpu.dma_semaphore, #tpu.memory_space<semaphore_mem>>) src(%dma_wait3A_179 : memref<576xf32, #tpu.memory_space<hbm>>) dst(%dma_wait3A_178 : memref<576xf32, #tpu.memory_space<vmem>>)
              tpu.yield
            }) : () -> ()
          } else {
          }
        } else {
        }
        %scan3A_136 = arith.constant 0 : i32
        %scan3A_137 = arith.constant 0 : i32
        %scan3A_138 = arith.constant 1024 : i32
        %scan3A_139 = arith.addi %scan3A_137, %scan3A_138 : i32
        %scan3A_140 = arith.constant 1 : i32
        %scan3A_141 = scf.for %scan3A_152 = %scan3A_137 to %scan3A_139 step %scan3A_140 iter_args(%scan3A_153 = %scan3A_136) -> (i32)  : i32 {
          %mul3A_154 = arith.constant 16 : i32
          %mul3A_155 = arith.muli %scan3A_152, %mul3A_154 : i32
          %get3A_156 = arith.index_cast %mul3A_155 : i32 to index
          %get3A_157 = tpu.vector_load %arg12[%get3A_156] {strides = array<i32>} : memref<16384xf32, #tpu.memory_space<vmem>>, vector<16xf32>,
          %bitcast3A_158 = vector.bitcast %get3A_157 : vector<16xf32> to vector<16xi32>
          %shift_right_logical3A = arith.constant 8 : i32
          %shift_right_logical3A_159 = vector.broadcast %shift_right_logical3A : i32 to vector<16xi32>
          %shift_right_logical3A_160 = arith.shrui %bitcast3A_158, %shift_right_logical3A_159 : vector<16xi32>
          %and3A_161 = arith.constant 255 : i32
          %and3A_162 = vector.broadcast %and3A_161 : i32 to vector<16xi32>
          %and3A_163 = arith.andi %shift_right_logical3A_160, %and3A_162 : vector<16xi32>
          %broadcast_in_dim3A_164 = arith.constant true
          %broadcast_in_dim3A_165 = vector.broadcast %broadcast_in_dim3A_164 : i1 to vector<16xi1>
          %unique3A, %unique3A_166 = tpu.scan_count mask(%broadcast_in_dim3A_165 : vector<16xi1>) value(%and3A_163 : vector<16xi32>) : vector<16xi1>, vector<16xi32>
          %gather3A = tpu.vector_load_idx %arg15[%and3A_163] : memref<256xi32, #tpu.memory_space<vmem>>[vector<16xi32>], vector<16xi32>,
          %add3A_167 = arith.addi %gather3A, %unique3A_166 : vector<16xi32>
          tpu.vector_store_idx %arg15[%and3A_163], %add3A_167 masked %unique3A : memref<256xi32, #tpu.memory_space<vmem>>[vector<16xi32>], vector<16xi32>, vector<16xi1>
          %sub3A = arith.constant 1 : i32
          %sub3A_168 = vector.broadcast %sub3A : i32 to vector<16xi32>
          %sub3A_169 = arith.subi %add3A_167, %sub3A_168 : vector<16xi32>
          %ge3A = arith.constant 1000000 : i32
          %ge3A_170 = vector.broadcast %ge3A : i32 to vector<16xi32>
          %ge3A_171 = arith.cmpi sge, %sub3A_169, %ge3A_170 : vector<16xi32>
          %jit3A = arith.constant -1 : i32
          %broadcast_in_dim3A_172 = vector.broadcast %jit3A : i32 to vector<16xi32>
          %select_n3A_173 = arith.select %ge3A_171, %broadcast_in_dim3A_172, %sub3A_169 : vector<16xi1>, vector<16xi32>
          %mul3A_174 = arith.constant 16 : i32
          %mul3A_175 = arith.muli %scan3A_152, %mul3A_174 : i32
          %swap3A = arith.index_cast %mul3A_175 : i32 to index
          %swap3A_176 = tpu.vector_load %arg13[%swap3A] {strides = array<i32>} : memref<16384xi32, #tpu.memory_space<vmem>>, vector<16xi32>,
          tpu.vector_store %arg13[%swap3A], %select_n3A_173 {strides = array<i32>} : memref<16384xi32, #tpu.memory_space<vmem>>, vector<16xi32>,
          %scan3A_177 = arith.constant 0 : i32
          scf.yield %scan3A_177 : i32
        }
        %scan3A_142 = arith.constant 1024 : i32
        "tpu.region"() ({
          %run_scoped3A = tpu.sem_alloc : memref<!tpu.dma_semaphore, #tpu.memory_space<semaphore_mem>>
          %dma_start3A = arith.constant 0 : i32
          %dma_start3A_152 = tpu.memref_slice %arg21[%dma_start3A] : memref<1000064xf32, #tpu.memory_space<vmem_shared>> -> memref<1000064xf32, #tpu.memory_space<vmem_shared>>
          %dma_start3A_153 = arith.constant -1 : i32
          tpu.enqueue_indirect_dma source(%arg12 : memref<16384xf32, #tpu.memory_space<vmem>>) target(%dma_start3A_152 : memref<1000064xf32, #tpu.memory_space<vmem_shared>>) offsets(%arg13 : memref<16384xi32, #tpu.memory_space<vmem>>) offset_filter(%dma_start3A_153) semaphore(%run_scoped3A : memref<!tpu.dma_semaphore, #tpu.memory_space<semaphore_mem>>)
          %dma_wait3A = arith.constant 0 : i32
          %dma_wait3A_154 = tpu.memref_slice %arg21[%dma_wait3A] : memref<1000064xf32, #tpu.memory_space<vmem_shared>> -> memref<1000064xf32, #tpu.memory_space<vmem_shared>>
          tpu.wait_indirect_dma semaphore(%run_scoped3A : memref<!tpu.dma_semaphore, #tpu.memory_space<semaphore_mem>>) src(%arg12 : memref<16384xf32, #tpu.memory_space<vmem>>) dst(%dma_wait3A_154 : memref<1000064xf32, #tpu.memory_space<vmem_shared>>)
          tpu.yield
        }) : () -> ()
        %mul3A_143 = arith.constant 16 : i32
        %mul3A_144 = arith.muli %arg0, %mul3A_143 : i32
        %add3A_145 = arith.addi %mul3A_144, %arg1 : i32
        %mul3A_146 = arith.constant 4 : i32
        %mul3A_147 = arith.muli %add3A_145, %mul3A_146 : i32
        %add3A_148 = arith.addi %mul3A_147, %scan3A_116 : i32
        %mul3A_149 = arith.constant 16384 : i32
        %mul3A_150 = arith.muli %add3A_148, %mul3A_149 : i32
        "tpu.region"() ({
          %run_scoped3A = tpu.sem_alloc : memref<!tpu.dma_semaphore, #tpu.memory_space<semaphore_mem>>
          %dma_start3A = tpu.memref_slice %arg11[%mul3A_150] : memref<2097152xi32, #tpu.memory_space<hbm>> -> memref<16384xi32, #tpu.memory_space<hbm>>
          %dma_start3A_152 = tpu.memref_slice %arg11[%mul3A_150] : memref<2097152xi32, #tpu.memory_space<hbm>> -> memref<16384xi32, #tpu.memory_space<hbm>>
          tpu.enqueue_dma source(%arg13 : memref<16384xi32, #tpu.memory_space<vmem>>) target(%dma_start3A_152 : memref<16384xi32, #tpu.memory_space<hbm>>) target_semaphore(%run_scoped3A : memref<!tpu.dma_semaphore, #tpu.memory_space<semaphore_mem>>)
          %dma_wait3A = tpu.memref_slice %arg11[%mul3A_150] : memref<2097152xi32, #tpu.memory_space<hbm>> -> memref<16384xi32, #tpu.memory_space<hbm>>
          %dma_wait3A_153 = tpu.memref_slice %arg11[%mul3A_150] : memref<2097152xi32, #tpu.memory_space<hbm>> -> memref<16384xi32, #tpu.memory_space<hbm>>
          tpu.wait_dma2 semaphore(%run_scoped3A : memref<!tpu.dma_semaphore, #tpu.memory_space<semaphore_mem>>) src(%arg13 : memref<16384xi32, #tpu.memory_space<vmem>>) dst(%dma_wait3A_153 : memref<16384xi32, #tpu.memory_space<hbm>>)
          tpu.yield
        }) : () -> ()
        %scan3A_151 = arith.constant 0 : i32
        scf.yield %scan3A_151 : i32
      }
      %scan3A_89 = arith.constant 4 : i32
      %barrier3A_90 = arith.constant 0 : index
      tpu.barrier barrier_id(%barrier3A_90)
      %mul3A_91 = arith.constant 1048576 : i32
      %mul3A_92 = arith.muli %add3A, %mul3A_91 : i32
      %mul3A_93 = arith.constant 65536 : i32
      %mul3A_94 = arith.muli %arg1, %mul3A_93 : i32
      %mul3A_95 = arith.constant 65536 : i32
      %mul3A_96 = arith.muli %arg1, %mul3A_95 : i32
      %add3A_97 = arith.addi %mul3A_92, %mul3A_96 : i32
      "tpu.region"() ({
        %run_scoped3A = tpu.sem_alloc : memref<!tpu.dma_semaphore, #tpu.memory_space<semaphore_mem>>
        %dma_start3A = tpu.memref_slice %arg9[%add3A_97] : memref<16777216xf32, #tpu.memory_space<hbm>> -> memref<65536xf32, #tpu.memory_space<hbm>>
        %dma_start3A_116 = tpu.memref_slice %arg21[%mul3A_94] : memref<1000064xf32, #tpu.memory_space<vmem_shared>> -> memref<65536xf32, #tpu.memory_space<vmem_shared>>
        tpu.enqueue_dma source(%dma_start3A_116 : memref<65536xf32, #tpu.memory_space<vmem_shared>>) target(%dma_start3A : memref<65536xf32, #tpu.memory_space<hbm>>) target_semaphore(%run_scoped3A : memref<!tpu.dma_semaphore, #tpu.memory_space<semaphore_mem>>)
        %dma_wait3A = tpu.memref_slice %arg9[%add3A_97] : memref<16777216xf32, #tpu.memory_space<hbm>> -> memref<65536xf32, #tpu.memory_space<hbm>>
        %dma_wait3A_117 = tpu.memref_slice %arg21[%mul3A_94] : memref<1000064xf32, #tpu.memory_space<vmem_shared>> -> memref<65536xf32, #tpu.memory_space<vmem_shared>>
        tpu.wait_dma2 semaphore(%run_scoped3A : memref<!tpu.dma_semaphore, #tpu.memory_space<semaphore_mem>>) src(%dma_wait3A_117 : memref<65536xf32, #tpu.memory_space<vmem_shared>>) dst(%dma_wait3A : memref<65536xf32, #tpu.memory_space<hbm>>)
        tpu.yield
      }) : () -> ()
      %barrier3A_98 = arith.constant 0 : index
      tpu.barrier barrier_id(%barrier3A_98)
      %scan3A_99 = arith.constant 0 : i32
      %scan3A_100 = arith.constant 0 : i32
      %scan3A_101 = arith.constant 4 : i32
      %scan3A_102 = arith.addi %scan3A_100, %scan3A_101 : i32
      %scan3A_103 = arith.constant 1 : i32
      %scan3A_104 = scf.for %scan3A_116 = %scan3A_100 to %scan3A_102 step %scan3A_103 iter_args(%scan3A_117 = %scan3A_99) -> (i32)  : i32 {
        %mul3A_118 = arith.constant 1048576 : i32
        %mul3A_119 = arith.muli %add3A, %mul3A_118 : i32
        %mul3A_120 = arith.constant 65536 : i32
        %mul3A_121 = arith.muli %arg1, %mul3A_120 : i32
        %add3A_122 = arith.addi %mul3A_119, %mul3A_121 : i32
        %mul3A_123 = arith.constant 16384 : i32
        %mul3A_124 = arith.muli %scan3A_116, %mul3A_123 : i32
        %add3A_125 = arith.addi %add3A_122, %mul3A_124 : i32
        "tpu.region"() ({
          %run_scoped3A = tpu.sem_alloc : memref<!tpu.dma_semaphore, #tpu.memory_space<semaphore_mem>>
          %dma_start3A = tpu.memref_slice %arg8[%add3A_125] : memref<16777216xf32, #tpu.memory_space<hbm>> -> memref<16384xf32, #tpu.memory_space<hbm>>
          %dma_start3A_135 = tpu.memref_slice %arg8[%add3A_125] : memref<16777216xf32, #tpu.memory_space<hbm>> -> memref<16384xf32, #tpu.memory_space<hbm>>
          tpu.enqueue_dma source(%dma_start3A_135 : memref<16384xf32, #tpu.memory_space<hbm>>) target(%arg12 : memref<16384xf32, #tpu.memory_space<vmem>>) target_semaphore(%run_scoped3A : memref<!tpu.dma_semaphore, #tpu.memory_space<semaphore_mem>>)
          %dma_wait3A = tpu.memref_slice %arg8[%add3A_125] : memref<16777216xf32, #tpu.memory_space<hbm>> -> memref<16384xf32, #tpu.memory_space<hbm>>
          %dma_wait3A_136 = tpu.memref_slice %arg8[%add3A_125] : memref<16777216xf32, #tpu.memory_space<hbm>> -> memref<16384xf32, #tpu.memory_space<hbm>>
          tpu.wait_dma2 semaphore(%run_scoped3A : memref<!tpu.dma_semaphore, #tpu.memory_space<semaphore_mem>>) src(%dma_wait3A_136 : memref<16384xf32, #tpu.memory_space<hbm>>) dst(%arg12 : memref<16384xf32, #tpu.memory_space<vmem>>)
          tpu.yield
        }) : () -> ()
        %mul3A_126 = arith.constant 16 : i32
        %mul3A_127 = arith.muli %arg0, %mul3A_126 : i32
        %add3A_128 = arith.addi %mul3A_127, %arg1 : i32
        %mul3A_129 = arith.constant 4 : i32
        %mul3A_130 = arith.muli %add3A_128, %mul3A_129 : i32
        %add3A_131 = arith.addi %mul3A_130, %scan3A_116 : i32
        %mul3A_132 = arith.constant 16384 : i32
        %mul3A_133 = arith.muli %add3A_131, %mul3A_132 : i32
        "tpu.region"() ({
          %run_scoped3A = tpu.sem_alloc : memref<!tpu.dma_semaphore, #tpu.memory_space<semaphore_mem>>
          %dma_start3A = tpu.memref_slice %arg11[%mul3A_133] : memref<2097152xi32, #tpu.memory_space<hbm>> -> memref<16384xi32, #tpu.memory_space<hbm>>
          %dma_start3A_135 = tpu.memref_slice %arg11[%mul3A_133] : memref<2097152xi32, #tpu.memory_space<hbm>> -> memref<16384xi32, #tpu.memory_space<hbm>>
          tpu.enqueue_dma source(%dma_start3A_135 : memref<16384xi32, #tpu.memory_space<hbm>>) target(%arg13 : memref<16384xi32, #tpu.memory_space<vmem>>) target_semaphore(%run_scoped3A : memref<!tpu.dma_semaphore, #tpu.memory_space<semaphore_mem>>)
          %dma_wait3A = tpu.memref_slice %arg11[%mul3A_133] : memref<2097152xi32, #tpu.memory_space<hbm>> -> memref<16384xi32, #tpu.memory_space<hbm>>
          %dma_wait3A_136 = tpu.memref_slice %arg11[%mul3A_133] : memref<2097152xi32, #tpu.memory_space<hbm>> -> memref<16384xi32, #tpu.memory_space<hbm>>
          tpu.wait_dma2 semaphore(%run_scoped3A : memref<!tpu.dma_semaphore, #tpu.memory_space<semaphore_mem>>) src(%dma_wait3A_136 : memref<16384xi32, #tpu.memory_space<hbm>>) dst(%arg13 : memref<16384xi32, #tpu.memory_space<vmem>>)
          tpu.yield
        }) : () -> ()
        "tpu.region"() ({
          %run_scoped3A = tpu.sem_alloc : memref<!tpu.dma_semaphore, #tpu.memory_space<semaphore_mem>>
          %dma_start3A = arith.constant 0 : i32
          %dma_start3A_135 = tpu.memref_slice %arg21[%dma_start3A] : memref<1000064xf32, #tpu.memory_space<vmem_shared>> -> memref<1000064xf32, #tpu.memory_space<vmem_shared>>
          %dma_start3A_136 = arith.constant -1 : i32
          tpu.enqueue_indirect_dma source(%arg12 : memref<16384xf32, #tpu.memory_space<vmem>>) target(%dma_start3A_135 : memref<1000064xf32, #tpu.memory_space<vmem_shared>>) offsets(%arg13 : memref<16384xi32, #tpu.memory_space<vmem>>) offset_filter(%dma_start3A_136) semaphore(%run_scoped3A : memref<!tpu.dma_semaphore, #tpu.memory_space<semaphore_mem>>)
          %dma_wait3A = arith.constant 0 : i32
          %dma_wait3A_137 = tpu.memref_slice %arg21[%dma_wait3A] : memref<1000064xf32, #tpu.memory_space<vmem_shared>> -> memref<1000064xf32, #tpu.memory_space<vmem_shared>>
          tpu.wait_indirect_dma semaphore(%run_scoped3A : memref<!tpu.dma_semaphore, #tpu.memory_space<semaphore_mem>>) src(%arg12 : memref<16384xf32, #tpu.memory_space<vmem>>) dst(%dma_wait3A_137 : memref<1000064xf32, #tpu.memory_space<vmem_shared>>)
          tpu.yield
        }) : () -> ()
        %scan3A_134 = arith.constant 0 : i32
        scf.yield %scan3A_134 : i32
      }
      %scan3A_105 = arith.constant 4 : i32
      %barrier3A_106 = arith.constant 0 : index
      tpu.barrier barrier_id(%barrier3A_106)
      %mul3A_107 = arith.constant 1048576 : i32
      %mul3A_108 = arith.muli %add3A, %mul3A_107 : i32
      %mul3A_109 = arith.constant 65536 : i32
      %mul3A_110 = arith.muli %arg1, %mul3A_109 : i32
      %mul3A_111 = arith.constant 65536 : i32
      %mul3A_112 = arith.muli %arg1, %mul3A_111 : i32
      %add3A_113 = arith.addi %mul3A_108, %mul3A_112 : i32
      "tpu.region"() ({
        %run_scoped3A = tpu.sem_alloc : memref<!tpu.dma_semaphore, #tpu.memory_space<semaphore_mem>>
        %dma_start3A = tpu.memref_slice %arg10[%add3A_113] : memref<16777216xf32, #tpu.memory_space<hbm>> -> memref<65536xf32, #tpu.memory_space<hbm>>
        %dma_start3A_116 = tpu.memref_slice %arg21[%mul3A_110] : memref<1000064xf32, #tpu.memory_space<vmem_shared>> -> memref<65536xf32, #tpu.memory_space<vmem_shared>>
        tpu.enqueue_dma source(%dma_start3A_116 : memref<65536xf32, #tpu.memory_space<vmem_shared>>) target(%dma_start3A : memref<65536xf32, #tpu.memory_space<hbm>>) target_semaphore(%run_scoped3A : memref<!tpu.dma_semaphore, #tpu.memory_space<semaphore_mem>>)
        %dma_wait3A = tpu.memref_slice %arg10[%add3A_113] : memref<16777216xf32, #tpu.memory_space<hbm>> -> memref<65536xf32, #tpu.memory_space<hbm>>
        %dma_wait3A_117 = tpu.memref_slice %arg21[%mul3A_110] : memref<1000064xf32, #tpu.memory_space<vmem_shared>> -> memref<65536xf32, #tpu.memory_space<vmem_shared>>
        tpu.wait_dma2 semaphore(%run_scoped3A : memref<!tpu.dma_semaphore, #tpu.memory_space<semaphore_mem>>) src(%dma_wait3A_117 : memref<65536xf32, #tpu.memory_space<vmem_shared>>) dst(%dma_wait3A : memref<65536xf32, #tpu.memory_space<hbm>>)
        tpu.yield
      }) : () -> ()
      %barrier3A_114 = arith.constant 0 : index
      tpu.barrier barrier_id(%barrier3A_114)
      %scan3A_115 = arith.constant 0 : i32
      scf.yield %scan3A_115 : i32
    }
    %scan3A_23 = arith.constant 8 : i32
    %scan3A_24 = arith.constant 0 : i32
    %scan3A_25 = arith.constant 0 : i32
    %scan3A_26 = arith.constant 8 : i32
    %scan3A_27 = arith.addi %scan3A_25, %scan3A_26 : i32
    %scan3A_28 = arith.constant 1 : i32
    %scan3A_29 = scf.for %scan3A_38 = %scan3A_25 to %scan3A_27 step %scan3A_28 iter_args(%scan3A_39 = %scan3A_24) -> (i32)  : i32 {
      %mul3A = arith.constant 8 : i32
      %mul3A_40 = arith.muli %arg0, %mul3A : i32
      %add3A = arith.addi %mul3A_40, %scan3A_38 : i32
      %scan3A_41 = arith.constant 0 : i32
      %scan3A_42 = arith.constant 0 : i32
      %scan3A_43 = arith.constant 256 : i32
      %scan3A_44 = arith.addi %scan3A_42, %scan3A_43 : i32
      %scan3A_45 = arith.constant 1 : i32
      %scan3A_46 = scf.for %scan3A_116 = %scan3A_42 to %scan3A_44 step %scan3A_45 iter_args(%scan3A_117 = %scan3A_41) -> (i32)  : i32 {
        %broadcast_in_dim3A_118 = arith.constant 0 : i32
        %broadcast_in_dim3A_119 = vector.broadcast %broadcast_in_dim3A_118 : i32 to vector<16xi32>
        %mul3A_120 = arith.constant 16 : i32
        %mul3A_121 = arith.muli %scan3A_116, %mul3A_120 : i32
        %swap3A = arith.index_cast %mul3A_121 : i32 to index
        %swap3A_122 = tpu.vector_load %arg14[%swap3A] {strides = array<i32>} : memref<4096xi32, #tpu.memory_space<vmem>>, vector<16xi32>,
        tpu.vector_store %arg14[%swap3A], %broadcast_in_dim3A_119 {strides = array<i32>} : memref<4096xi32, #tpu.memory_space<vmem>>, vector<16xi32>,
        %scan3A_123 = arith.constant 0 : i32
        scf.yield %scan3A_123 : i32
      }
      %scan3A_47 = arith.constant 256 : i32
      %scan3A_48 = arith.constant 0 : i32
      %scan3A_49 = arith.constant 0 : i32
      %scan3A_50 = arith.constant 4 : i32
      %scan3A_51 = arith.addi %scan3A_49, %scan3A_50 : i32
      %scan3A_52 = arith.constant 1 : i32
      %scan3A_53 = scf.for %scan3A_116 = %scan3A_49 to %scan3A_51 step %scan3A_52 iter_args(%scan3A_117 = %scan3A_48) -> (i32)  : i32 {
        %mul3A_118 = arith.constant 1048576 : i32
        %mul3A_119 = arith.muli %add3A, %mul3A_118 : i32
        %mul3A_120 = arith.constant 65536 : i32
        %mul3A_121 = arith.muli %arg1, %mul3A_120 : i32
        %add3A_122 = arith.addi %mul3A_119, %mul3A_121 : i32
        %mul3A_123 = arith.constant 16384 : i32
        %mul3A_124 = arith.muli %scan3A_116, %mul3A_123 : i32
        %add3A_125 = arith.addi %add3A_122, %mul3A_124 : i32
        %lt3A_126 = arith.constant 15 : i32
        %lt3A_127 = arith.cmpi slt, %arg1, %lt3A_126 : i32
        %eq3A = arith.constant 0 : i32
        %eq3A_128 = arith.cmpi eq, %scan3A_116, %eq3A : i32
        %or3A = arith.ori %lt3A_127, %eq3A_128 : i1
        %convert_element_type3A = arith.extui %or3A : i1 to i32
        %cond3A = arith.constant 0 : i32
        %cond3A_129 = arith.cmpi ne, %convert_element_type3A, %cond3A : i32
        scf.if %cond3A_129 {
          "tpu.region"() ({
            %run_scoped3A = tpu.sem_alloc : memref<!tpu.dma_semaphore, #tpu.memory_space<semaphore_mem>>
            %dma_start3A = tpu.memref_slice %arg9[%add3A_125] : memref<16777216xf32, #tpu.memory_space<hbm>> -> memref<16384xf32, #tpu.memory_space<hbm>>
            %dma_start3A_144 = tpu.memref_slice %arg9[%add3A_125] : memref<16777216xf32, #tpu.memory_space<hbm>> -> memref<16384xf32, #tpu.memory_space<hbm>>
            tpu.enqueue_dma source(%dma_start3A_144 : memref<16384xf32, #tpu.memory_space<hbm>>) target(%arg12 : memref<16384xf32, #tpu.memory_space<vmem>>) target_semaphore(%run_scoped3A : memref<!tpu.dma_semaphore, #tpu.memory_space<semaphore_mem>>)
            %dma_wait3A = tpu.memref_slice %arg9[%add3A_125] : memref<16777216xf32, #tpu.memory_space<hbm>> -> memref<16384xf32, #tpu.memory_space<hbm>>
            %dma_wait3A_145 = tpu.memref_slice %arg9[%add3A_125] : memref<16777216xf32, #tpu.memory_space<hbm>> -> memref<16384xf32, #tpu.memory_space<hbm>>
            tpu.wait_dma2 semaphore(%run_scoped3A : memref<!tpu.dma_semaphore, #tpu.memory_space<semaphore_mem>>) src(%dma_wait3A_145 : memref<16384xf32, #tpu.memory_space<hbm>>) dst(%arg12 : memref<16384xf32, #tpu.memory_space<vmem>>)
            tpu.yield
          }) : () -> ()
        } else {
        }
        %eq3A_130 = arith.constant 15 : i32
        %eq3A_131 = arith.cmpi eq, %arg1, %eq3A_130 : i32
        %gt3A = arith.constant 0 : i32
        %gt3A_132 = arith.cmpi sgt, %scan3A_116, %gt3A : i32
        %and3A = arith.andi %eq3A_131, %gt3A_132 : i1
        %convert_element_type3A_133 = arith.extui %and3A : i1 to i32
        %cond3A_134 = arith.constant 0 : i32
        %cond3A_135 = arith.cmpi ne, %convert_element_type3A_133, %cond3A_134 : i32
        scf.if %cond3A_135 {
          %scan3A_144 = arith.constant 0 : i32
          %scan3A_145 = arith.constant 0 : i32
          %scan3A_146 = arith.constant 1024 : i32
          %scan3A_147 = arith.addi %scan3A_145, %scan3A_146 : i32
          %scan3A_148 = arith.constant 1 : i32
          %scan3A_149 = scf.for %scan3A_156 = %scan3A_145 to %scan3A_147 step %scan3A_148 iter_args(%scan3A_157 = %scan3A_144) -> (i32)  : i32 {
            %mul3A_158 = arith.constant 16 : i32
            %mul3A_159 = arith.muli %scan3A_156, %mul3A_158 : i32
            %swap3A = arith.index_cast %mul3A_159 : i32 to index
            %swap3A_160 = tpu.vector_load %arg12[%swap3A] {strides = array<i32>} : memref<16384xf32, #tpu.memory_space<vmem>>, vector<16xf32>,
            tpu.vector_store %arg12[%swap3A], %bitcast3A_10 {strides = array<i32>} : memref<16384xf32, #tpu.memory_space<vmem>>, vector<16xf32>,
            %scan3A_161 = arith.constant 0 : i32
            scf.yield %scan3A_161 : i32
          }
          %scan3A_150 = arith.constant 1024 : i32
          %eq3A_151 = arith.constant 1 : i32
          %eq3A_152 = arith.cmpi eq, %scan3A_116, %eq3A_151 : i32
          %convert_element_type3A_153 = arith.extui %eq3A_152 : i1 to i32
          %cond3A_154 = arith.constant 0 : i32
          %cond3A_155 = arith.cmpi ne, %convert_element_type3A_153, %cond3A_154 : i32
          scf.if %cond3A_155 {
            %mul3A_156 = arith.constant 1048576 : i32
            %mul3A_157 = arith.muli %add3A, %mul3A_156 : i32
            %add3A_158 = arith.constant 983040 : i32
            %add3A_159 = arith.addi %mul3A_157, %add3A_158 : i32
            %add3A_160 = arith.constant 16384 : i32
            %add3A_161 = arith.addi %add3A_159, %add3A_160 : i32
            "tpu.region"() ({
              %run_scoped3A = tpu.sem_alloc : memref<!tpu.dma_semaphore, #tpu.memory_space<semaphore_mem>>
              %dma_start3A = arith.constant 0 : i32
              %dma_start3A_162 = tpu.memref_slice %arg12[%dma_start3A] : memref<16384xf32, #tpu.memory_space<vmem>> -> memref<576xf32, #tpu.memory_space<vmem>>
              %dma_start3A_163 = tpu.memref_slice %arg9[%add3A_161] : memref<16777216xf32, #tpu.memory_space<hbm>> -> memref<576xf32, #tpu.memory_space<hbm>>
              %dma_start3A_164 = arith.constant 0 : i32
              %dma_start3A_165 = tpu.memref_slice %arg12[%dma_start3A_164] : memref<16384xf32, #tpu.memory_space<vmem>> -> memref<576xf32, #tpu.memory_space<vmem>>
              %dma_start3A_166 = tpu.memref_slice %arg9[%add3A_161] : memref<16777216xf32, #tpu.memory_space<hbm>> -> memref<576xf32, #tpu.memory_space<hbm>>
              tpu.enqueue_dma source(%dma_start3A_166 : memref<576xf32, #tpu.memory_space<hbm>>) target(%dma_start3A_165 : memref<576xf32, #tpu.memory_space<vmem>>) target_semaphore(%run_scoped3A : memref<!tpu.dma_semaphore, #tpu.memory_space<semaphore_mem>>)
              %dma_wait3A = arith.constant 0 : i32
              %dma_wait3A_167 = tpu.memref_slice %arg12[%dma_wait3A] : memref<16384xf32, #tpu.memory_space<vmem>> -> memref<576xf32, #tpu.memory_space<vmem>>
              %dma_wait3A_168 = tpu.memref_slice %arg9[%add3A_161] : memref<16777216xf32, #tpu.memory_space<hbm>> -> memref<576xf32, #tpu.memory_space<hbm>>
              %dma_wait3A_169 = arith.constant 0 : i32
              %dma_wait3A_170 = tpu.memref_slice %arg12[%dma_wait3A_169] : memref<16384xf32, #tpu.memory_space<vmem>> -> memref<576xf32, #tpu.memory_space<vmem>>
              %dma_wait3A_171 = tpu.memref_slice %arg9[%add3A_161] : memref<16777216xf32, #tpu.memory_space<hbm>> -> memref<576xf32, #tpu.memory_space<hbm>>
              tpu.wait_dma2 semaphore(%run_scoped3A : memref<!tpu.dma_semaphore, #tpu.memory_space<semaphore_mem>>) src(%dma_wait3A_171 : memref<576xf32, #tpu.memory_space<hbm>>) dst(%dma_wait3A_170 : memref<576xf32, #tpu.memory_space<vmem>>)
              tpu.yield
            }) : () -> ()
          } else {
          }
        } else {
        }
        %scan3A_136 = arith.constant 0 : i32
        %scan3A_137 = arith.constant 0 : i32
        %scan3A_138 = arith.constant 1024 : i32
        %scan3A_139 = arith.addi %scan3A_137, %scan3A_138 : i32
        %scan3A_140 = arith.constant 1 : i32
        %scan3A_141 = scf.for %scan3A_144 = %scan3A_137 to %scan3A_139 step %scan3A_140 iter_args(%scan3A_145 = %scan3A_136) -> (i32)  : i32 {
          %mul3A_146 = arith.constant 16 : i32
          %mul3A_147 = arith.muli %scan3A_144, %mul3A_146 : i32
          %get3A_148 = arith.index_cast %mul3A_147 : i32 to index
          %get3A_149 = tpu.vector_load %arg12[%get3A_148] {strides = array<i32>} : memref<16384xf32, #tpu.memory_space<vmem>>, vector<16xf32>,
          %bitcast3A_150 = vector.bitcast %get3A_149 : vector<16xf32> to vector<16xi32>
          %shift_right_logical3A = arith.constant 16 : i32
          %shift_right_logical3A_151 = vector.broadcast %shift_right_logical3A : i32 to vector<16xi32>
          %shift_right_logical3A_152 = arith.shrui %bitcast3A_150, %shift_right_logical3A_151 : vector<16xi32>
          %and3A_153 = arith.constant 255 : i32
          %and3A_154 = vector.broadcast %and3A_153 : i32 to vector<16xi32>
          %and3A_155 = arith.andi %shift_right_logical3A_152, %and3A_154 : vector<16xi32>
          %mul3A_156 = arith.constant 16 : i32
          %mul3A_157 = vector.broadcast %mul3A_156 : i32 to vector<16xi32>
          %mul3A_158 = arith.muli %and3A_155, %mul3A_157 : vector<16xi32>
          %add3A_159 = arith.addi %mul3A_158, %iota3A : vector<16xi32>
          tpu.vector_store_idx %arg14[%add3A_159], %broadcast_in_dim3A_0 {add = true} : memref<4096xi32, #tpu.memory_space<vmem>>[vector<16xi32>], vector<16xi32>,
          %scan3A_160 = arith.constant 0 : i32
          scf.yield %scan3A_160 : i32
        }
        %scan3A_142 = arith.constant 1024 : i32
        %scan3A_143 = arith.constant 0 : i32
        scf.yield %scan3A_143 : i32
      }
      %scan3A_54 = arith.constant 4 : i32
      %scan3A_55 = arith.constant 0 : i32
      %scan3A_56 = arith.constant 0 : i32
      %scan3A_57 = arith.constant 256 : i32
      %scan3A_58 = arith.addi %scan3A_56, %scan3A_57 : i32
      %scan3A_59 = arith.constant 1 : i32
      %scan3A_60 = scf.for %scan3A_116 = %scan3A_56 to %scan3A_58 step %scan3A_59 iter_args(%scan3A_117 = %scan3A_55) -> (i32)  : i32 {
        %mul3A_118 = arith.constant 16 : i32
        %mul3A_119 = arith.muli %scan3A_116, %mul3A_118 : i32
        %get3A_120 = arith.index_cast %mul3A_119 : i32 to index
        %get3A_121 = tpu.vector_load %arg14[%get3A_120] {strides = array<i32>} : memref<4096xi32, #tpu.memory_space<vmem>>, vector<16xi32>,
        %broadcast_in_dim3A_122 = arith.constant true
        %broadcast_in_dim3A_123 = vector.broadcast %broadcast_in_dim3A_122 : i1 to vector<16xi1>
        %masked_cumsum3A = tpu.scan <sum>, %get3A_121 masked %broadcast_in_dim3A_123 : vector<16xi32>, vector<16xi1> -> vector<16xi32>
        %mul3A_124 = arith.constant 16 : i32
        %mul3A_125 = arith.muli %scan3A_116, %mul3A_124 : i32
        %swap3A = arith.index_cast %mul3A_125 : i32 to index
        %swap3A_126 = tpu.vector_load %arg14[%swap3A] {strides = array<i32>} : memref<4096xi32, #tpu.memory_space<vmem>>, vector<16xi32>,
        tpu.vector_store %arg14[%swap3A], %masked_cumsum3A {strides = array<i32>} : memref<4096xi32, #tpu.memory_space<vmem>>, vector<16xi32>,
        %scan3A_127 = arith.constant 0 : i32
        scf.yield %scan3A_127 : i32
      }
      %scan3A_61 = arith.constant 256 : i32
      %scan3A_62 = arith.constant 0 : i32
      %scan3A_63 = arith.constant 0 : i32
      %scan3A_64 = arith.constant 16 : i32
      %scan3A_65 = arith.addi %scan3A_63, %scan3A_64 : i32
      %scan3A_66 = arith.constant 1 : i32
      %scan3A_67 = scf.for %scan3A_116 = %scan3A_63 to %scan3A_65 step %scan3A_66 iter_args(%scan3A_117 = %scan3A_62) -> (i32)  : i32 {
        %mul3A_118 = arith.constant 16 : i32
        %mul3A_119 = arith.muli %scan3A_116, %mul3A_118 : i32
        %add3A_120 = vector.broadcast %mul3A_119 : i32 to vector<16xi32>
        %add3A_121 = arith.addi %add3A_120, %iota3A : vector<16xi32>
        %mul3A_122 = arith.constant 16 : i32
        %mul3A_123 = vector.broadcast %mul3A_122 : i32 to vector<16xi32>
        %mul3A_124 = arith.muli %add3A_121, %mul3A_123 : vector<16xi32>
        %add3A_125 = arith.constant 15 : i32
        %add3A_126 = vector.broadcast %add3A_125 : i32 to vector<16xi32>
        %add3A_127 = arith.addi %mul3A_124, %add3A_126 : vector<16xi32>
        %gather3A = tpu.vector_load_idx %arg14[%add3A_127] : memref<4096xi32, #tpu.memory_space<vmem>>[vector<16xi32>], vector<16xi32>,
        %mul3A_128 = arith.constant 16 : i32
        %mul3A_129 = arith.muli %scan3A_116, %mul3A_128 : i32
        %swap3A = arith.index_cast %mul3A_129 : i32 to index
        %swap3A_130 = tpu.vector_load %arg16[%swap3A] {strides = array<i32>} : memref<256xi32, #tpu.memory_space<vmem>>, vector<16xi32>,
        tpu.vector_store %arg16[%swap3A], %gather3A {strides = array<i32>} : memref<256xi32, #tpu.memory_space<vmem>>, vector<16xi32>,
        %scan3A_131 = arith.constant 0 : i32
        scf.yield %scan3A_131 : i32
      }
      %scan3A_68 = arith.constant 16 : i32
      "tpu.region"() ({
        %run_scoped3A = tpu.sem_alloc : memref<!tpu.dma_semaphore, #tpu.memory_space<semaphore_mem>>
        %dma_start3A = arith.constant 0 : i32
        %dma_start3A_116 = tpu.memref_slice %arg20[%arg1, %dma_start3A] : memref<16x256xi32, #tpu.memory_space<vmem_shared>> -> memref<1x256xi32, #tpu.memory_space<vmem_shared>>
        %dma_start3A_117 = tpu.memref_squeeze %dma_start3A_116 : memref<1x256xi32, #tpu.memory_space<vmem_shared>> -> memref<256xi32, #tpu.memory_space<vmem_shared>>
        %dma_start3A_118 = arith.constant 0 : i32
        %dma_start3A_119 = tpu.memref_slice %arg20[%arg1, %dma_start3A_118] : memref<16x256xi32, #tpu.memory_space<vmem_shared>> -> memref<1x256xi32, #tpu.memory_space<vmem_shared>>
        %dma_start3A_120 = tpu.memref_squeeze %dma_start3A_119 : memref<1x256xi32, #tpu.memory_space<vmem_shared>> -> memref<256xi32, #tpu.memory_space<vmem_shared>>
        tpu.enqueue_dma source(%arg16 : memref<256xi32, #tpu.memory_space<vmem>>) target(%dma_start3A_120 : memref<256xi32, #tpu.memory_space<vmem_shared>>) target_semaphore(%run_scoped3A : memref<!tpu.dma_semaphore, #tpu.memory_space<semaphore_mem>>)
        %dma_wait3A = arith.constant 0 : i32
        %dma_wait3A_121 = tpu.memref_slice %arg20[%arg1, %dma_wait3A] : memref<16x256xi32, #tpu.memory_space<vmem_shared>> -> memref<1x256xi32, #tpu.memory_space<vmem_shared>>
        %dma_wait3A_122 = tpu.memref_squeeze %dma_wait3A_121 : memref<1x256xi32, #tpu.memory_space<vmem_shared>> -> memref<256xi32, #tpu.memory_space<vmem_shared>>
        %dma_wait3A_123 = arith.constant 0 : i32
        %dma_wait3A_124 = tpu.memref_slice %arg20[%arg1, %dma_wait3A_123] : memref<16x256xi32, #tpu.memory_space<vmem_shared>> -> memref<1x256xi32, #tpu.memory_space<vmem_shared>>
        %dma_wait3A_125 = tpu.memref_squeeze %dma_wait3A_124 : memref<1x256xi32, #tpu.memory_space<vmem_shared>> -> memref<256xi32, #tpu.memory_space<vmem_shared>>
        tpu.wait_dma2 semaphore(%run_scoped3A : memref<!tpu.dma_semaphore, #tpu.memory_space<semaphore_mem>>) src(%arg16 : memref<256xi32, #tpu.memory_space<vmem>>) dst(%dma_wait3A_125 : memref<256xi32, #tpu.memory_space<vmem_shared>>)
        tpu.yield
      }) : () -> ()
      %barrier3A = arith.constant 0 : index
      tpu.barrier barrier_id(%barrier3A)
      "tpu.region"() ({
        %run_scoped3A = tpu.sem_alloc : memref<!tpu.dma_semaphore, #tpu.memory_space<semaphore_mem>>
        tpu.enqueue_dma source(%arg20 : memref<16x256xi32, #tpu.memory_space<vmem_shared>>) target(%arg17 : memref<16x256xi32, #tpu.memory_space<vmem>>) target_semaphore(%run_scoped3A : memref<!tpu.dma_semaphore, #tpu.memory_space<semaphore_mem>>)
        tpu.wait_dma2 semaphore(%run_scoped3A : memref<!tpu.dma_semaphore, #tpu.memory_space<semaphore_mem>>) src(%arg20 : memref<16x256xi32, #tpu.memory_space<vmem_shared>>) dst(%arg17 : memref<16x256xi32, #tpu.memory_space<vmem>>)
        tpu.yield
      }) : () -> ()
      %scan3A_69 = arith.constant 0 : i32
      %scan3A_70 = arith.constant 0 : i32
      %scan3A_71 = arith.constant 16 : i32
      %scan3A_72 = arith.addi %scan3A_70, %scan3A_71 : i32
      %scan3A_73 = arith.constant 1 : i32
      %scan3A_74 = scf.for %scan3A_116 = %scan3A_70 to %scan3A_72 step %scan3A_73 iter_args(%scan3A_117 = %scan3A_69) -> (i32)  : i32 {
        %broadcast_in_dim3A_118 = arith.constant 0 : i32
        %broadcast_in_dim3A_119 = vector.broadcast %broadcast_in_dim3A_118 : i32 to vector<16xi32>
        %broadcast_in_dim3A_120 = arith.constant 0 : i32
        %broadcast_in_dim3A_121 = vector.broadcast %broadcast_in_dim3A_120 : i32 to vector<16xi32>
        %scan3A_122 = arith.constant 0 : i32
        %scan3A_123 = arith.constant 16 : i32
        %scan3A_124 = arith.addi %scan3A_122, %scan3A_123 : i32
        %scan3A_125 = arith.constant 1 : i32
        %scan3A_126:2 = scf.for %scan3A_136 = %scan3A_122 to %scan3A_124 step %scan3A_125 iter_args(%scan3A_137 = %broadcast_in_dim3A_119, %scan3A_138 = %broadcast_in_dim3A_121) -> (vector<16xi32>, vector<16xi32>)  : i32 {
          %mul3A_139 = arith.constant 16 : i32
          %mul3A_140 = arith.muli %scan3A_116, %mul3A_139 : i32
          %get3A_141 = arith.index_cast %scan3A_136 : i32 to index
          %get3A_142 = arith.index_cast %mul3A_140 : i32 to index
          %get3A_143 = tpu.vector_load %arg17[%get3A_141, %get3A_142] {strides = array<i32>} : memref<16x256xi32, #tpu.memory_space<vmem>>, vector<16xi32>,
          %add3A_144 = arith.addi %scan3A_137, %get3A_143 : vector<16xi32>
          %lt3A_145 = arith.cmpi slt, %scan3A_136, %arg1 : i32
          %jit3A = arith.constant 0 : i32
          %broadcast_in_dim3A_146 = vector.broadcast %jit3A : i32 to vector<16xi32>
          %select_n3A_147 = arith.select %lt3A_145, %get3A_143, %broadcast_in_dim3A_146 : vector<16xi32>
          %add3A_148 = arith.addi %scan3A_138, %select_n3A_147 : vector<16xi32>
          scf.yield %add3A_144, %add3A_148 : vector<16xi32>, vector<16xi32>
        }
        %scan3A_127 = arith.constant 16 : i32
        %mul3A_128 = arith.constant 16 : i32
        %mul3A_129 = arith.muli %scan3A_116, %mul3A_128 : i32
        %swap3A = arith.index_cast %mul3A_129 : i32 to index
        %swap3A_130 = tpu.vector_load %arg18[%swap3A] {strides = array<i32>} : memref<256xi32, #tpu.memory_space<vmem>>, vector<16xi32>,
        tpu.vector_store %arg18[%swap3A], %scan3A_126#0 {strides = array<i32>} : memref<256xi32, #tpu.memory_space<vmem>>, vector<16xi32>,
        %mul3A_131 = arith.constant 16 : i32
        %mul3A_132 = arith.muli %scan3A_116, %mul3A_131 : i32
        %swap3A_133 = arith.index_cast %mul3A_132 : i32 to index
        %swap3A_134 = tpu.vector_load %arg15[%swap3A_133] {strides = array<i32>} : memref<256xi32, #tpu.memory_space<vmem>>, vector<16xi32>,
        tpu.vector_store %arg15[%swap3A_133], %scan3A_126#1 {strides = array<i32>} : memref<256xi32, #tpu.memory_space<vmem>>, vector<16xi32>,
        %scan3A_135 = arith.constant 0 : i32
        scf.yield %scan3A_135 : i32
      }
      %scan3A_75 = arith.constant 16 : i32
      %scan3A_76 = arith.constant 0 : i32
      %scan3A_77 = arith.constant 0 : i32
      %scan3A_78 = arith.constant 16 : i32
      %scan3A_79 = arith.addi %scan3A_77, %scan3A_78 : i32
      %scan3A_80 = arith.constant 1 : i32
      %scan3A_81 = scf.for %scan3A_116 = %scan3A_77 to %scan3A_79 step %scan3A_80 iter_args(%scan3A_117 = %scan3A_76) -> (i32)  : i32 {
        %mul3A_118 = arith.constant 16 : i32
        %mul3A_119 = arith.muli %scan3A_116, %mul3A_118 : i32
        %get3A_120 = arith.index_cast %mul3A_119 : i32 to index
        %get3A_121 = tpu.vector_load %arg18[%get3A_120] {strides = array<i32>} : memref<256xi32, #tpu.memory_space<vmem>>, vector<16xi32>,
        %broadcast_in_dim3A_122 = arith.constant true
        %broadcast_in_dim3A_123 = vector.broadcast %broadcast_in_dim3A_122 : i1 to vector<16xi1>
        %masked_cumsum3A = tpu.scan <sum>, %get3A_121 masked %broadcast_in_dim3A_123 : vector<16xi32>, vector<16xi1> -> vector<16xi32>
        %sub3A = arith.subi %masked_cumsum3A, %get3A_121 : vector<16xi32>
        %add3A_124 = vector.broadcast %scan3A_117 : i32 to vector<16xi32>
        %add3A_125 = arith.addi %sub3A, %add3A_124 : vector<16xi32>
        %mul3A_126 = arith.constant 16 : i32
        %mul3A_127 = arith.muli %scan3A_116, %mul3A_126 : i32
        %get3A_128 = arith.index_cast %mul3A_127 : i32 to index
        %get3A_129 = tpu.vector_load %arg15[%get3A_128] {strides = array<i32>} : memref<256xi32, #tpu.memory_space<vmem>>, vector<16xi32>,
        %add3A_130 = arith.addi %add3A_125, %get3A_129 : vector<16xi32>
        %mul3A_131 = arith.constant 16 : i32
        %mul3A_132 = arith.muli %scan3A_116, %mul3A_131 : i32
        %swap3A = arith.index_cast %mul3A_132 : i32 to index
        %swap3A_133 = tpu.vector_load %arg15[%swap3A] {strides = array<i32>} : memref<256xi32, #tpu.memory_space<vmem>>, vector<16xi32>,
        tpu.vector_store %arg15[%swap3A], %add3A_130 {strides = array<i32>} : memref<256xi32, #tpu.memory_space<vmem>>, vector<16xi32>,
        %reduce_sum3A = arith.constant true
        %reduce_sum3A_134 = vector.broadcast %reduce_sum3A : i1 to vector<16xi1>
        %reduce_sum3A_135 = tpu.scan <sum>, %get3A_121 masked %reduce_sum3A_134 : vector<16xi32>, vector<16xi1> -> vector<16xi32>
        %reduce_sum3A_136 = vector.extract %reduce_sum3A_135[15] : i32 from vector<16xi32>
        %add3A_137 = arith.addi %scan3A_117, %reduce_sum3A_136 : i32
        scf.yield %add3A_137 : i32
      }
      %scan3A_82 = arith.constant 16 : i32
      %scan3A_83 = arith.constant 0 : i32
      %scan3A_84 = arith.constant 0 : i32
      %scan3A_85 = arith.constant 4 : i32
      %scan3A_86 = arith.addi %scan3A_84, %scan3A_85 : i32
      %scan3A_87 = arith.constant 1 : i32
      %scan3A_88 = scf.for %scan3A_116 = %scan3A_84 to %scan3A_86 step %scan3A_87 iter_args(%scan3A_117 = %scan3A_83) -> (i32)  : i32 {
        %mul3A_118 = arith.constant 1048576 : i32
        %mul3A_119 = arith.muli %add3A, %mul3A_118 : i32
        %mul3A_120 = arith.constant 65536 : i32
        %mul3A_121 = arith.muli %arg1, %mul3A_120 : i32
        %add3A_122 = arith.addi %mul3A_119, %mul3A_121 : i32
        %mul3A_123 = arith.constant 16384 : i32
        %mul3A_124 = arith.muli %scan3A_116, %mul3A_123 : i32
        %add3A_125 = arith.addi %add3A_122, %mul3A_124 : i32
        %lt3A_126 = arith.constant 15 : i32
        %lt3A_127 = arith.cmpi slt, %arg1, %lt3A_126 : i32
        %eq3A = arith.constant 0 : i32
        %eq3A_128 = arith.cmpi eq, %scan3A_116, %eq3A : i32
        %or3A = arith.ori %lt3A_127, %eq3A_128 : i1
        %convert_element_type3A = arith.extui %or3A : i1 to i32
        %cond3A = arith.constant 0 : i32
        %cond3A_129 = arith.cmpi ne, %convert_element_type3A, %cond3A : i32
        scf.if %cond3A_129 {
          "tpu.region"() ({
            %run_scoped3A = tpu.sem_alloc : memref<!tpu.dma_semaphore, #tpu.memory_space<semaphore_mem>>
            %dma_start3A = tpu.memref_slice %arg9[%add3A_125] : memref<16777216xf32, #tpu.memory_space<hbm>> -> memref<16384xf32, #tpu.memory_space<hbm>>
            %dma_start3A_152 = tpu.memref_slice %arg9[%add3A_125] : memref<16777216xf32, #tpu.memory_space<hbm>> -> memref<16384xf32, #tpu.memory_space<hbm>>
            tpu.enqueue_dma source(%dma_start3A_152 : memref<16384xf32, #tpu.memory_space<hbm>>) target(%arg12 : memref<16384xf32, #tpu.memory_space<vmem>>) target_semaphore(%run_scoped3A : memref<!tpu.dma_semaphore, #tpu.memory_space<semaphore_mem>>)
            %dma_wait3A = tpu.memref_slice %arg9[%add3A_125] : memref<16777216xf32, #tpu.memory_space<hbm>> -> memref<16384xf32, #tpu.memory_space<hbm>>
            %dma_wait3A_153 = tpu.memref_slice %arg9[%add3A_125] : memref<16777216xf32, #tpu.memory_space<hbm>> -> memref<16384xf32, #tpu.memory_space<hbm>>
            tpu.wait_dma2 semaphore(%run_scoped3A : memref<!tpu.dma_semaphore, #tpu.memory_space<semaphore_mem>>) src(%dma_wait3A_153 : memref<16384xf32, #tpu.memory_space<hbm>>) dst(%arg12 : memref<16384xf32, #tpu.memory_space<vmem>>)
            tpu.yield
          }) : () -> ()
        } else {
        }
        %eq3A_130 = arith.constant 15 : i32
        %eq3A_131 = arith.cmpi eq, %arg1, %eq3A_130 : i32
        %gt3A = arith.constant 0 : i32
        %gt3A_132 = arith.cmpi sgt, %scan3A_116, %gt3A : i32
        %and3A = arith.andi %eq3A_131, %gt3A_132 : i1
        %convert_element_type3A_133 = arith.extui %and3A : i1 to i32
        %cond3A_134 = arith.constant 0 : i32
        %cond3A_135 = arith.cmpi ne, %convert_element_type3A_133, %cond3A_134 : i32
        scf.if %cond3A_135 {
          %scan3A_152 = arith.constant 0 : i32
          %scan3A_153 = arith.constant 0 : i32
          %scan3A_154 = arith.constant 1024 : i32
          %scan3A_155 = arith.addi %scan3A_153, %scan3A_154 : i32
          %scan3A_156 = arith.constant 1 : i32
          %scan3A_157 = scf.for %scan3A_164 = %scan3A_153 to %scan3A_155 step %scan3A_156 iter_args(%scan3A_165 = %scan3A_152) -> (i32)  : i32 {
            %mul3A_166 = arith.constant 16 : i32
            %mul3A_167 = arith.muli %scan3A_164, %mul3A_166 : i32
            %swap3A = arith.index_cast %mul3A_167 : i32 to index
            %swap3A_168 = tpu.vector_load %arg12[%swap3A] {strides = array<i32>} : memref<16384xf32, #tpu.memory_space<vmem>>, vector<16xf32>,
            tpu.vector_store %arg12[%swap3A], %bitcast3A_10 {strides = array<i32>} : memref<16384xf32, #tpu.memory_space<vmem>>, vector<16xf32>,
            %scan3A_169 = arith.constant 0 : i32
            scf.yield %scan3A_169 : i32
          }
          %scan3A_158 = arith.constant 1024 : i32
          %eq3A_159 = arith.constant 1 : i32
          %eq3A_160 = arith.cmpi eq, %scan3A_116, %eq3A_159 : i32
          %convert_element_type3A_161 = arith.extui %eq3A_160 : i1 to i32
          %cond3A_162 = arith.constant 0 : i32
          %cond3A_163 = arith.cmpi ne, %convert_element_type3A_161, %cond3A_162 : i32
          scf.if %cond3A_163 {
            %mul3A_164 = arith.constant 1048576 : i32
            %mul3A_165 = arith.muli %add3A, %mul3A_164 : i32
            %add3A_166 = arith.constant 983040 : i32
            %add3A_167 = arith.addi %mul3A_165, %add3A_166 : i32
            %add3A_168 = arith.constant 16384 : i32
            %add3A_169 = arith.addi %add3A_167, %add3A_168 : i32
            "tpu.region"() ({
              %run_scoped3A = tpu.sem_alloc : memref<!tpu.dma_semaphore, #tpu.memory_space<semaphore_mem>>
              %dma_start3A = arith.constant 0 : i32
              %dma_start3A_170 = tpu.memref_slice %arg12[%dma_start3A] : memref<16384xf32, #tpu.memory_space<vmem>> -> memref<576xf32, #tpu.memory_space<vmem>>
              %dma_start3A_171 = tpu.memref_slice %arg9[%add3A_169] : memref<16777216xf32, #tpu.memory_space<hbm>> -> memref<576xf32, #tpu.memory_space<hbm>>
              %dma_start3A_172 = arith.constant 0 : i32
              %dma_start3A_173 = tpu.memref_slice %arg12[%dma_start3A_172] : memref<16384xf32, #tpu.memory_space<vmem>> -> memref<576xf32, #tpu.memory_space<vmem>>
              %dma_start3A_174 = tpu.memref_slice %arg9[%add3A_169] : memref<16777216xf32, #tpu.memory_space<hbm>> -> memref<576xf32, #tpu.memory_space<hbm>>
              tpu.enqueue_dma source(%dma_start3A_174 : memref<576xf32, #tpu.memory_space<hbm>>) target(%dma_start3A_173 : memref<576xf32, #tpu.memory_space<vmem>>) target_semaphore(%run_scoped3A : memref<!tpu.dma_semaphore, #tpu.memory_space<semaphore_mem>>)
              %dma_wait3A = arith.constant 0 : i32
              %dma_wait3A_175 = tpu.memref_slice %arg12[%dma_wait3A] : memref<16384xf32, #tpu.memory_space<vmem>> -> memref<576xf32, #tpu.memory_space<vmem>>
              %dma_wait3A_176 = tpu.memref_slice %arg9[%add3A_169] : memref<16777216xf32, #tpu.memory_space<hbm>> -> memref<576xf32, #tpu.memory_space<hbm>>
              %dma_wait3A_177 = arith.constant 0 : i32
              %dma_wait3A_178 = tpu.memref_slice %arg12[%dma_wait3A_177] : memref<16384xf32, #tpu.memory_space<vmem>> -> memref<576xf32, #tpu.memory_space<vmem>>
              %dma_wait3A_179 = tpu.memref_slice %arg9[%add3A_169] : memref<16777216xf32, #tpu.memory_space<hbm>> -> memref<576xf32, #tpu.memory_space<hbm>>
              tpu.wait_dma2 semaphore(%run_scoped3A : memref<!tpu.dma_semaphore, #tpu.memory_space<semaphore_mem>>) src(%dma_wait3A_179 : memref<576xf32, #tpu.memory_space<hbm>>) dst(%dma_wait3A_178 : memref<576xf32, #tpu.memory_space<vmem>>)
              tpu.yield
            }) : () -> ()
          } else {
          }
        } else {
        }
        %scan3A_136 = arith.constant 0 : i32
        %scan3A_137 = arith.constant 0 : i32
        %scan3A_138 = arith.constant 1024 : i32
        %scan3A_139 = arith.addi %scan3A_137, %scan3A_138 : i32
        %scan3A_140 = arith.constant 1 : i32
        %scan3A_141 = scf.for %scan3A_152 = %scan3A_137 to %scan3A_139 step %scan3A_140 iter_args(%scan3A_153 = %scan3A_136) -> (i32)  : i32 {
          %mul3A_154 = arith.constant 16 : i32
          %mul3A_155 = arith.muli %scan3A_152, %mul3A_154 : i32
          %get3A_156 = arith.index_cast %mul3A_155 : i32 to index
          %get3A_157 = tpu.vector_load %arg12[%get3A_156] {strides = array<i32>} : memref<16384xf32, #tpu.memory_space<vmem>>, vector<16xf32>,
          %bitcast3A_158 = vector.bitcast %get3A_157 : vector<16xf32> to vector<16xi32>
          %shift_right_logical3A = arith.constant 16 : i32
          %shift_right_logical3A_159 = vector.broadcast %shift_right_logical3A : i32 to vector<16xi32>
          %shift_right_logical3A_160 = arith.shrui %bitcast3A_158, %shift_right_logical3A_159 : vector<16xi32>
          %and3A_161 = arith.constant 255 : i32
          %and3A_162 = vector.broadcast %and3A_161 : i32 to vector<16xi32>
          %and3A_163 = arith.andi %shift_right_logical3A_160, %and3A_162 : vector<16xi32>
          %broadcast_in_dim3A_164 = arith.constant true
          %broadcast_in_dim3A_165 = vector.broadcast %broadcast_in_dim3A_164 : i1 to vector<16xi1>
          %unique3A, %unique3A_166 = tpu.scan_count mask(%broadcast_in_dim3A_165 : vector<16xi1>) value(%and3A_163 : vector<16xi32>) : vector<16xi1>, vector<16xi32>
          %gather3A = tpu.vector_load_idx %arg15[%and3A_163] : memref<256xi32, #tpu.memory_space<vmem>>[vector<16xi32>], vector<16xi32>,
          %add3A_167 = arith.addi %gather3A, %unique3A_166 : vector<16xi32>
          tpu.vector_store_idx %arg15[%and3A_163], %add3A_167 masked %unique3A : memref<256xi32, #tpu.memory_space<vmem>>[vector<16xi32>], vector<16xi32>, vector<16xi1>
          %sub3A = arith.constant 1 : i32
          %sub3A_168 = vector.broadcast %sub3A : i32 to vector<16xi32>
          %sub3A_169 = arith.subi %add3A_167, %sub3A_168 : vector<16xi32>
          %ge3A = arith.constant 1000000 : i32
          %ge3A_170 = vector.broadcast %ge3A : i32 to vector<16xi32>
          %ge3A_171 = arith.cmpi sge, %sub3A_169, %ge3A_170 : vector<16xi32>
          %jit3A = arith.constant -1 : i32
          %broadcast_in_dim3A_172 = vector.broadcast %jit3A : i32 to vector<16xi32>
          %select_n3A_173 = arith.select %ge3A_171, %broadcast_in_dim3A_172, %sub3A_169 : vector<16xi1>, vector<16xi32>
          %mul3A_174 = arith.constant 16 : i32
          %mul3A_175 = arith.muli %scan3A_152, %mul3A_174 : i32
          %swap3A = arith.index_cast %mul3A_175 : i32 to index
          %swap3A_176 = tpu.vector_load %arg13[%swap3A] {strides = array<i32>} : memref<16384xi32, #tpu.memory_space<vmem>>, vector<16xi32>,
          tpu.vector_store %arg13[%swap3A], %select_n3A_173 {strides = array<i32>} : memref<16384xi32, #tpu.memory_space<vmem>>, vector<16xi32>,
          %scan3A_177 = arith.constant 0 : i32
          scf.yield %scan3A_177 : i32
        }
        %scan3A_142 = arith.constant 1024 : i32
        "tpu.region"() ({
          %run_scoped3A = tpu.sem_alloc : memref<!tpu.dma_semaphore, #tpu.memory_space<semaphore_mem>>
          %dma_start3A = arith.constant 0 : i32
          %dma_start3A_152 = tpu.memref_slice %arg21[%dma_start3A] : memref<1000064xf32, #tpu.memory_space<vmem_shared>> -> memref<1000064xf32, #tpu.memory_space<vmem_shared>>
          %dma_start3A_153 = arith.constant -1 : i32
          tpu.enqueue_indirect_dma source(%arg12 : memref<16384xf32, #tpu.memory_space<vmem>>) target(%dma_start3A_152 : memref<1000064xf32, #tpu.memory_space<vmem_shared>>) offsets(%arg13 : memref<16384xi32, #tpu.memory_space<vmem>>) offset_filter(%dma_start3A_153) semaphore(%run_scoped3A : memref<!tpu.dma_semaphore, #tpu.memory_space<semaphore_mem>>)
          %dma_wait3A = arith.constant 0 : i32
          %dma_wait3A_154 = tpu.memref_slice %arg21[%dma_wait3A] : memref<1000064xf32, #tpu.memory_space<vmem_shared>> -> memref<1000064xf32, #tpu.memory_space<vmem_shared>>
          tpu.wait_indirect_dma semaphore(%run_scoped3A : memref<!tpu.dma_semaphore, #tpu.memory_space<semaphore_mem>>) src(%arg12 : memref<16384xf32, #tpu.memory_space<vmem>>) dst(%dma_wait3A_154 : memref<1000064xf32, #tpu.memory_space<vmem_shared>>)
          tpu.yield
        }) : () -> ()
        %mul3A_143 = arith.constant 16 : i32
        %mul3A_144 = arith.muli %arg0, %mul3A_143 : i32
        %add3A_145 = arith.addi %mul3A_144, %arg1 : i32
        %mul3A_146 = arith.constant 4 : i32
        %mul3A_147 = arith.muli %add3A_145, %mul3A_146 : i32
        %add3A_148 = arith.addi %mul3A_147, %scan3A_116 : i32
        %mul3A_149 = arith.constant 16384 : i32
        %mul3A_150 = arith.muli %add3A_148, %mul3A_149 : i32
        "tpu.region"() ({
          %run_scoped3A = tpu.sem_alloc : memref<!tpu.dma_semaphore, #tpu.memory_space<semaphore_mem>>
          %dma_start3A = tpu.memref_slice %arg11[%mul3A_150] : memref<2097152xi32, #tpu.memory_space<hbm>> -> memref<16384xi32, #tpu.memory_space<hbm>>
          %dma_start3A_152 = tpu.memref_slice %arg11[%mul3A_150] : memref<2097152xi32, #tpu.memory_space<hbm>> -> memref<16384xi32, #tpu.memory_space<hbm>>
          tpu.enqueue_dma source(%arg13 : memref<16384xi32, #tpu.memory_space<vmem>>) target(%dma_start3A_152 : memref<16384xi32, #tpu.memory_space<hbm>>) target_semaphore(%run_scoped3A : memref<!tpu.dma_semaphore, #tpu.memory_space<semaphore_mem>>)
          %dma_wait3A = tpu.memref_slice %arg11[%mul3A_150] : memref<2097152xi32, #tpu.memory_space<hbm>> -> memref<16384xi32, #tpu.memory_space<hbm>>
          %dma_wait3A_153 = tpu.memref_slice %arg11[%mul3A_150] : memref<2097152xi32, #tpu.memory_space<hbm>> -> memref<16384xi32, #tpu.memory_space<hbm>>
          tpu.wait_dma2 semaphore(%run_scoped3A : memref<!tpu.dma_semaphore, #tpu.memory_space<semaphore_mem>>) src(%arg13 : memref<16384xi32, #tpu.memory_space<vmem>>) dst(%dma_wait3A_153 : memref<16384xi32, #tpu.memory_space<hbm>>)
          tpu.yield
        }) : () -> ()
        %scan3A_151 = arith.constant 0 : i32
        scf.yield %scan3A_151 : i32
      }
      %scan3A_89 = arith.constant 4 : i32
      %barrier3A_90 = arith.constant 0 : index
      tpu.barrier barrier_id(%barrier3A_90)
      %mul3A_91 = arith.constant 1048576 : i32
      %mul3A_92 = arith.muli %add3A, %mul3A_91 : i32
      %mul3A_93 = arith.constant 65536 : i32
      %mul3A_94 = arith.muli %arg1, %mul3A_93 : i32
      %mul3A_95 = arith.constant 65536 : i32
      %mul3A_96 = arith.muli %arg1, %mul3A_95 : i32
      %add3A_97 = arith.addi %mul3A_92, %mul3A_96 : i32
      "tpu.region"() ({
        %run_scoped3A = tpu.sem_alloc : memref<!tpu.dma_semaphore, #tpu.memory_space<semaphore_mem>>
        %dma_start3A = tpu.memref_slice %arg7[%add3A_97] : memref<16777216xf32, #tpu.memory_space<hbm>> -> memref<65536xf32, #tpu.memory_space<hbm>>
        %dma_start3A_116 = tpu.memref_slice %arg21[%mul3A_94] : memref<1000064xf32, #tpu.memory_space<vmem_shared>> -> memref<65536xf32, #tpu.memory_space<vmem_shared>>
        tpu.enqueue_dma source(%dma_start3A_116 : memref<65536xf32, #tpu.memory_space<vmem_shared>>) target(%dma_start3A : memref<65536xf32, #tpu.memory_space<hbm>>) target_semaphore(%run_scoped3A : memref<!tpu.dma_semaphore, #tpu.memory_space<semaphore_mem>>)
        %dma_wait3A = tpu.memref_slice %arg7[%add3A_97] : memref<16777216xf32, #tpu.memory_space<hbm>> -> memref<65536xf32, #tpu.memory_space<hbm>>
        %dma_wait3A_117 = tpu.memref_slice %arg21[%mul3A_94] : memref<1000064xf32, #tpu.memory_space<vmem_shared>> -> memref<65536xf32, #tpu.memory_space<vmem_shared>>
        tpu.wait_dma2 semaphore(%run_scoped3A : memref<!tpu.dma_semaphore, #tpu.memory_space<semaphore_mem>>) src(%dma_wait3A_117 : memref<65536xf32, #tpu.memory_space<vmem_shared>>) dst(%dma_wait3A : memref<65536xf32, #tpu.memory_space<hbm>>)
        tpu.yield
      }) : () -> ()
      %barrier3A_98 = arith.constant 0 : index
      tpu.barrier barrier_id(%barrier3A_98)
      %scan3A_99 = arith.constant 0 : i32
      %scan3A_100 = arith.constant 0 : i32
      %scan3A_101 = arith.constant 4 : i32
      %scan3A_102 = arith.addi %scan3A_100, %scan3A_101 : i32
      %scan3A_103 = arith.constant 1 : i32
      %scan3A_104 = scf.for %scan3A_116 = %scan3A_100 to %scan3A_102 step %scan3A_103 iter_args(%scan3A_117 = %scan3A_99) -> (i32)  : i32 {
        %mul3A_118 = arith.constant 1048576 : i32
        %mul3A_119 = arith.muli %add3A, %mul3A_118 : i32
        %mul3A_120 = arith.constant 65536 : i32
        %mul3A_121 = arith.muli %arg1, %mul3A_120 : i32
        %add3A_122 = arith.addi %mul3A_119, %mul3A_121 : i32
        %mul3A_123 = arith.constant 16384 : i32
        %mul3A_124 = arith.muli %scan3A_116, %mul3A_123 : i32
        %add3A_125 = arith.addi %add3A_122, %mul3A_124 : i32
        "tpu.region"() ({
          %run_scoped3A = tpu.sem_alloc : memref<!tpu.dma_semaphore, #tpu.memory_space<semaphore_mem>>
          %dma_start3A = tpu.memref_slice %arg10[%add3A_125] : memref<16777216xf32, #tpu.memory_space<hbm>> -> memref<16384xf32, #tpu.memory_space<hbm>>
          %dma_start3A_135 = tpu.memref_slice %arg10[%add3A_125] : memref<16777216xf32, #tpu.memory_space<hbm>> -> memref<16384xf32, #tpu.memory_space<hbm>>
          tpu.enqueue_dma source(%dma_start3A_135 : memref<16384xf32, #tpu.memory_space<hbm>>) target(%arg12 : memref<16384xf32, #tpu.memory_space<vmem>>) target_semaphore(%run_scoped3A : memref<!tpu.dma_semaphore, #tpu.memory_space<semaphore_mem>>)
          %dma_wait3A = tpu.memref_slice %arg10[%add3A_125] : memref<16777216xf32, #tpu.memory_space<hbm>> -> memref<16384xf32, #tpu.memory_space<hbm>>
          %dma_wait3A_136 = tpu.memref_slice %arg10[%add3A_125] : memref<16777216xf32, #tpu.memory_space<hbm>> -> memref<16384xf32, #tpu.memory_space<hbm>>
          tpu.wait_dma2 semaphore(%run_scoped3A : memref<!tpu.dma_semaphore, #tpu.memory_space<semaphore_mem>>) src(%dma_wait3A_136 : memref<16384xf32, #tpu.memory_space<hbm>>) dst(%arg12 : memref<16384xf32, #tpu.memory_space<vmem>>)
          tpu.yield
        }) : () -> ()
        %mul3A_126 = arith.constant 16 : i32
        %mul3A_127 = arith.muli %arg0, %mul3A_126 : i32
        %add3A_128 = arith.addi %mul3A_127, %arg1 : i32
        %mul3A_129 = arith.constant 4 : i32
        %mul3A_130 = arith.muli %add3A_128, %mul3A_129 : i32
        %add3A_131 = arith.addi %mul3A_130, %scan3A_116 : i32
        %mul3A_132 = arith.constant 16384 : i32
        %mul3A_133 = arith.muli %add3A_131, %mul3A_132 : i32
        "tpu.region"() ({
          %run_scoped3A = tpu.sem_alloc : memref<!tpu.dma_semaphore, #tpu.memory_space<semaphore_mem>>
          %dma_start3A = tpu.memref_slice %arg11[%mul3A_133] : memref<2097152xi32, #tpu.memory_space<hbm>> -> memref<16384xi32, #tpu.memory_space<hbm>>
          %dma_start3A_135 = tpu.memref_slice %arg11[%mul3A_133] : memref<2097152xi32, #tpu.memory_space<hbm>> -> memref<16384xi32, #tpu.memory_space<hbm>>
          tpu.enqueue_dma source(%dma_start3A_135 : memref<16384xi32, #tpu.memory_space<hbm>>) target(%arg13 : memref<16384xi32, #tpu.memory_space<vmem>>) target_semaphore(%run_scoped3A : memref<!tpu.dma_semaphore, #tpu.memory_space<semaphore_mem>>)
          %dma_wait3A = tpu.memref_slice %arg11[%mul3A_133] : memref<2097152xi32, #tpu.memory_space<hbm>> -> memref<16384xi32, #tpu.memory_space<hbm>>
          %dma_wait3A_136 = tpu.memref_slice %arg11[%mul3A_133] : memref<2097152xi32, #tpu.memory_space<hbm>> -> memref<16384xi32, #tpu.memory_space<hbm>>
          tpu.wait_dma2 semaphore(%run_scoped3A : memref<!tpu.dma_semaphore, #tpu.memory_space<semaphore_mem>>) src(%dma_wait3A_136 : memref<16384xi32, #tpu.memory_space<hbm>>) dst(%arg13 : memref<16384xi32, #tpu.memory_space<vmem>>)
          tpu.yield
        }) : () -> ()
        "tpu.region"() ({
          %run_scoped3A = tpu.sem_alloc : memref<!tpu.dma_semaphore, #tpu.memory_space<semaphore_mem>>
          %dma_start3A = arith.constant 0 : i32
          %dma_start3A_135 = tpu.memref_slice %arg21[%dma_start3A] : memref<1000064xf32, #tpu.memory_space<vmem_shared>> -> memref<1000064xf32, #tpu.memory_space<vmem_shared>>
          %dma_start3A_136 = arith.constant -1 : i32
          tpu.enqueue_indirect_dma source(%arg12 : memref<16384xf32, #tpu.memory_space<vmem>>) target(%dma_start3A_135 : memref<1000064xf32, #tpu.memory_space<vmem_shared>>) offsets(%arg13 : memref<16384xi32, #tpu.memory_space<vmem>>) offset_filter(%dma_start3A_136) semaphore(%run_scoped3A : memref<!tpu.dma_semaphore, #tpu.memory_space<semaphore_mem>>)
          %dma_wait3A = arith.constant 0 : i32
          %dma_wait3A_137 = tpu.memref_slice %arg21[%dma_wait3A] : memref<1000064xf32, #tpu.memory_space<vmem_shared>> -> memref<1000064xf32, #tpu.memory_space<vmem_shared>>
          tpu.wait_indirect_dma semaphore(%run_scoped3A : memref<!tpu.dma_semaphore, #tpu.memory_space<semaphore_mem>>) src(%arg12 : memref<16384xf32, #tpu.memory_space<vmem>>) dst(%dma_wait3A_137 : memref<1000064xf32, #tpu.memory_space<vmem_shared>>)
          tpu.yield
        }) : () -> ()
        %scan3A_134 = arith.constant 0 : i32
        scf.yield %scan3A_134 : i32
      }
      %scan3A_105 = arith.constant 4 : i32
      %barrier3A_106 = arith.constant 0 : index
      tpu.barrier barrier_id(%barrier3A_106)
      %mul3A_107 = arith.constant 1048576 : i32
      %mul3A_108 = arith.muli %add3A, %mul3A_107 : i32
      %mul3A_109 = arith.constant 65536 : i32
      %mul3A_110 = arith.muli %arg1, %mul3A_109 : i32
      %mul3A_111 = arith.constant 65536 : i32
      %mul3A_112 = arith.muli %arg1, %mul3A_111 : i32
      %add3A_113 = arith.addi %mul3A_108, %mul3A_112 : i32
      "tpu.region"() ({
        %run_scoped3A = tpu.sem_alloc : memref<!tpu.dma_semaphore, #tpu.memory_space<semaphore_mem>>
        %dma_start3A = tpu.memref_slice %arg8[%add3A_113] : memref<16777216xf32, #tpu.memory_space<hbm>> -> memref<65536xf32, #tpu.memory_space<hbm>>
        %dma_start3A_116 = tpu.memref_slice %arg21[%mul3A_110] : memref<1000064xf32, #tpu.memory_space<vmem_shared>> -> memref<65536xf32, #tpu.memory_space<vmem_shared>>
        tpu.enqueue_dma source(%dma_start3A_116 : memref<65536xf32, #tpu.memory_space<vmem_shared>>) target(%dma_start3A : memref<65536xf32, #tpu.memory_space<hbm>>) target_semaphore(%run_scoped3A : memref<!tpu.dma_semaphore, #tpu.memory_space<semaphore_mem>>)
        %dma_wait3A = tpu.memref_slice %arg8[%add3A_113] : memref<16777216xf32, #tpu.memory_space<hbm>> -> memref<65536xf32, #tpu.memory_space<hbm>>
        %dma_wait3A_117 = tpu.memref_slice %arg21[%mul3A_110] : memref<1000064xf32, #tpu.memory_space<vmem_shared>> -> memref<65536xf32, #tpu.memory_space<vmem_shared>>
        tpu.wait_dma2 semaphore(%run_scoped3A : memref<!tpu.dma_semaphore, #tpu.memory_space<semaphore_mem>>) src(%dma_wait3A_117 : memref<65536xf32, #tpu.memory_space<vmem_shared>>) dst(%dma_wait3A : memref<65536xf32, #tpu.memory_space<hbm>>)
        tpu.yield
      }) : () -> ()
      %barrier3A_114 = arith.constant 0 : index
      tpu.barrier barrier_id(%barrier3A_114)
      %scan3A_115 = arith.constant 0 : i32
      scf.yield %scan3A_115 : i32
    }
    %scan3A_30 = arith.constant 8 : i32
    %scan3A_31 = arith.constant 0 : i32
    %scan3A_32 = arith.constant 0 : i32
    %scan3A_33 = arith.constant 8 : i32
    %scan3A_34 = arith.addi %scan3A_32, %scan3A_33 : i32
    %scan3A_35 = arith.constant 1 : i32
    %scan3A_36 = scf.for %scan3A_38 = %scan3A_32 to %scan3A_34 step %scan3A_35 iter_args(%scan3A_39 = %scan3A_31) -> (i32)  : i32 {
      %mul3A = arith.constant 8 : i32
      %mul3A_40 = arith.muli %arg0, %mul3A : i32
      %add3A = arith.addi %mul3A_40, %scan3A_38 : i32
      %scan3A_41 = arith.constant 0 : i32
      %scan3A_42 = arith.constant 0 : i32
      %scan3A_43 = arith.constant 256 : i32
      %scan3A_44 = arith.addi %scan3A_42, %scan3A_43 : i32
      %scan3A_45 = arith.constant 1 : i32
      %scan3A_46 = scf.for %scan3A_119 = %scan3A_42 to %scan3A_44 step %scan3A_45 iter_args(%scan3A_120 = %scan3A_41) -> (i32)  : i32 {
        %broadcast_in_dim3A_121 = arith.constant 0 : i32
        %broadcast_in_dim3A_122 = vector.broadcast %broadcast_in_dim3A_121 : i32 to vector<16xi32>
        %mul3A_123 = arith.constant 16 : i32
        %mul3A_124 = arith.muli %scan3A_119, %mul3A_123 : i32
        %swap3A = arith.index_cast %mul3A_124 : i32 to index
        %swap3A_125 = tpu.vector_load %arg14[%swap3A] {strides = array<i32>} : memref<4096xi32, #tpu.memory_space<vmem>>, vector<16xi32>,
        tpu.vector_store %arg14[%swap3A], %broadcast_in_dim3A_122 {strides = array<i32>} : memref<4096xi32, #tpu.memory_space<vmem>>, vector<16xi32>,
        %scan3A_126 = arith.constant 0 : i32
        scf.yield %scan3A_126 : i32
      }
      %scan3A_47 = arith.constant 256 : i32
      %scan3A_48 = arith.constant 0 : i32
      %scan3A_49 = arith.constant 0 : i32
      %scan3A_50 = arith.constant 4 : i32
      %scan3A_51 = arith.addi %scan3A_49, %scan3A_50 : i32
      %scan3A_52 = arith.constant 1 : i32
      %scan3A_53 = scf.for %scan3A_119 = %scan3A_49 to %scan3A_51 step %scan3A_52 iter_args(%scan3A_120 = %scan3A_48) -> (i32)  : i32 {
        %mul3A_121 = arith.constant 1048576 : i32
        %mul3A_122 = arith.muli %add3A, %mul3A_121 : i32
        %mul3A_123 = arith.constant 65536 : i32
        %mul3A_124 = arith.muli %arg1, %mul3A_123 : i32
        %add3A_125 = arith.addi %mul3A_122, %mul3A_124 : i32
        %mul3A_126 = arith.constant 16384 : i32
        %mul3A_127 = arith.muli %scan3A_119, %mul3A_126 : i32
        %add3A_128 = arith.addi %add3A_125, %mul3A_127 : i32
        %lt3A_129 = arith.constant 15 : i32
        %lt3A_130 = arith.cmpi slt, %arg1, %lt3A_129 : i32
        %eq3A_131 = arith.constant 0 : i32
        %eq3A_132 = arith.cmpi eq, %scan3A_119, %eq3A_131 : i32
        %or3A = arith.ori %lt3A_130, %eq3A_132 : i1
        %convert_element_type3A_133 = arith.extui %or3A : i1 to i32
        %cond3A_134 = arith.constant 0 : i32
        %cond3A_135 = arith.cmpi ne, %convert_element_type3A_133, %cond3A_134 : i32
        scf.if %cond3A_135 {
          "tpu.region"() ({
            %run_scoped3A = tpu.sem_alloc : memref<!tpu.dma_semaphore, #tpu.memory_space<semaphore_mem>>
            %dma_start3A = tpu.memref_slice %arg7[%add3A_128] : memref<16777216xf32, #tpu.memory_space<hbm>> -> memref<16384xf32, #tpu.memory_space<hbm>>
            %dma_start3A_150 = tpu.memref_slice %arg7[%add3A_128] : memref<16777216xf32, #tpu.memory_space<hbm>> -> memref<16384xf32, #tpu.memory_space<hbm>>
            tpu.enqueue_dma source(%dma_start3A_150 : memref<16384xf32, #tpu.memory_space<hbm>>) target(%arg12 : memref<16384xf32, #tpu.memory_space<vmem>>) target_semaphore(%run_scoped3A : memref<!tpu.dma_semaphore, #tpu.memory_space<semaphore_mem>>)
            %dma_wait3A = tpu.memref_slice %arg7[%add3A_128] : memref<16777216xf32, #tpu.memory_space<hbm>> -> memref<16384xf32, #tpu.memory_space<hbm>>
            %dma_wait3A_151 = tpu.memref_slice %arg7[%add3A_128] : memref<16777216xf32, #tpu.memory_space<hbm>> -> memref<16384xf32, #tpu.memory_space<hbm>>
            tpu.wait_dma2 semaphore(%run_scoped3A : memref<!tpu.dma_semaphore, #tpu.memory_space<semaphore_mem>>) src(%dma_wait3A_151 : memref<16384xf32, #tpu.memory_space<hbm>>) dst(%arg12 : memref<16384xf32, #tpu.memory_space<vmem>>)
            tpu.yield
          }) : () -> ()
        } else {
        }
        %eq3A_136 = arith.constant 15 : i32
        %eq3A_137 = arith.cmpi eq, %arg1, %eq3A_136 : i32
        %gt3A = arith.constant 0 : i32
        %gt3A_138 = arith.cmpi sgt, %scan3A_119, %gt3A : i32
        %and3A = arith.andi %eq3A_137, %gt3A_138 : i1
        %convert_element_type3A_139 = arith.extui %and3A : i1 to i32
        %cond3A_140 = arith.constant 0 : i32
        %cond3A_141 = arith.cmpi ne, %convert_element_type3A_139, %cond3A_140 : i32
        scf.if %cond3A_141 {
          %scan3A_150 = arith.constant 0 : i32
          %scan3A_151 = arith.constant 0 : i32
          %scan3A_152 = arith.constant 1024 : i32
          %scan3A_153 = arith.addi %scan3A_151, %scan3A_152 : i32
          %scan3A_154 = arith.constant 1 : i32
          %scan3A_155 = scf.for %scan3A_162 = %scan3A_151 to %scan3A_153 step %scan3A_154 iter_args(%scan3A_163 = %scan3A_150) -> (i32)  : i32 {
            %mul3A_164 = arith.constant 16 : i32
            %mul3A_165 = arith.muli %scan3A_162, %mul3A_164 : i32
            %swap3A = arith.index_cast %mul3A_165 : i32 to index
            %swap3A_166 = tpu.vector_load %arg12[%swap3A] {strides = array<i32>} : memref<16384xf32, #tpu.memory_space<vmem>>, vector<16xf32>,
            tpu.vector_store %arg12[%swap3A], %bitcast3A_10 {strides = array<i32>} : memref<16384xf32, #tpu.memory_space<vmem>>, vector<16xf32>,
            %scan3A_167 = arith.constant 0 : i32
            scf.yield %scan3A_167 : i32
          }
          %scan3A_156 = arith.constant 1024 : i32
          %eq3A_157 = arith.constant 1 : i32
          %eq3A_158 = arith.cmpi eq, %scan3A_119, %eq3A_157 : i32
          %convert_element_type3A_159 = arith.extui %eq3A_158 : i1 to i32
          %cond3A_160 = arith.constant 0 : i32
          %cond3A_161 = arith.cmpi ne, %convert_element_type3A_159, %cond3A_160 : i32
          scf.if %cond3A_161 {
            %mul3A_162 = arith.constant 1048576 : i32
            %mul3A_163 = arith.muli %add3A, %mul3A_162 : i32
            %add3A_164 = arith.constant 983040 : i32
            %add3A_165 = arith.addi %mul3A_163, %add3A_164 : i32
            %add3A_166 = arith.constant 16384 : i32
            %add3A_167 = arith.addi %add3A_165, %add3A_166 : i32
            "tpu.region"() ({
              %run_scoped3A = tpu.sem_alloc : memref<!tpu.dma_semaphore, #tpu.memory_space<semaphore_mem>>
              %dma_start3A = arith.constant 0 : i32
              %dma_start3A_168 = tpu.memref_slice %arg12[%dma_start3A] : memref<16384xf32, #tpu.memory_space<vmem>> -> memref<576xf32, #tpu.memory_space<vmem>>
              %dma_start3A_169 = tpu.memref_slice %arg7[%add3A_167] : memref<16777216xf32, #tpu.memory_space<hbm>> -> memref<576xf32, #tpu.memory_space<hbm>>
              %dma_start3A_170 = arith.constant 0 : i32
              %dma_start3A_171 = tpu.memref_slice %arg12[%dma_start3A_170] : memref<16384xf32, #tpu.memory_space<vmem>> -> memref<576xf32, #tpu.memory_space<vmem>>
              %dma_start3A_172 = tpu.memref_slice %arg7[%add3A_167] : memref<16777216xf32, #tpu.memory_space<hbm>> -> memref<576xf32, #tpu.memory_space<hbm>>
              tpu.enqueue_dma source(%dma_start3A_172 : memref<576xf32, #tpu.memory_space<hbm>>) target(%dma_start3A_171 : memref<576xf32, #tpu.memory_space<vmem>>) target_semaphore(%run_scoped3A : memref<!tpu.dma_semaphore, #tpu.memory_space<semaphore_mem>>)
              %dma_wait3A = arith.constant 0 : i32
              %dma_wait3A_173 = tpu.memref_slice %arg12[%dma_wait3A] : memref<16384xf32, #tpu.memory_space<vmem>> -> memref<576xf32, #tpu.memory_space<vmem>>
              %dma_wait3A_174 = tpu.memref_slice %arg7[%add3A_167] : memref<16777216xf32, #tpu.memory_space<hbm>> -> memref<576xf32, #tpu.memory_space<hbm>>
              %dma_wait3A_175 = arith.constant 0 : i32
              %dma_wait3A_176 = tpu.memref_slice %arg12[%dma_wait3A_175] : memref<16384xf32, #tpu.memory_space<vmem>> -> memref<576xf32, #tpu.memory_space<vmem>>
              %dma_wait3A_177 = tpu.memref_slice %arg7[%add3A_167] : memref<16777216xf32, #tpu.memory_space<hbm>> -> memref<576xf32, #tpu.memory_space<hbm>>
              tpu.wait_dma2 semaphore(%run_scoped3A : memref<!tpu.dma_semaphore, #tpu.memory_space<semaphore_mem>>) src(%dma_wait3A_177 : memref<576xf32, #tpu.memory_space<hbm>>) dst(%dma_wait3A_176 : memref<576xf32, #tpu.memory_space<vmem>>)
              tpu.yield
            }) : () -> ()
          } else {
          }
        } else {
        }
        %scan3A_142 = arith.constant 0 : i32
        %scan3A_143 = arith.constant 0 : i32
        %scan3A_144 = arith.constant 1024 : i32
        %scan3A_145 = arith.addi %scan3A_143, %scan3A_144 : i32
        %scan3A_146 = arith.constant 1 : i32
        %scan3A_147 = scf.for %scan3A_150 = %scan3A_143 to %scan3A_145 step %scan3A_146 iter_args(%scan3A_151 = %scan3A_142) -> (i32)  : i32 {
          %mul3A_152 = arith.constant 16 : i32
          %mul3A_153 = arith.muli %scan3A_150, %mul3A_152 : i32
          %get3A_154 = arith.index_cast %mul3A_153 : i32 to index
          %get3A_155 = tpu.vector_load %arg12[%get3A_154] {strides = array<i32>} : memref<16384xf32, #tpu.memory_space<vmem>>, vector<16xf32>,
          %bitcast3A_156 = vector.bitcast %get3A_155 : vector<16xf32> to vector<16xi32>
          %shift_right_logical3A = arith.constant 24 : i32
          %shift_right_logical3A_157 = vector.broadcast %shift_right_logical3A : i32 to vector<16xi32>
          %shift_right_logical3A_158 = arith.shrui %bitcast3A_156, %shift_right_logical3A_157 : vector<16xi32>
          %and3A_159 = arith.constant 255 : i32
          %and3A_160 = vector.broadcast %and3A_159 : i32 to vector<16xi32>
          %and3A_161 = arith.andi %shift_right_logical3A_158, %and3A_160 : vector<16xi32>
          %mul3A_162 = arith.constant 16 : i32
          %mul3A_163 = vector.broadcast %mul3A_162 : i32 to vector<16xi32>
          %mul3A_164 = arith.muli %and3A_161, %mul3A_163 : vector<16xi32>
          %add3A_165 = arith.addi %mul3A_164, %iota3A : vector<16xi32>
          tpu.vector_store_idx %arg14[%add3A_165], %broadcast_in_dim3A_0 {add = true} : memref<4096xi32, #tpu.memory_space<vmem>>[vector<16xi32>], vector<16xi32>,
          %scan3A_166 = arith.constant 0 : i32
          scf.yield %scan3A_166 : i32
        }
        %scan3A_148 = arith.constant 1024 : i32
        %scan3A_149 = arith.constant 0 : i32
        scf.yield %scan3A_149 : i32
      }
      %scan3A_54 = arith.constant 4 : i32
      %scan3A_55 = arith.constant 0 : i32
      %scan3A_56 = arith.constant 0 : i32
      %scan3A_57 = arith.constant 256 : i32
      %scan3A_58 = arith.addi %scan3A_56, %scan3A_57 : i32
      %scan3A_59 = arith.constant 1 : i32
      %scan3A_60 = scf.for %scan3A_119 = %scan3A_56 to %scan3A_58 step %scan3A_59 iter_args(%scan3A_120 = %scan3A_55) -> (i32)  : i32 {
        %mul3A_121 = arith.constant 16 : i32
        %mul3A_122 = arith.muli %scan3A_119, %mul3A_121 : i32
        %get3A_123 = arith.index_cast %mul3A_122 : i32 to index
        %get3A_124 = tpu.vector_load %arg14[%get3A_123] {strides = array<i32>} : memref<4096xi32, #tpu.memory_space<vmem>>, vector<16xi32>,
        %broadcast_in_dim3A_125 = arith.constant true
        %broadcast_in_dim3A_126 = vector.broadcast %broadcast_in_dim3A_125 : i1 to vector<16xi1>
        %masked_cumsum3A = tpu.scan <sum>, %get3A_124 masked %broadcast_in_dim3A_126 : vector<16xi32>, vector<16xi1> -> vector<16xi32>
        %mul3A_127 = arith.constant 16 : i32
        %mul3A_128 = arith.muli %scan3A_119, %mul3A_127 : i32
        %swap3A = arith.index_cast %mul3A_128 : i32 to index
        %swap3A_129 = tpu.vector_load %arg14[%swap3A] {strides = array<i32>} : memref<4096xi32, #tpu.memory_space<vmem>>, vector<16xi32>,
        tpu.vector_store %arg14[%swap3A], %masked_cumsum3A {strides = array<i32>} : memref<4096xi32, #tpu.memory_space<vmem>>, vector<16xi32>,
        %scan3A_130 = arith.constant 0 : i32
        scf.yield %scan3A_130 : i32
      }
      %scan3A_61 = arith.constant 256 : i32
      %scan3A_62 = arith.constant 0 : i32
      %scan3A_63 = arith.constant 0 : i32
      %scan3A_64 = arith.constant 16 : i32
      %scan3A_65 = arith.addi %scan3A_63, %scan3A_64 : i32
      %scan3A_66 = arith.constant 1 : i32
      %scan3A_67 = scf.for %scan3A_119 = %scan3A_63 to %scan3A_65 step %scan3A_66 iter_args(%scan3A_120 = %scan3A_62) -> (i32)  : i32 {
        %mul3A_121 = arith.constant 16 : i32
        %mul3A_122 = arith.muli %scan3A_119, %mul3A_121 : i32
        %add3A_123 = vector.broadcast %mul3A_122 : i32 to vector<16xi32>
        %add3A_124 = arith.addi %add3A_123, %iota3A : vector<16xi32>
        %mul3A_125 = arith.constant 16 : i32
        %mul3A_126 = vector.broadcast %mul3A_125 : i32 to vector<16xi32>
        %mul3A_127 = arith.muli %add3A_124, %mul3A_126 : vector<16xi32>
        %add3A_128 = arith.constant 15 : i32
        %add3A_129 = vector.broadcast %add3A_128 : i32 to vector<16xi32>
        %add3A_130 = arith.addi %mul3A_127, %add3A_129 : vector<16xi32>
        %gather3A = tpu.vector_load_idx %arg14[%add3A_130] : memref<4096xi32, #tpu.memory_space<vmem>>[vector<16xi32>], vector<16xi32>,
        %mul3A_131 = arith.constant 16 : i32
        %mul3A_132 = arith.muli %scan3A_119, %mul3A_131 : i32
        %swap3A = arith.index_cast %mul3A_132 : i32 to index
        %swap3A_133 = tpu.vector_load %arg16[%swap3A] {strides = array<i32>} : memref<256xi32, #tpu.memory_space<vmem>>, vector<16xi32>,
        tpu.vector_store %arg16[%swap3A], %gather3A {strides = array<i32>} : memref<256xi32, #tpu.memory_space<vmem>>, vector<16xi32>,
        %scan3A_134 = arith.constant 0 : i32
        scf.yield %scan3A_134 : i32
      }
      %scan3A_68 = arith.constant 16 : i32
      "tpu.region"() ({
        %run_scoped3A = tpu.sem_alloc : memref<!tpu.dma_semaphore, #tpu.memory_space<semaphore_mem>>
        %dma_start3A = arith.constant 0 : i32
        %dma_start3A_119 = tpu.memref_slice %arg20[%arg1, %dma_start3A] : memref<16x256xi32, #tpu.memory_space<vmem_shared>> -> memref<1x256xi32, #tpu.memory_space<vmem_shared>>
        %dma_start3A_120 = tpu.memref_squeeze %dma_start3A_119 : memref<1x256xi32, #tpu.memory_space<vmem_shared>> -> memref<256xi32, #tpu.memory_space<vmem_shared>>
        %dma_start3A_121 = arith.constant 0 : i32
        %dma_start3A_122 = tpu.memref_slice %arg20[%arg1, %dma_start3A_121] : memref<16x256xi32, #tpu.memory_space<vmem_shared>> -> memref<1x256xi32, #tpu.memory_space<vmem_shared>>
        %dma_start3A_123 = tpu.memref_squeeze %dma_start3A_122 : memref<1x256xi32, #tpu.memory_space<vmem_shared>> -> memref<256xi32, #tpu.memory_space<vmem_shared>>
        tpu.enqueue_dma source(%arg16 : memref<256xi32, #tpu.memory_space<vmem>>) target(%dma_start3A_123 : memref<256xi32, #tpu.memory_space<vmem_shared>>) target_semaphore(%run_scoped3A : memref<!tpu.dma_semaphore, #tpu.memory_space<semaphore_mem>>)
        %dma_wait3A = arith.constant 0 : i32
        %dma_wait3A_124 = tpu.memref_slice %arg20[%arg1, %dma_wait3A] : memref<16x256xi32, #tpu.memory_space<vmem_shared>> -> memref<1x256xi32, #tpu.memory_space<vmem_shared>>
        %dma_wait3A_125 = tpu.memref_squeeze %dma_wait3A_124 : memref<1x256xi32, #tpu.memory_space<vmem_shared>> -> memref<256xi32, #tpu.memory_space<vmem_shared>>
        %dma_wait3A_126 = arith.constant 0 : i32
        %dma_wait3A_127 = tpu.memref_slice %arg20[%arg1, %dma_wait3A_126] : memref<16x256xi32, #tpu.memory_space<vmem_shared>> -> memref<1x256xi32, #tpu.memory_space<vmem_shared>>
        %dma_wait3A_128 = tpu.memref_squeeze %dma_wait3A_127 : memref<1x256xi32, #tpu.memory_space<vmem_shared>> -> memref<256xi32, #tpu.memory_space<vmem_shared>>
        tpu.wait_dma2 semaphore(%run_scoped3A : memref<!tpu.dma_semaphore, #tpu.memory_space<semaphore_mem>>) src(%arg16 : memref<256xi32, #tpu.memory_space<vmem>>) dst(%dma_wait3A_128 : memref<256xi32, #tpu.memory_space<vmem_shared>>)
        tpu.yield
      }) : () -> ()
      %barrier3A = arith.constant 0 : index
      tpu.barrier barrier_id(%barrier3A)
      "tpu.region"() ({
        %run_scoped3A = tpu.sem_alloc : memref<!tpu.dma_semaphore, #tpu.memory_space<semaphore_mem>>
        tpu.enqueue_dma source(%arg20 : memref<16x256xi32, #tpu.memory_space<vmem_shared>>) target(%arg17 : memref<16x256xi32, #tpu.memory_space<vmem>>) target_semaphore(%run_scoped3A : memref<!tpu.dma_semaphore, #tpu.memory_space<semaphore_mem>>)
        tpu.wait_dma2 semaphore(%run_scoped3A : memref<!tpu.dma_semaphore, #tpu.memory_space<semaphore_mem>>) src(%arg20 : memref<16x256xi32, #tpu.memory_space<vmem_shared>>) dst(%arg17 : memref<16x256xi32, #tpu.memory_space<vmem>>)
        tpu.yield
      }) : () -> ()
      %scan3A_69 = arith.constant 0 : i32
      %scan3A_70 = arith.constant 0 : i32
      %scan3A_71 = arith.constant 16 : i32
      %scan3A_72 = arith.addi %scan3A_70, %scan3A_71 : i32
      %scan3A_73 = arith.constant 1 : i32
      %scan3A_74 = scf.for %scan3A_119 = %scan3A_70 to %scan3A_72 step %scan3A_73 iter_args(%scan3A_120 = %scan3A_69) -> (i32)  : i32 {
        %broadcast_in_dim3A_121 = arith.constant 0 : i32
        %broadcast_in_dim3A_122 = vector.broadcast %broadcast_in_dim3A_121 : i32 to vector<16xi32>
        %broadcast_in_dim3A_123 = arith.constant 0 : i32
        %broadcast_in_dim3A_124 = vector.broadcast %broadcast_in_dim3A_123 : i32 to vector<16xi32>
        %scan3A_125 = arith.constant 0 : i32
        %scan3A_126 = arith.constant 16 : i32
        %scan3A_127 = arith.addi %scan3A_125, %scan3A_126 : i32
        %scan3A_128 = arith.constant 1 : i32
        %scan3A_129:2 = scf.for %scan3A_139 = %scan3A_125 to %scan3A_127 step %scan3A_128 iter_args(%scan3A_140 = %broadcast_in_dim3A_122, %scan3A_141 = %broadcast_in_dim3A_124) -> (vector<16xi32>, vector<16xi32>)  : i32 {
          %mul3A_142 = arith.constant 16 : i32
          %mul3A_143 = arith.muli %scan3A_119, %mul3A_142 : i32
          %get3A_144 = arith.index_cast %scan3A_139 : i32 to index
          %get3A_145 = arith.index_cast %mul3A_143 : i32 to index
          %get3A_146 = tpu.vector_load %arg17[%get3A_144, %get3A_145] {strides = array<i32>} : memref<16x256xi32, #tpu.memory_space<vmem>>, vector<16xi32>,
          %add3A_147 = arith.addi %scan3A_140, %get3A_146 : vector<16xi32>
          %lt3A_148 = arith.cmpi slt, %scan3A_139, %arg1 : i32
          %jit3A = arith.constant 0 : i32
          %broadcast_in_dim3A_149 = vector.broadcast %jit3A : i32 to vector<16xi32>
          %select_n3A_150 = arith.select %lt3A_148, %get3A_146, %broadcast_in_dim3A_149 : vector<16xi32>
          %add3A_151 = arith.addi %scan3A_141, %select_n3A_150 : vector<16xi32>
          scf.yield %add3A_147, %add3A_151 : vector<16xi32>, vector<16xi32>
        }
        %scan3A_130 = arith.constant 16 : i32
        %mul3A_131 = arith.constant 16 : i32
        %mul3A_132 = arith.muli %scan3A_119, %mul3A_131 : i32
        %swap3A = arith.index_cast %mul3A_132 : i32 to index
        %swap3A_133 = tpu.vector_load %arg18[%swap3A] {strides = array<i32>} : memref<256xi32, #tpu.memory_space<vmem>>, vector<16xi32>,
        tpu.vector_store %arg18[%swap3A], %scan3A_129#0 {strides = array<i32>} : memref<256xi32, #tpu.memory_space<vmem>>, vector<16xi32>,
        %mul3A_134 = arith.constant 16 : i32
        %mul3A_135 = arith.muli %scan3A_119, %mul3A_134 : i32
        %swap3A_136 = arith.index_cast %mul3A_135 : i32 to index
        %swap3A_137 = tpu.vector_load %arg15[%swap3A_136] {strides = array<i32>} : memref<256xi32, #tpu.memory_space<vmem>>, vector<16xi32>,
        tpu.vector_store %arg15[%swap3A_136], %scan3A_129#1 {strides = array<i32>} : memref<256xi32, #tpu.memory_space<vmem>>, vector<16xi32>,
        %scan3A_138 = arith.constant 0 : i32
        scf.yield %scan3A_138 : i32
      }
      %scan3A_75 = arith.constant 16 : i32
      %scan3A_76 = arith.constant 0 : i32
      %scan3A_77 = arith.constant 0 : i32
      %scan3A_78 = arith.constant 16 : i32
      %scan3A_79 = arith.addi %scan3A_77, %scan3A_78 : i32
      %scan3A_80 = arith.constant 1 : i32
      %scan3A_81 = scf.for %scan3A_119 = %scan3A_77 to %scan3A_79 step %scan3A_80 iter_args(%scan3A_120 = %scan3A_76) -> (i32)  : i32 {
        %mul3A_121 = arith.constant 16 : i32
        %mul3A_122 = arith.muli %scan3A_119, %mul3A_121 : i32
        %get3A_123 = arith.index_cast %mul3A_122 : i32 to index
        %get3A_124 = tpu.vector_load %arg18[%get3A_123] {strides = array<i32>} : memref<256xi32, #tpu.memory_space<vmem>>, vector<16xi32>,
        %broadcast_in_dim3A_125 = arith.constant true
        %broadcast_in_dim3A_126 = vector.broadcast %broadcast_in_dim3A_125 : i1 to vector<16xi1>
        %masked_cumsum3A = tpu.scan <sum>, %get3A_124 masked %broadcast_in_dim3A_126 : vector<16xi32>, vector<16xi1> -> vector<16xi32>
        %sub3A = arith.subi %masked_cumsum3A, %get3A_124 : vector<16xi32>
        %add3A_127 = vector.broadcast %scan3A_120 : i32 to vector<16xi32>
        %add3A_128 = arith.addi %sub3A, %add3A_127 : vector<16xi32>
        %mul3A_129 = arith.constant 16 : i32
        %mul3A_130 = arith.muli %scan3A_119, %mul3A_129 : i32
        %get3A_131 = arith.index_cast %mul3A_130 : i32 to index
        %get3A_132 = tpu.vector_load %arg15[%get3A_131] {strides = array<i32>} : memref<256xi32, #tpu.memory_space<vmem>>, vector<16xi32>,
        %add3A_133 = arith.addi %add3A_128, %get3A_132 : vector<16xi32>
        %mul3A_134 = arith.constant 16 : i32
        %mul3A_135 = arith.muli %scan3A_119, %mul3A_134 : i32
        %swap3A = arith.index_cast %mul3A_135 : i32 to index
        %swap3A_136 = tpu.vector_load %arg15[%swap3A] {strides = array<i32>} : memref<256xi32, #tpu.memory_space<vmem>>, vector<16xi32>,
        tpu.vector_store %arg15[%swap3A], %add3A_133 {strides = array<i32>} : memref<256xi32, #tpu.memory_space<vmem>>, vector<16xi32>,
        %reduce_sum3A = arith.constant true
        %reduce_sum3A_137 = vector.broadcast %reduce_sum3A : i1 to vector<16xi1>
        %reduce_sum3A_138 = tpu.scan <sum>, %get3A_124 masked %reduce_sum3A_137 : vector<16xi32>, vector<16xi1> -> vector<16xi32>
        %reduce_sum3A_139 = vector.extract %reduce_sum3A_138[15] : i32 from vector<16xi32>
        %add3A_140 = arith.addi %scan3A_120, %reduce_sum3A_139 : i32
        scf.yield %add3A_140 : i32
      }
      %scan3A_82 = arith.constant 16 : i32
      %scan3A_83 = arith.constant 0 : i32
      %scan3A_84 = arith.constant 0 : i32
      %scan3A_85 = arith.constant 4 : i32
      %scan3A_86 = arith.addi %scan3A_84, %scan3A_85 : i32
      %scan3A_87 = arith.constant 1 : i32
      %scan3A_88 = scf.for %scan3A_119 = %scan3A_84 to %scan3A_86 step %scan3A_87 iter_args(%scan3A_120 = %scan3A_83) -> (i32)  : i32 {
        %mul3A_121 = arith.constant 1048576 : i32
        %mul3A_122 = arith.muli %add3A, %mul3A_121 : i32
        %mul3A_123 = arith.constant 65536 : i32
        %mul3A_124 = arith.muli %arg1, %mul3A_123 : i32
        %add3A_125 = arith.addi %mul3A_122, %mul3A_124 : i32
        %mul3A_126 = arith.constant 16384 : i32
        %mul3A_127 = arith.muli %scan3A_119, %mul3A_126 : i32
        %add3A_128 = arith.addi %add3A_125, %mul3A_127 : i32
        %lt3A_129 = arith.constant 15 : i32
        %lt3A_130 = arith.cmpi slt, %arg1, %lt3A_129 : i32
        %eq3A_131 = arith.constant 0 : i32
        %eq3A_132 = arith.cmpi eq, %scan3A_119, %eq3A_131 : i32
        %or3A = arith.ori %lt3A_130, %eq3A_132 : i1
        %convert_element_type3A_133 = arith.extui %or3A : i1 to i32
        %cond3A_134 = arith.constant 0 : i32
        %cond3A_135 = arith.cmpi ne, %convert_element_type3A_133, %cond3A_134 : i32
        scf.if %cond3A_135 {
          "tpu.region"() ({
            %run_scoped3A = tpu.sem_alloc : memref<!tpu.dma_semaphore, #tpu.memory_space<semaphore_mem>>
            %dma_start3A = tpu.memref_slice %arg7[%add3A_128] : memref<16777216xf32, #tpu.memory_space<hbm>> -> memref<16384xf32, #tpu.memory_space<hbm>>
            %dma_start3A_158 = tpu.memref_slice %arg7[%add3A_128] : memref<16777216xf32, #tpu.memory_space<hbm>> -> memref<16384xf32, #tpu.memory_space<hbm>>
            tpu.enqueue_dma source(%dma_start3A_158 : memref<16384xf32, #tpu.memory_space<hbm>>) target(%arg12 : memref<16384xf32, #tpu.memory_space<vmem>>) target_semaphore(%run_scoped3A : memref<!tpu.dma_semaphore, #tpu.memory_space<semaphore_mem>>)
            %dma_wait3A = tpu.memref_slice %arg7[%add3A_128] : memref<16777216xf32, #tpu.memory_space<hbm>> -> memref<16384xf32, #tpu.memory_space<hbm>>
            %dma_wait3A_159 = tpu.memref_slice %arg7[%add3A_128] : memref<16777216xf32, #tpu.memory_space<hbm>> -> memref<16384xf32, #tpu.memory_space<hbm>>
            tpu.wait_dma2 semaphore(%run_scoped3A : memref<!tpu.dma_semaphore, #tpu.memory_space<semaphore_mem>>) src(%dma_wait3A_159 : memref<16384xf32, #tpu.memory_space<hbm>>) dst(%arg12 : memref<16384xf32, #tpu.memory_space<vmem>>)
            tpu.yield
          }) : () -> ()
        } else {
        }
        %eq3A_136 = arith.constant 15 : i32
        %eq3A_137 = arith.cmpi eq, %arg1, %eq3A_136 : i32
        %gt3A = arith.constant 0 : i32
        %gt3A_138 = arith.cmpi sgt, %scan3A_119, %gt3A : i32
        %and3A = arith.andi %eq3A_137, %gt3A_138 : i1
        %convert_element_type3A_139 = arith.extui %and3A : i1 to i32
        %cond3A_140 = arith.constant 0 : i32
        %cond3A_141 = arith.cmpi ne, %convert_element_type3A_139, %cond3A_140 : i32
        scf.if %cond3A_141 {
          %scan3A_158 = arith.constant 0 : i32
          %scan3A_159 = arith.constant 0 : i32
          %scan3A_160 = arith.constant 1024 : i32
          %scan3A_161 = arith.addi %scan3A_159, %scan3A_160 : i32
          %scan3A_162 = arith.constant 1 : i32
          %scan3A_163 = scf.for %scan3A_170 = %scan3A_159 to %scan3A_161 step %scan3A_162 iter_args(%scan3A_171 = %scan3A_158) -> (i32)  : i32 {
            %mul3A_172 = arith.constant 16 : i32
            %mul3A_173 = arith.muli %scan3A_170, %mul3A_172 : i32
            %swap3A = arith.index_cast %mul3A_173 : i32 to index
            %swap3A_174 = tpu.vector_load %arg12[%swap3A] {strides = array<i32>} : memref<16384xf32, #tpu.memory_space<vmem>>, vector<16xf32>,
            tpu.vector_store %arg12[%swap3A], %bitcast3A_10 {strides = array<i32>} : memref<16384xf32, #tpu.memory_space<vmem>>, vector<16xf32>,
            %scan3A_175 = arith.constant 0 : i32
            scf.yield %scan3A_175 : i32
          }
          %scan3A_164 = arith.constant 1024 : i32
          %eq3A_165 = arith.constant 1 : i32
          %eq3A_166 = arith.cmpi eq, %scan3A_119, %eq3A_165 : i32
          %convert_element_type3A_167 = arith.extui %eq3A_166 : i1 to i32
          %cond3A_168 = arith.constant 0 : i32
          %cond3A_169 = arith.cmpi ne, %convert_element_type3A_167, %cond3A_168 : i32
          scf.if %cond3A_169 {
            %mul3A_170 = arith.constant 1048576 : i32
            %mul3A_171 = arith.muli %add3A, %mul3A_170 : i32
            %add3A_172 = arith.constant 983040 : i32
            %add3A_173 = arith.addi %mul3A_171, %add3A_172 : i32
            %add3A_174 = arith.constant 16384 : i32
            %add3A_175 = arith.addi %add3A_173, %add3A_174 : i32
            "tpu.region"() ({
              %run_scoped3A = tpu.sem_alloc : memref<!tpu.dma_semaphore, #tpu.memory_space<semaphore_mem>>
              %dma_start3A = arith.constant 0 : i32
              %dma_start3A_176 = tpu.memref_slice %arg12[%dma_start3A] : memref<16384xf32, #tpu.memory_space<vmem>> -> memref<576xf32, #tpu.memory_space<vmem>>
              %dma_start3A_177 = tpu.memref_slice %arg7[%add3A_175] : memref<16777216xf32, #tpu.memory_space<hbm>> -> memref<576xf32, #tpu.memory_space<hbm>>
              %dma_start3A_178 = arith.constant 0 : i32
              %dma_start3A_179 = tpu.memref_slice %arg12[%dma_start3A_178] : memref<16384xf32, #tpu.memory_space<vmem>> -> memref<576xf32, #tpu.memory_space<vmem>>
              %dma_start3A_180 = tpu.memref_slice %arg7[%add3A_175] : memref<16777216xf32, #tpu.memory_space<hbm>> -> memref<576xf32, #tpu.memory_space<hbm>>
              tpu.enqueue_dma source(%dma_start3A_180 : memref<576xf32, #tpu.memory_space<hbm>>) target(%dma_start3A_179 : memref<576xf32, #tpu.memory_space<vmem>>) target_semaphore(%run_scoped3A : memref<!tpu.dma_semaphore, #tpu.memory_space<semaphore_mem>>)
              %dma_wait3A = arith.constant 0 : i32
              %dma_wait3A_181 = tpu.memref_slice %arg12[%dma_wait3A] : memref<16384xf32, #tpu.memory_space<vmem>> -> memref<576xf32, #tpu.memory_space<vmem>>
              %dma_wait3A_182 = tpu.memref_slice %arg7[%add3A_175] : memref<16777216xf32, #tpu.memory_space<hbm>> -> memref<576xf32, #tpu.memory_space<hbm>>
              %dma_wait3A_183 = arith.constant 0 : i32
              %dma_wait3A_184 = tpu.memref_slice %arg12[%dma_wait3A_183] : memref<16384xf32, #tpu.memory_space<vmem>> -> memref<576xf32, #tpu.memory_space<vmem>>
              %dma_wait3A_185 = tpu.memref_slice %arg7[%add3A_175] : memref<16777216xf32, #tpu.memory_space<hbm>> -> memref<576xf32, #tpu.memory_space<hbm>>
              tpu.wait_dma2 semaphore(%run_scoped3A : memref<!tpu.dma_semaphore, #tpu.memory_space<semaphore_mem>>) src(%dma_wait3A_185 : memref<576xf32, #tpu.memory_space<hbm>>) dst(%dma_wait3A_184 : memref<576xf32, #tpu.memory_space<vmem>>)
              tpu.yield
            }) : () -> ()
          } else {
          }
        } else {
        }
        %scan3A_142 = arith.constant 0 : i32
        %scan3A_143 = arith.constant 0 : i32
        %scan3A_144 = arith.constant 1024 : i32
        %scan3A_145 = arith.addi %scan3A_143, %scan3A_144 : i32
        %scan3A_146 = arith.constant 1 : i32
        %scan3A_147 = scf.for %scan3A_158 = %scan3A_143 to %scan3A_145 step %scan3A_146 iter_args(%scan3A_159 = %scan3A_142) -> (i32)  : i32 {
          %mul3A_160 = arith.constant 16 : i32
          %mul3A_161 = arith.muli %scan3A_158, %mul3A_160 : i32
          %get3A_162 = arith.index_cast %mul3A_161 : i32 to index
          %get3A_163 = tpu.vector_load %arg12[%get3A_162] {strides = array<i32>} : memref<16384xf32, #tpu.memory_space<vmem>>, vector<16xf32>,
          %bitcast3A_164 = vector.bitcast %get3A_163 : vector<16xf32> to vector<16xi32>
          %shift_right_logical3A = arith.constant 24 : i32
          %shift_right_logical3A_165 = vector.broadcast %shift_right_logical3A : i32 to vector<16xi32>
          %shift_right_logical3A_166 = arith.shrui %bitcast3A_164, %shift_right_logical3A_165 : vector<16xi32>
          %and3A_167 = arith.constant 255 : i32
          %and3A_168 = vector.broadcast %and3A_167 : i32 to vector<16xi32>
          %and3A_169 = arith.andi %shift_right_logical3A_166, %and3A_168 : vector<16xi32>
          %broadcast_in_dim3A_170 = arith.constant true
          %broadcast_in_dim3A_171 = vector.broadcast %broadcast_in_dim3A_170 : i1 to vector<16xi1>
          %unique3A, %unique3A_172 = tpu.scan_count mask(%broadcast_in_dim3A_171 : vector<16xi1>) value(%and3A_169 : vector<16xi32>) : vector<16xi1>, vector<16xi32>
          %gather3A = tpu.vector_load_idx %arg15[%and3A_169] : memref<256xi32, #tpu.memory_space<vmem>>[vector<16xi32>], vector<16xi32>,
          %add3A_173 = arith.addi %gather3A, %unique3A_172 : vector<16xi32>
          tpu.vector_store_idx %arg15[%and3A_169], %add3A_173 masked %unique3A : memref<256xi32, #tpu.memory_space<vmem>>[vector<16xi32>], vector<16xi32>, vector<16xi1>
          %sub3A = arith.constant 1 : i32
          %sub3A_174 = vector.broadcast %sub3A : i32 to vector<16xi32>
          %sub3A_175 = arith.subi %add3A_173, %sub3A_174 : vector<16xi32>
          %ge3A = arith.constant 1000000 : i32
          %ge3A_176 = vector.broadcast %ge3A : i32 to vector<16xi32>
          %ge3A_177 = arith.cmpi sge, %sub3A_175, %ge3A_176 : vector<16xi32>
          %jit3A = arith.constant -1 : i32
          %broadcast_in_dim3A_178 = vector.broadcast %jit3A : i32 to vector<16xi32>
          %select_n3A_179 = arith.select %ge3A_177, %broadcast_in_dim3A_178, %sub3A_175 : vector<16xi1>, vector<16xi32>
          %xor3A = arith.xori %bitcast3A_164, %get3A_1 : vector<16xi32>
          %shift_right_arithmetic3A = arith.constant 31 : i32
          %shift_right_arithmetic3A_180 = vector.broadcast %shift_right_arithmetic3A : i32 to vector<16xi32>
          %shift_right_arithmetic3A_181 = arith.shrsi %xor3A, %shift_right_arithmetic3A_180 : vector<16xi32>
          %not3A = arith.constant dense<-1> : vector<16xi32>
          %not3A_182 = arith.xori %shift_right_arithmetic3A_181, %not3A : vector<16xi32>
          %and3A_183 = arith.constant 2147483647 : i32
          %and3A_184 = vector.broadcast %and3A_183 : i32 to vector<16xi32>
          %and3A_185 = arith.andi %not3A_182, %and3A_184 : vector<16xi32>
          %or3A_186 = arith.constant -2147483648 : i32
          %or3A_187 = vector.broadcast %or3A_186 : i32 to vector<16xi32>
          %or3A_188 = arith.ori %or3A_187, %and3A_185 : vector<16xi32>
          %xor3A_189 = arith.xori %xor3A, %or3A_188 : vector<16xi32>
          %bitcast3A_190 = vector.bitcast %xor3A_189 : vector<16xi32> to vector<16xf32>
          %mul3A_191 = arith.constant 16 : i32
          %mul3A_192 = arith.muli %scan3A_158, %mul3A_191 : i32
          %swap3A = arith.index_cast %mul3A_192 : i32 to index
          %swap3A_193 = tpu.vector_load %arg12[%swap3A] {strides = array<i32>} : memref<16384xf32, #tpu.memory_space<vmem>>, vector<16xf32>,
          tpu.vector_store %arg12[%swap3A], %bitcast3A_190 {strides = array<i32>} : memref<16384xf32, #tpu.memory_space<vmem>>, vector<16xf32>,
          %mul3A_194 = arith.constant 16 : i32
          %mul3A_195 = arith.muli %scan3A_158, %mul3A_194 : i32
          %swap3A_196 = arith.index_cast %mul3A_195 : i32 to index
          %swap3A_197 = tpu.vector_load %arg13[%swap3A_196] {strides = array<i32>} : memref<16384xi32, #tpu.memory_space<vmem>>, vector<16xi32>,
          tpu.vector_store %arg13[%swap3A_196], %select_n3A_179 {strides = array<i32>} : memref<16384xi32, #tpu.memory_space<vmem>>, vector<16xi32>,
          %scan3A_198 = arith.constant 0 : i32
          scf.yield %scan3A_198 : i32
        }
        %scan3A_148 = arith.constant 1024 : i32
        "tpu.region"() ({
          %run_scoped3A = tpu.sem_alloc : memref<!tpu.dma_semaphore, #tpu.memory_space<semaphore_mem>>
          %dma_start3A = arith.constant 0 : i32
          %dma_start3A_158 = tpu.memref_slice %arg21[%dma_start3A] : memref<1000064xf32, #tpu.memory_space<vmem_shared>> -> memref<1000064xf32, #tpu.memory_space<vmem_shared>>
          %dma_start3A_159 = arith.constant -1 : i32
          tpu.enqueue_indirect_dma source(%arg12 : memref<16384xf32, #tpu.memory_space<vmem>>) target(%dma_start3A_158 : memref<1000064xf32, #tpu.memory_space<vmem_shared>>) offsets(%arg13 : memref<16384xi32, #tpu.memory_space<vmem>>) offset_filter(%dma_start3A_159) semaphore(%run_scoped3A : memref<!tpu.dma_semaphore, #tpu.memory_space<semaphore_mem>>)
          %dma_wait3A = arith.constant 0 : i32
          %dma_wait3A_160 = tpu.memref_slice %arg21[%dma_wait3A] : memref<1000064xf32, #tpu.memory_space<vmem_shared>> -> memref<1000064xf32, #tpu.memory_space<vmem_shared>>
          tpu.wait_indirect_dma semaphore(%run_scoped3A : memref<!tpu.dma_semaphore, #tpu.memory_space<semaphore_mem>>) src(%arg12 : memref<16384xf32, #tpu.memory_space<vmem>>) dst(%dma_wait3A_160 : memref<1000064xf32, #tpu.memory_space<vmem_shared>>)
          tpu.yield
        }) : () -> ()
        %mul3A_149 = arith.constant 16 : i32
        %mul3A_150 = arith.muli %arg0, %mul3A_149 : i32
        %add3A_151 = arith.addi %mul3A_150, %arg1 : i32
        %mul3A_152 = arith.constant 4 : i32
        %mul3A_153 = arith.muli %add3A_151, %mul3A_152 : i32
        %add3A_154 = arith.addi %mul3A_153, %scan3A_119 : i32
        %mul3A_155 = arith.constant 16384 : i32
        %mul3A_156 = arith.muli %add3A_154, %mul3A_155 : i32
        "tpu.region"() ({
          %run_scoped3A = tpu.sem_alloc : memref<!tpu.dma_semaphore, #tpu.memory_space<semaphore_mem>>
          %dma_start3A = tpu.memref_slice %arg11[%mul3A_156] : memref<2097152xi32, #tpu.memory_space<hbm>> -> memref<16384xi32, #tpu.memory_space<hbm>>
          %dma_start3A_158 = tpu.memref_slice %arg11[%mul3A_156] : memref<2097152xi32, #tpu.memory_space<hbm>> -> memref<16384xi32, #tpu.memory_space<hbm>>
          tpu.enqueue_dma source(%arg13 : memref<16384xi32, #tpu.memory_space<vmem>>) target(%dma_start3A_158 : memref<16384xi32, #tpu.memory_space<hbm>>) target_semaphore(%run_scoped3A : memref<!tpu.dma_semaphore, #tpu.memory_space<semaphore_mem>>)
          %dma_wait3A = tpu.memref_slice %arg11[%mul3A_156] : memref<2097152xi32, #tpu.memory_space<hbm>> -> memref<16384xi32, #tpu.memory_space<hbm>>
          %dma_wait3A_159 = tpu.memref_slice %arg11[%mul3A_156] : memref<2097152xi32, #tpu.memory_space<hbm>> -> memref<16384xi32, #tpu.memory_space<hbm>>
          tpu.wait_dma2 semaphore(%run_scoped3A : memref<!tpu.dma_semaphore, #tpu.memory_space<semaphore_mem>>) src(%arg13 : memref<16384xi32, #tpu.memory_space<vmem>>) dst(%dma_wait3A_159 : memref<16384xi32, #tpu.memory_space<hbm>>)
          tpu.yield
        }) : () -> ()
        %scan3A_157 = arith.constant 0 : i32
        scf.yield %scan3A_157 : i32
      }
      %scan3A_89 = arith.constant 4 : i32
      %barrier3A_90 = arith.constant 0 : index
      tpu.barrier barrier_id(%barrier3A_90)
      %lt3A_91 = arith.constant 15 : i32
      %lt3A_92 = arith.cmpi slt, %arg1, %lt3A_91 : i32
      %convert_element_type3A = arith.extui %lt3A_92 : i1 to i32
      %cond3A = arith.constant 0 : i32
      %cond3A_93 = arith.cmpi ne, %convert_element_type3A, %cond3A : i32
      scf.if %cond3A_93 {
        %mul3A_119 = arith.constant 65536 : i32
        %mul3A_120 = arith.muli %arg1, %mul3A_119 : i32
        %mul3A_121 = arith.constant 65536 : i32
        %mul3A_122 = arith.muli %arg1, %mul3A_121 : i32
        "tpu.region"() ({
          %run_scoped3A = tpu.sem_alloc : memref<!tpu.dma_semaphore, #tpu.memory_space<semaphore_mem>>
          %dma_start3A = tpu.memref_slice %arg5[%add3A, %mul3A_122] : memref<16x1000064xf32, #tpu.memory_space<hbm>> -> memref<1x65536xf32, #tpu.memory_space<hbm>>
          %dma_start3A_123 = tpu.memref_squeeze %dma_start3A : memref<1x65536xf32, #tpu.memory_space<hbm>> -> memref<65536xf32, #tpu.memory_space<hbm>>
          %dma_start3A_124 = tpu.memref_slice %arg21[%mul3A_120] : memref<1000064xf32, #tpu.memory_space<vmem_shared>> -> memref<65536xf32, #tpu.memory_space<vmem_shared>>
          tpu.enqueue_dma source(%dma_start3A_124 : memref<65536xf32, #tpu.memory_space<vmem_shared>>) target(%dma_start3A_123 : memref<65536xf32, #tpu.memory_space<hbm>>) target_semaphore(%run_scoped3A : memref<!tpu.dma_semaphore, #tpu.memory_space<semaphore_mem>>)
          %dma_wait3A = tpu.memref_slice %arg5[%add3A, %mul3A_122] : memref<16x1000064xf32, #tpu.memory_space<hbm>> -> memref<1x65536xf32, #tpu.memory_space<hbm>>
          %dma_wait3A_125 = tpu.memref_squeeze %dma_wait3A : memref<1x65536xf32, #tpu.memory_space<hbm>> -> memref<65536xf32, #tpu.memory_space<hbm>>
          %dma_wait3A_126 = tpu.memref_slice %arg21[%mul3A_120] : memref<1000064xf32, #tpu.memory_space<vmem_shared>> -> memref<65536xf32, #tpu.memory_space<vmem_shared>>
          tpu.wait_dma2 semaphore(%run_scoped3A : memref<!tpu.dma_semaphore, #tpu.memory_space<semaphore_mem>>) src(%dma_wait3A_126 : memref<65536xf32, #tpu.memory_space<vmem_shared>>) dst(%dma_wait3A_125 : memref<65536xf32, #tpu.memory_space<hbm>>)
          tpu.yield
        }) : () -> ()
      } else {
      }
      %eq3A = arith.constant 15 : i32
      %eq3A_94 = arith.cmpi eq, %arg1, %eq3A : i32
      %convert_element_type3A_95 = arith.extui %eq3A_94 : i1 to i32
      %cond3A_96 = arith.constant 0 : i32
      %cond3A_97 = arith.cmpi ne, %convert_element_type3A_95, %cond3A_96 : i32
      scf.if %cond3A_97 {
        "tpu.region"() ({
          %run_scoped3A = tpu.sem_alloc : memref<!tpu.dma_semaphore, #tpu.memory_space<semaphore_mem>>
          %dma_start3A = arith.constant 983040 : i32
          %dma_start3A_119 = tpu.memref_slice %arg5[%add3A, %dma_start3A] : memref<16x1000064xf32, #tpu.memory_space<hbm>> -> memref<1x17024xf32, #tpu.memory_space<hbm>>
          %dma_start3A_120 = tpu.memref_squeeze %dma_start3A_119 : memref<1x17024xf32, #tpu.memory_space<hbm>> -> memref<17024xf32, #tpu.memory_space<hbm>>
          %dma_start3A_121 = arith.constant 983040 : i32
          %dma_start3A_122 = tpu.memref_slice %arg21[%dma_start3A_121] : memref<1000064xf32, #tpu.memory_space<vmem_shared>> -> memref<17024xf32, #tpu.memory_space<vmem_shared>>
          tpu.enqueue_dma source(%dma_start3A_122 : memref<17024xf32, #tpu.memory_space<vmem_shared>>) target(%dma_start3A_120 : memref<17024xf32, #tpu.memory_space<hbm>>) target_semaphore(%run_scoped3A : memref<!tpu.dma_semaphore, #tpu.memory_space<semaphore_mem>>)
          %dma_wait3A = arith.constant 983040 : i32
          %dma_wait3A_123 = tpu.memref_slice %arg5[%add3A, %dma_wait3A] : memref<16x1000064xf32, #tpu.memory_space<hbm>> -> memref<1x17024xf32, #tpu.memory_space<hbm>>
          %dma_wait3A_124 = tpu.memref_squeeze %dma_wait3A_123 : memref<1x17024xf32, #tpu.memory_space<hbm>> -> memref<17024xf32, #tpu.memory_space<hbm>>
          %dma_wait3A_125 = arith.constant 983040 : i32
          %dma_wait3A_126 = tpu.memref_slice %arg21[%dma_wait3A_125] : memref<1000064xf32, #tpu.memory_space<vmem_shared>> -> memref<17024xf32, #tpu.memory_space<vmem_shared>>
          tpu.wait_dma2 semaphore(%run_scoped3A : memref<!tpu.dma_semaphore, #tpu.memory_space<semaphore_mem>>) src(%dma_wait3A_126 : memref<17024xf32, #tpu.memory_space<vmem_shared>>) dst(%dma_wait3A_124 : memref<17024xf32, #tpu.memory_space<hbm>>)
          tpu.yield
        }) : () -> ()
      } else {
      }
      %barrier3A_98 = arith.constant 0 : index
      tpu.barrier barrier_id(%barrier3A_98)
      %scan3A_99 = arith.constant 0 : i32
      %scan3A_100 = arith.constant 0 : i32
      %scan3A_101 = arith.constant 4 : i32
      %scan3A_102 = arith.addi %scan3A_100, %scan3A_101 : i32
      %scan3A_103 = arith.constant 1 : i32
      %scan3A_104 = scf.for %scan3A_119 = %scan3A_100 to %scan3A_102 step %scan3A_103 iter_args(%scan3A_120 = %scan3A_99) -> (i32)  : i32 {
        %mul3A_121 = arith.constant 1048576 : i32
        %mul3A_122 = arith.muli %add3A, %mul3A_121 : i32
        %mul3A_123 = arith.constant 65536 : i32
        %mul3A_124 = arith.muli %arg1, %mul3A_123 : i32
        %add3A_125 = arith.addi %mul3A_122, %mul3A_124 : i32
        %mul3A_126 = arith.constant 16384 : i32
        %mul3A_127 = arith.muli %scan3A_119, %mul3A_126 : i32
        %add3A_128 = arith.addi %add3A_125, %mul3A_127 : i32
        "tpu.region"() ({
          %run_scoped3A = tpu.sem_alloc : memref<!tpu.dma_semaphore, #tpu.memory_space<semaphore_mem>>
          %dma_start3A = tpu.memref_slice %arg8[%add3A_128] : memref<16777216xf32, #tpu.memory_space<hbm>> -> memref<16384xf32, #tpu.memory_space<hbm>>
          %dma_start3A_138 = tpu.memref_slice %arg8[%add3A_128] : memref<16777216xf32, #tpu.memory_space<hbm>> -> memref<16384xf32, #tpu.memory_space<hbm>>
          tpu.enqueue_dma source(%dma_start3A_138 : memref<16384xf32, #tpu.memory_space<hbm>>) target(%arg12 : memref<16384xf32, #tpu.memory_space<vmem>>) target_semaphore(%run_scoped3A : memref<!tpu.dma_semaphore, #tpu.memory_space<semaphore_mem>>)
          %dma_wait3A = tpu.memref_slice %arg8[%add3A_128] : memref<16777216xf32, #tpu.memory_space<hbm>> -> memref<16384xf32, #tpu.memory_space<hbm>>
          %dma_wait3A_139 = tpu.memref_slice %arg8[%add3A_128] : memref<16777216xf32, #tpu.memory_space<hbm>> -> memref<16384xf32, #tpu.memory_space<hbm>>
          tpu.wait_dma2 semaphore(%run_scoped3A : memref<!tpu.dma_semaphore, #tpu.memory_space<semaphore_mem>>) src(%dma_wait3A_139 : memref<16384xf32, #tpu.memory_space<hbm>>) dst(%arg12 : memref<16384xf32, #tpu.memory_space<vmem>>)
          tpu.yield
        }) : () -> ()
        %mul3A_129 = arith.constant 16 : i32
        %mul3A_130 = arith.muli %arg0, %mul3A_129 : i32
        %add3A_131 = arith.addi %mul3A_130, %arg1 : i32
        %mul3A_132 = arith.constant 4 : i32
        %mul3A_133 = arith.muli %add3A_131, %mul3A_132 : i32
        %add3A_134 = arith.addi %mul3A_133, %scan3A_119 : i32
        %mul3A_135 = arith.constant 16384 : i32
        %mul3A_136 = arith.muli %add3A_134, %mul3A_135 : i32
        "tpu.region"() ({
          %run_scoped3A = tpu.sem_alloc : memref<!tpu.dma_semaphore, #tpu.memory_space<semaphore_mem>>
          %dma_start3A = tpu.memref_slice %arg11[%mul3A_136] : memref<2097152xi32, #tpu.memory_space<hbm>> -> memref<16384xi32, #tpu.memory_space<hbm>>
          %dma_start3A_138 = tpu.memref_slice %arg11[%mul3A_136] : memref<2097152xi32, #tpu.memory_space<hbm>> -> memref<16384xi32, #tpu.memory_space<hbm>>
          tpu.enqueue_dma source(%dma_start3A_138 : memref<16384xi32, #tpu.memory_space<hbm>>) target(%arg13 : memref<16384xi32, #tpu.memory_space<vmem>>) target_semaphore(%run_scoped3A : memref<!tpu.dma_semaphore, #tpu.memory_space<semaphore_mem>>)
          %dma_wait3A = tpu.memref_slice %arg11[%mul3A_136] : memref<2097152xi32, #tpu.memory_space<hbm>> -> memref<16384xi32, #tpu.memory_space<hbm>>
          %dma_wait3A_139 = tpu.memref_slice %arg11[%mul3A_136] : memref<2097152xi32, #tpu.memory_space<hbm>> -> memref<16384xi32, #tpu.memory_space<hbm>>
          tpu.wait_dma2 semaphore(%run_scoped3A : memref<!tpu.dma_semaphore, #tpu.memory_space<semaphore_mem>>) src(%dma_wait3A_139 : memref<16384xi32, #tpu.memory_space<hbm>>) dst(%arg13 : memref<16384xi32, #tpu.memory_space<vmem>>)
          tpu.yield
        }) : () -> ()
        "tpu.region"() ({
          %run_scoped3A = tpu.sem_alloc : memref<!tpu.dma_semaphore, #tpu.memory_space<semaphore_mem>>
          %dma_start3A = arith.constant 0 : i32
          %dma_start3A_138 = tpu.memref_slice %arg21[%dma_start3A] : memref<1000064xf32, #tpu.memory_space<vmem_shared>> -> memref<1000064xf32, #tpu.memory_space<vmem_shared>>
          %dma_start3A_139 = arith.constant -1 : i32
          tpu.enqueue_indirect_dma source(%arg12 : memref<16384xf32, #tpu.memory_space<vmem>>) target(%dma_start3A_138 : memref<1000064xf32, #tpu.memory_space<vmem_shared>>) offsets(%arg13 : memref<16384xi32, #tpu.memory_space<vmem>>) offset_filter(%dma_start3A_139) semaphore(%run_scoped3A : memref<!tpu.dma_semaphore, #tpu.memory_space<semaphore_mem>>)
          %dma_wait3A = arith.constant 0 : i32
          %dma_wait3A_140 = tpu.memref_slice %arg21[%dma_wait3A] : memref<1000064xf32, #tpu.memory_space<vmem_shared>> -> memref<1000064xf32, #tpu.memory_space<vmem_shared>>
          tpu.wait_indirect_dma semaphore(%run_scoped3A : memref<!tpu.dma_semaphore, #tpu.memory_space<semaphore_mem>>) src(%arg12 : memref<16384xf32, #tpu.memory_space<vmem>>) dst(%dma_wait3A_140 : memref<1000064xf32, #tpu.memory_space<vmem_shared>>)
          tpu.yield
        }) : () -> ()
        %scan3A_137 = arith.constant 0 : i32
        scf.yield %scan3A_137 : i32
      }
      %scan3A_105 = arith.constant 4 : i32
      %barrier3A_106 = arith.constant 0 : index
      tpu.barrier barrier_id(%barrier3A_106)
      %lt3A_107 = arith.constant 15 : i32
      %lt3A_108 = arith.cmpi slt, %arg1, %lt3A_107 : i32
      %convert_element_type3A_109 = arith.extui %lt3A_108 : i1 to i32
      %cond3A_110 = arith.constant 0 : i32
      %cond3A_111 = arith.cmpi ne, %convert_element_type3A_109, %cond3A_110 : i32
      scf.if %cond3A_111 {
        %mul3A_119 = arith.constant 65536 : i32
        %mul3A_120 = arith.muli %arg1, %mul3A_119 : i32
        %mul3A_121 = arith.constant 65536 : i32
        %mul3A_122 = arith.muli %arg1, %mul3A_121 : i32
        "tpu.region"() ({
          %run_scoped3A = tpu.sem_alloc : memref<!tpu.dma_semaphore, #tpu.memory_space<semaphore_mem>>
          %dma_start3A = tpu.memref_slice %arg6[%add3A, %mul3A_122] : memref<16x1000064xf32, #tpu.memory_space<hbm>> -> memref<1x65536xf32, #tpu.memory_space<hbm>>
          %dma_start3A_123 = tpu.memref_squeeze %dma_start3A : memref<1x65536xf32, #tpu.memory_space<hbm>> -> memref<65536xf32, #tpu.memory_space<hbm>>
          %dma_start3A_124 = tpu.memref_slice %arg21[%mul3A_120] : memref<1000064xf32, #tpu.memory_space<vmem_shared>> -> memref<65536xf32, #tpu.memory_space<vmem_shared>>
          tpu.enqueue_dma source(%dma_start3A_124 : memref<65536xf32, #tpu.memory_space<vmem_shared>>) target(%dma_start3A_123 : memref<65536xf32, #tpu.memory_space<hbm>>) target_semaphore(%run_scoped3A : memref<!tpu.dma_semaphore, #tpu.memory_space<semaphore_mem>>)
          %dma_wait3A = tpu.memref_slice %arg6[%add3A, %mul3A_122] : memref<16x1000064xf32, #tpu.memory_space<hbm>> -> memref<1x65536xf32, #tpu.memory_space<hbm>>
          %dma_wait3A_125 = tpu.memref_squeeze %dma_wait3A : memref<1x65536xf32, #tpu.memory_space<hbm>> -> memref<65536xf32, #tpu.memory_space<hbm>>
          %dma_wait3A_126 = tpu.memref_slice %arg21[%mul3A_120] : memref<1000064xf32, #tpu.memory_space<vmem_shared>> -> memref<65536xf32, #tpu.memory_space<vmem_shared>>
          tpu.wait_dma2 semaphore(%run_scoped3A : memref<!tpu.dma_semaphore, #tpu.memory_space<semaphore_mem>>) src(%dma_wait3A_126 : memref<65536xf32, #tpu.memory_space<vmem_shared>>) dst(%dma_wait3A_125 : memref<65536xf32, #tpu.memory_space<hbm>>)
          tpu.yield
        }) : () -> ()
      } else {
      }
      %eq3A_112 = arith.constant 15 : i32
      %eq3A_113 = arith.cmpi eq, %arg1, %eq3A_112 : i32
      %convert_element_type3A_114 = arith.extui %eq3A_113 : i1 to i32
      %cond3A_115 = arith.constant 0 : i32
      %cond3A_116 = arith.cmpi ne, %convert_element_type3A_114, %cond3A_115 : i32
      scf.if %cond3A_116 {
        "tpu.region"() ({
          %run_scoped3A = tpu.sem_alloc : memref<!tpu.dma_semaphore, #tpu.memory_space<semaphore_mem>>
          %dma_start3A = arith.constant 983040 : i32
          %dma_start3A_119 = tpu.memref_slice %arg6[%add3A, %dma_start3A] : memref<16x1000064xf32, #tpu.memory_space<hbm>> -> memref<1x17024xf32, #tpu.memory_space<hbm>>
          %dma_start3A_120 = tpu.memref_squeeze %dma_start3A_119 : memref<1x17024xf32, #tpu.memory_space<hbm>> -> memref<17024xf32, #tpu.memory_space<hbm>>
          %dma_start3A_121 = arith.constant 983040 : i32
          %dma_start3A_122 = tpu.memref_slice %arg21[%dma_start3A_121] : memref<1000064xf32, #tpu.memory_space<vmem_shared>> -> memref<17024xf32, #tpu.memory_space<vmem_shared>>
          tpu.enqueue_dma source(%dma_start3A_122 : memref<17024xf32, #tpu.memory_space<vmem_shared>>) target(%dma_start3A_120 : memref<17024xf32, #tpu.memory_space<hbm>>) target_semaphore(%run_scoped3A : memref<!tpu.dma_semaphore, #tpu.memory_space<semaphore_mem>>)
          %dma_wait3A = arith.constant 983040 : i32
          %dma_wait3A_123 = tpu.memref_slice %arg6[%add3A, %dma_wait3A] : memref<16x1000064xf32, #tpu.memory_space<hbm>> -> memref<1x17024xf32, #tpu.memory_space<hbm>>
          %dma_wait3A_124 = tpu.memref_squeeze %dma_wait3A_123 : memref<1x17024xf32, #tpu.memory_space<hbm>> -> memref<17024xf32, #tpu.memory_space<hbm>>
          %dma_wait3A_125 = arith.constant 983040 : i32
          %dma_wait3A_126 = tpu.memref_slice %arg21[%dma_wait3A_125] : memref<1000064xf32, #tpu.memory_space<vmem_shared>> -> memref<17024xf32, #tpu.memory_space<vmem_shared>>
          tpu.wait_dma2 semaphore(%run_scoped3A : memref<!tpu.dma_semaphore, #tpu.memory_space<semaphore_mem>>) src(%dma_wait3A_126 : memref<17024xf32, #tpu.memory_space<vmem_shared>>) dst(%dma_wait3A_124 : memref<17024xf32, #tpu.memory_space<hbm>>)
          tpu.yield
        }) : () -> ()
      } else {
      }
      %barrier3A_117 = arith.constant 0 : index
      tpu.barrier barrier_id(%barrier3A_117)
      %scan3A_118 = arith.constant 0 : i32
      scf.yield %scan3A_118 : i32
    }
    %scan3A_37 = arith.constant 8 : i32
    return
  }
}

</mosaic_0001>

<sc_bundles>
// kernel: radix_sort_fused.3.cloned.1.call-start
scs
__scs_entry_jumppad:
0x0: {  	(pc) =	sbr.rel $0x88, $3  }
0x1: {  	(tag) =	ssettag $0x0;
	lr =	simm.s32 $0x1  }
0x2: {  	[smem:$0x3F9F] =	sst lr;
	_ =	strace $0xD0000000  }
0x3: {  	_ = 	snop  }
0x4: {  	_ = 	snop  }
0x5: {  	_ = 	snop  }
0x6: {  	_ = 	snop  }
0x7: {  	_ = 	snop  }
__scs_overlays_trampoline_lowered:
0x8: {  	[smem:$0x3FAE] =	sst s0  }
0x9: {  	[smem:$0x3FAF] =	sst s1  }
0xa: {  	[smem:$0x3FB0] =	sst s2  }
0xb: {  	[smem:$0x3FB1] =	sst s3  }
0xc: {  	[smem:$0x3FB2] =	sst s4  }
0xd: {  	[smem:$0x3FB3] =	sst s5  }
0xe: {  	[smem:$0x3FB4] =	sst s6  }
0xf: {  	[smem:$0x3FB5] =	sst s7  }
0x10: {  	[smem:$0x3FB6] =	sst s8  }
0x11: {  	[smem:$0x3FB7] =	sst s9;
	s0 =	simm.s32 @!p0 $0x0  }
0x12: {  	s1 =	sld [smem:$0x3F9D];
	s0 =	simm.s32 @p0 $0x1  }
0x13: {  	[smem:$0x3FB8] =	sst s0;
	s0 =	simm.s32 @!p1 $0x0  }
0x14: {  	s2 =	sld [smem:$0x3F9C];
	s0 =	simm.s32 @p1 $0x1  }
0x15: {  	[smem:$0x3FB9] =	sst s0;
	s0 =	simm.s32 @!p2 $0x0  }
0x16: {  	s3 =	sld [smem:$0x3FDB];
	s0 =	simm.s32 @p2 $0x1  }
0x17: {  	s4 =	simm.s32 $0x1BF5;
	[smem:$0x3FBB] =	sst s0  }
0x18: {  	s0 =	sld [smem:$0x3F9E];
	_ =	swait.ge [sflag:s4], $0x0  }
0x19: {  	s7 =	sld [smem:$0x3F9F]  }
0x1a: {  	s8 =	sadd.s32 $0xFFFFE003, lr  }
0x1b: {  	s9 =	sadd.s32 $0xFFFFFEF7, lr;
	s5 =	simm.s32 $0xFFFFFFFF;
	p2 =	slt.u32 s8, $0xFFFFF086  }
0x1c: {  	p1 =	slt.u32 s9, $0xF7A;
	s5 =	simm.s32 @!p2 $0x0  }
0x1d: {  	s5 =	simm.s32 @p1 $0x1;
	p0 =	seq.s32 s7, s2  }
0x1e: {  	s7 =	smul.u32 @!p0 $0xF7A, s2;
	p2 =	seq.s32 @!p0 s5, $0x0  }
0x1f: {  	s9 =	smul.u32 $0xF7A, s1;
	s8 =	simm.s32 @!p0 $0x1BF5;
	p2 =	por !p2, p0  }
0x20: {  	[sflag:s8] =	ssyncset.s32 @!p0 $0xFFFFF086;
	s6 =	sadd.s32 @!p0 s3, s7;
	s7 =	simm.s32 @!p0 $0x108  }
0x21: {  	s3 =	sadd.s32 s3, s9;
	s6 =	sadd.s32 @!p0 $0x88, s6;
	s7 =	simm.s32 @p2 $0x1082  }
0x22: {  	[simem:s7], [sflag:s8] =	dma.local @!p0 [hbm:s6], $0xF7A  }
0x23: {  	s9 =	sor.u32 $0xD0000000, s2;
	s6 =	simm.s32 $0x108;
	_ =	swait.ge @!p0 [sflag:s8], $0x0  }
0x24: {  	s3 =	sadd.s32 $0x88, s3;
	s6 =	simm.s32 @!p1 $0x1082;
	[sflag:s4] =	ssyncset.s32 $0xFFFFF086  }
0x25: {  	[simem:s6], [sflag:s4] =	dma.local [hbm:s3], $0xF7A  }
0x26: {  	[smem:$0x3F9F] =	sst s1;
	(tag) =	ssettag s2;
	_ =	strace s9  }
0x27: {  	s1 =	sld [smem:$0x3FAF]  }
0x28: {  	s2 =	sld [smem:$0x3FB0]  }
0x29: {  	s4 =	sld [smem:$0x3FB2]  }
0x2a: {  	p0 =	seq.s32 s5, $0x0;
	s5 =	sld [smem:$0x3FB3]  }
0x2b: {  	s6 =	sld [smem:$0x3FB4]  }
0x2c: {  	s7 =	sld [smem:$0x3FB5]  }
0x2d: {  	s3 =	simm.s32 $0x108;
	s8 =	sld [smem:$0x3FB6]  }
0x2e: {  	s3 =	simm.s32 @!p0 $0x1082;
	s9 =	sld [smem:$0x3FB7]  }
0x2f: {  	lr =	sadd.s32 s0, s3;
	s0 =	sld [smem:$0x3FAE]  }
0x30: {  	s3 =	sld [smem:$0x3FB1]  }
0x31: {  	[smem:$0x3FBA] =	sst s10  }
0x32: {  	s10 =	sld [smem:$0x3FB8];
	_ =	sdelay $0x3  }
0x33: {  	p0 =	seq.s32 s10, $0x1;
	s10 =	sld [smem:$0x3FBA];
	_ =	sdelay $0x3  }
0x34: {  	[smem:$0x3FBA] =	sst s10  }
0x35: {  	s10 =	sld [smem:$0x3FB9];
	_ =	sdelay $0x3  }
0x36: {  	p1 =	seq.s32 s10, $0x1;
	s10 =	sld [smem:$0x3FBA];
	_ =	sdelay $0x3  }
0x37: {  	[smem:$0x3FBA] =	sst s10  }
0x38: {  	s10 =	sld [smem:$0x3FBB]  }
0x39: {  	_ = 	snop;
	(pc) =	sbr.ind lr, $3  }
0x3a: {  	_ = 	snop  }
0x3b: {  	_ = 	snop  }
0x3c: {  	p2 =	seq.s32 s10, $0x1;
	s10 =	sld [smem:$0x3FBA]  }
0x3d: {  	_ =	shalt  }
0x3e: {  	_ =	shalt  }
0x3f: {  	_ =	shalt  }
0x40: {  	_ =	shalt  }
0x41: {  	_ =	shalt  }
0x42: {  	_ =	shalt  }
0x43: {  	_ =	shalt  }
0x44: {  	_ =	shalt  }
0x45: {  	_ =	shalt  }
0x46: {  	_ =	shalt  }
0x47: {  	_ =	shalt  }
0x48: {  	_ =	shalt  }
0x49: {  	_ =	shalt  }
0x4a: {  	_ =	shalt  }
0x4b: {  	_ =	shalt  }
0x4c: {  	_ =	shalt  }
0x4d: {  	_ =	shalt  }
0x4e: {  	_ =	shalt  }
0x4f: {  	_ =	shalt  }
0x50: {  	_ =	shalt  }
0x51: {  	_ =	shalt  }
0x52: {  	_ =	shalt  }
0x53: {  	_ =	shalt  }
0x54: {  	_ =	shalt  }
0x55: {  	_ =	shalt  }
0x56: {  	_ =	shalt  }
0x57: {  	_ =	shalt  }
0x58: {  	_ =	shalt  }
0x59: {  	_ =	shalt  }
0x5a: {  	_ =	shalt  }
0x5b: {  	_ =	shalt  }
0x5c: {  	_ =	shalt  }
0x5d: {  	_ =	shalt  }
0x5e: {  	_ =	shalt  }
0x5f: {  	_ =	shalt  }
0x60: {  	_ =	shalt  }
0x61: {  	_ =	shalt  }
0x62: {  	_ =	shalt  }
0x63: {  	_ =	shalt  }
0x64: {  	_ =	shalt  }
0x65: {  	_ =	shalt  }
0x66: {  	_ =	shalt  }
0x67: {  	_ =	shalt  }
0x68: {  	_ =	shalt  }
0x69: {  	_ =	shalt  }
0x6a: {  	_ =	shalt  }
0x6b: {  	_ =	shalt  }
0x6c: {  	_ =	shalt  }
0x6d: {  	_ =	shalt  }
0x6e: {  	_ =	shalt  }
0x6f: {  	_ =	shalt  }
0x70: {  	_ =	shalt  }
0x71: {  	_ =	shalt  }
0x72: {  	_ =	shalt  }
0x73: {  	_ =	shalt  }
0x74: {  	_ =	shalt  }
0x75: {  	_ =	shalt  }
0x76: {  	_ =	shalt  }
0x77: {  	_ =	shalt  }
0x78: {  	_ =	shalt  }
0x79: {  	_ =	shalt  }
0x7a: {  	_ =	shalt  }
0x7b: {  	_ =	shalt  }
0x7c: {  	_ =	shalt  }
0x7d: {  	_ =	shalt  }
0x7e: {  	_ =	shalt  }
0x7f: {  	_ =	shalt  }
0x80: {  	_ =	shalt  }
0x81: {  	_ =	shalt  }
0x82: {  	_ =	shalt  }
0x83: {  	_ =	shalt  }
0x84: {  	_ =	shalt  }
0x85: {  	_ =	shalt  }
0x86: {  	_ =	shalt  }
0x87: {  	_ =	shalt  }
.Lfunc_end0:
.L_simem_size_0:
called_computation_lowered:
.L_overlay_start_0:
0x88: {  	s2 =	sld [smem:$0x3FD9]  }
0x89: {  	s3 =	sld [smem:$0x3FFE];
	_ =	sdelay $0x1  }
0x8a: {  	s1 =	srdreg.scid  }
0x8b: {  	s0 =	sand.u32 $0x1, s1  }
0x8c: {  	s14 =	sshll.u32 s0, $0xA;
	s2 =	sadd.s32 s3, s2  }
0x8d: {  	s2 =	sadd.s32 s2, s14  }
0x8e: {  	[smem:$0x3FC6] =	sst s2  }
0x8f: {  	_ = 	snop  }
0x90: {  	s2 =	sld [smem:$0x3FD0];
	_ =	sdelay $0x2  }
0x91: {  	s4 =	simm.s32 $0xA;
	s5 =	simm.s32 $0x10;
	s15 =	sld [smem:$0x3FC9]  }
0x92: {  	[smem:s5], [sflag:s4] =	dma.local [hbm:s2], $0x1  }
0x93: {  	_ =	swait.eq [sflag:s4], $0x1  }
0x94: {  	[sflag:s4] =	ssyncset.done $0x0  }
0x95: {  	s16 =	sld [smem:$0x10];
	[sflag:s4] =	ssyncadd.s32 $0xFFFFFFFF  }
0x96: {  	s17 =	sld [smem:$0x11];
	(tm) =	ssettm $0x1  }
0x97: {  	s18 =	sld [smem:$0x3FFB];
	_ =	sdelay $0x3  }
0x98: {  	_ =	strace s18  }
0x99: {  	s5 =	sld [smem:$0x3FFC];
	_ =	sdelay $0x3  }
0x9a: {  	_ =	strace s5  }
0x9b: {  	s5 =	sld [smem:$0x3FFD];
	_ =	sdelay $0x3  }
0x9c: {  	_ =	strace s5  }
0x9d: {  	_ =	strace $0x8FFFFFFF  }
0x9e: {  	s19 =	sld [smem:$0x3FDB];
	_ =	sdelay $0x1  }
0x9f: {  	s6 =	simm.s32 $_scs_section_size  }
0xa0: {  	s7 =	simm.s32 $_size__tile_overlayer_lowered;
	s8 =	simm.s32 $_tile_overlayer_lowered  }
0xa1: {  	s22 =	simm.s32 $0x1BFF;
	s21 =	sshll.u32 s8, $0x1;
	s5 =	sadd.s32 s6, s19  }
0xa2: {  	s9 =	simm.s32 $0x0;
	s20 =	sshll.u32 s7, $0x1;
	s7 =	sadd.s32 s21, s5  }
0xa3: {  	[timem:s9], [sflag:s22] =	dma.local [hbm:s7], s20  }
0xa4: {  	_ =	swait.ge [sflag:s22], s20  }
0xa5: {  	s6 =	ssub.s32 $0x0, s20;
	[sflag:s22] =	ssyncset.done $0x0  }
0xa6: {  	[sflag:s22] =	ssyncadd.s32 s6;
	_ =	sdelay $0x1  }
0xa7: {  	s23 =	simm.s32 $0x1B8B  }
0xa8: {  	_ =	swait.ge [sflag:s23], $0x1  }
0xa9: {  	[sflag:s23] =	ssyncset.done $0x0  }
0xaa: {  	s25 =	simm.s32 $0x1B8E;
	s24 =	sld [smem:$0x3FFE];
	[sflag:s23] =	ssyncadd.s32 $0xFFFFFFFF  }
0xab: {  	s26 =	simm.s32 $execute0_lowered;
	[smem:$0x3FD2] =	sst s25  }
0xac: {  	s7 =	sshll.u32 s26, $0x1;
	_ =	strace $0x80000046;
	[dreg:$0x1] =	wrdreg $0xFFFFFFFF  }
0xad: {  	s28 =	simm.s32 $_size_execute0_lowered;
	s5 =	sadd.s32 s5, s7;
	[dreg:$0x0] =	wrdreg $0x0  }
0xae: {  	s7 =	sshll.u32 s28, $0x1;
	[dreg:$0x2] =	wrdreg s5  }
0xaf: {  	[dreg:$0x3] =	wrdreg s7  }
0xb0: {  	[dreg:$0x4] =	wrdreg $0xC0  }
0xb1: {  	_ =	task [dreg:s9], $0x5FFFF  }
0xb2: {  	[dreg:$0x1] =	wrdreg $0xFFFFFFFF  }
0xb3: {  	[dreg:$0x0] =	wrdreg $0x60  }
0xb4: {  	[dreg:$0x2] =	wrdreg s15  }
0xb5: {  	[dreg:$0x3] =	wrdreg s24  }
0xb6: {  	[dreg:$0x4] =	wrdreg s16  }
0xb7: {  	[dreg:$0x5] =	wrdreg s17  }
0xb8: {  	[dreg:$0x6] =	wrdreg $0xA3800  }
0xb9: {  	[dreg:$0x7] =	wrdreg $0xA4800  }
0xba: {  	[dreg:$0x8] =	wrdreg $0x9  }
0xbb: {  	_ =	task.clear_ibuf [dreg:s9], $0x9FFFF;
	_ =	strace $0x90000046  }
0xbc: {  	s29 =	simm.s32 $0x9;
	_ =	strace $0x80000048  }
0xbd: {  	_ =	swait.ge [sflag:s29], $0x1  }
0xbe: {  	[sflag:s29] =	ssyncadd.s32 $0xFFFFFFFF  }
0xbf: {  	_ =	strace $0x90000048  }
0xc0: {  	_ =	sfence  }
0xc1: {  	s30 =	sld [smem:$0x0];
	_ =	sdelay $0x2  }
0xc2: {  	s31 =	sshll.u32 s1, $0xD;
	s1 =	sshrl.u32 s1, $0x2  }
0xc3: {  	s3 =	sand.u32 $0x4000, s31;
	s1 =	sadd.s32 s1, s30  }
0xc4: {  	s0 =	sor.u32 s3, s0;
	s1 =	sshll.u32 s1, $0x11  }
0xc5: {  	s0 =	sor.u32 s1, s0  }
0xc6: {  	s0 =	sadd.s32 $0x8F2B, s0  }
0xc7: {  	[sflag:s0] =	ssyncadd.remote.s32 $0x1  }
0xc8: {  	_ =	sfence.sel $0xFFFF  }
0xc9: {  	[dreg:$0x0] =	wrdreg $0xFFFFFFFF;
	(pc) =	sbr.abs _section_cstart, $3  }
0xca: {  	[dreg:$0x1] =	wrdreg $0xFFFFFFFF  }
0xcb: {  	_ =	task.clear_ibuf [dreg:s9], $0x2FFFF;
	_ =	strace $0x9FFFFFFF  }
0xcc: {  	(tm) =	ssettm $0x7FFFFFFF  }
0xcd: {  	_ =	shalt  }
tec
execute0_lowered:
.L_overlay_start_1:
0x0: {  	(tag) =	ssettag $0x1  }
0x1: {  	s1 =	rddreg [dreg:$0x0]  }
0x2: {  	s0 =	rddreg [dreg:$0x1]  }
0x3: {  	s3 =	rddreg [dreg:$0x3]  }
0x4: {  	s10 =	rddreg [dreg:$0x4]  }
0x5: {  	s5 =	rddreg [dreg:$0x5]  }
0x6: {  	s6 =	simm.s32 $0x0;
	s25 =	srdreg.scid;
	s12 =	stileid.u32  }
0x7: {  	[smem:$0x7FF] =	sst s6;
	s2 =	sadd.s32 $0x800, s0;
	s23 =	sadd.s32 $0xA00, s0  }
0x8: {  	s24 =	sadd.s32 $0x800C00, s0;
	s11 =	sadd.s32 $0xC00, s0;
	s13 =	sadd.s32 $0x200C00, s0  }
0x9: {  	s14 =	sadd.s32 $0x400C00, s0;
	_ =	strace $0x80000047;
	[dreg:$0x7] =	wrdreg s2  }
0xa: {  	s4 =	sadd.s32 $0x600C00, s0;
	s30 =	sshll.u32 s12, $0x13;
	[dreg:$0x8] =	wrdreg s23  }
0xb: {  	s31 =	sshll.u32 s12, $0x8;
	s9 =	sshll.u32 s12, $0x7;
	[dreg:$0x9] =	wrdreg s24  }
0xc: {  	s16 =	sshll.u32 s12, $0x2;
	s17 =	sshll.u32 s12, $0xD;
	[dreg:$0xd] =	wrdreg s4  }
0xd: {  	s21 =	sadd.s32 $0x1F400, s0;
	s0 =	sadd.s32 $0x41F400, s0;
	[dreg:$0xa] =	wrdreg s11  }
0xe: {  	p0 =	sne.s32 s12, $0xF;
	p1 =	seq.s32 s12, $0xF;
	[dreg:$0x12] =	wrdreg s21  }
0xf: {  	s29 =	sshll.u32 s12, $0x10;
	s2 =	sand.u32 $0x1, s25;
	[dreg:$0x13] =	wrdreg s0  }
0x10: {  	s9 =	sand.u32 $0x380, s9;
	s20 =	sadd.s32 s11, s17;
	[dreg:$0xc] =	wrdreg s14  }
0x11: {  	s23 =	sadd.s32 s14, s17;
	[dreg:$0xb] =	wrdreg s13;
	s26 =	ssub.s32 $0x2, s2  }
0x12: {  	s8 =	smul.u32 $0x7A1400, s2;
	s28 =	sshll.u32 s2, $0x3;
	[dreg:$0x11] =	wrdreg s20  }
0x13: {  	s2 =	sshll.u32 s2, $0x6;
	[dreg:$0x15] =	wrdreg s23;
	s7 =	sshrl.u32 s26, $0x1  }
0x14: {  	[dreg:$0xe] =	wrdreg s28;
	s19 =	sor.u32 s16, s2;
	s2 =	sadd.s32 s13, s17  }
0x15: {  	s28 =	sadd.s32 $0xF0000, s5;
	s13 =	simm.s32 $0x400;
	[dreg:$0x16] =	wrdreg s2  }
0x16: {  	s4 =	ssub.s32 s26, s7;
	s7 =	sadd.s32 s30, s8;
	[dreg:$0x1a] =	wrdreg s28  }
0x17: {  	s17 =	simm.s32 $0x8000;
	s15 =	sadd.s32 $0x7A0000, s8;
	[dreg:$0xf] =	wrdreg s7  }
0x18: {  	s22 =	sadd.s32 $0x780000, s8;
	s24 =	sshll.u32 s19, $0xB;
	[dreg:$0x10] =	wrdreg s15  }
0x19: {  	s26 =	sadd.s32 s29, s5;
	s2 =	simm.s32 $0x1;
	[dreg:$0x14] =	wrdreg s22  }
0x1a: {  	s7 =	sand.u32 $0x800, s31;
	s25 =	smax.u32 s4, $0x1;
	[dreg:$0x19] =	wrdreg s26  }
0x1b: {  	s0 =	sadd.s32 s3, s24;
	s24 =	simm.s32 $0x9000;
	[dreg:$0x17] =	wrdreg s25  }
0x1c: {  	s4 =	simm.s32 $0x0;
	s30 =	sadd.s32 $0x800, s0;
	[dreg:$0x18] =	wrdreg s0  }
0x1d: {  	s7 =	sadd.s32 s7, s10;
	s31 =	sadd.s32 $0x1000, s0;
	[dreg:$0x1b] =	wrdreg s30  }
0x1e: {  	v0 =	vimm.s32 $0x0;
	v1 =	vlaneseq.u32;
	v2 =	vimm.s32 $0x1;
	s0 =	sadd.s32 $0x1800, s0;
	s25 =	simm.s32 $0x4000;
	[dreg:$0x1c] =	wrdreg s31  }
0x1f: {  	v4 =	vimm.f32 $NaN;
	v5 =	vimm.s32 $0x80000000;
	v3 =	vmul.u32 $0x10, v1;
	s18 =	sadd.s32 s9, s7;
	[dreg:$0x1d] =	wrdreg s0;
	s7 =	simm.s32 $0x80  }
.LBB2_1:
0x20: {  	[dreg:$0x1e] =	wrdreg s4  }
0x21: {  	s0 =	rddreg [dreg:$0x8];
	s31 =	simm.s32 $0xA300  }
0x22: {  	[tilespmem:s31], [sflag:$0x1] =	stream.linear.gather [hbm4b:s0+s6], $0x80, $0x38;
	[tilespmem:$0x198A8] =	vst v63  }
0x23: {  	_ =	swait.ge [sflag:s2], $0x80  }
0x24: {  	[sflag:s2] =	ssyncset.done $0x0  }
0x25: {  	[sflag:s2] =	ssyncadd.s32 $0xFFFFFF80  }
0x26: {  	v6 =	vld [tilespmem:$0xA300];
	_ =	sdelay $0x4  }
0x27: {  	s9 =	simm.s32 $0x0;
	v7 =	vor.u32 $0x7FFFFFFF, v6  }
.LBB2_2:
0x28: {  	s0 =	simm.s32 $0x40;
	s4 =	simm.s32 $0x0  }
.LBB2_3:
0x29: {  	p2 =	seq.s32 s0, $0x3FC0;
	[tilespmem:s4+$0x8000] =	vst v0;
	s4 =	smov.u32 s0;
	s0 =	sadd.s32 $0x40, s0  }
.Ltmp0:
0x2a: {  	(pc) =	sbr.rel @!p2 .LBB2_3-.Ltmp0, $2  }
0x2b: {  	_ =	sdelay $0x2  }
0x2c: {  	s4 =	sshra.s32 s4, $0x2  }
0x2d: {  	s22 =	rddreg [dreg:$0xe]  }
0x2e: {  	s8 =	rddreg [dreg:$0x10]  }
0x2f: {  	s0 =	sshll.u32 s9, $0x7;
	s23 =	rddreg [dreg:$0xf]  }
0x30: {  	[tilespmem:s4+$0x8000] =	vst v0;
	s30 =	rddreg [dreg:$0x7];
	s4 =	sadd.s32 s22, s9;
	s11 =	sadd.s32 s8, s0  }
0x31: {  	s16 =	simm.s32 $0x0;
	s26 =	sshrl.u32 s11, $0x3;
	s28 =	sshll.u32 s4, $0x3  }
0x32: {  	s10 =	sadd.s32 s0, s23;
	s14 =	sadd.s32 s1, s26;
	s31 =	sadd.s32 s30, s28  }
.LBB2_5:
0x33: {  	p2 =	sne.s32 @!p0 s16, $0x0  }
0x34: {  	p2 =	por p0, !p2  }
0x35: {  	s0 =	sshll.u32 @p2 s16, $0x11  }
0x36: {  	s0 =	sadd.s32 @p2 s0, s10  }
0x37: {  	s0 =	sshrl.u32 @p2 s0, $0x3  }
0x38: {  	s0 =	sadd.s32 @p2 s1, s0  }
0x39: {  	[tilespmem:s6], [sflag:$0x1] =	stream.strided.gather @p2 [hbm4b:s0+s7], $0x4000, s13, s7, $0x38;
	[tilespmem:$0x198A8] =	vst v63  }
0x3a: {  	_ =	swait.ge @p2 [sflag:s2], $0x4000  }
0x3b: {  	[sflag:s2] =	ssyncset.done @p2 $0x0  }
0x3c: {  	[sflag:s2] =	ssyncadd.s32 @p2 $0xFFFFC000;
	p2 =	seq.s32 @!p0 s16, $0x0  }
0x3d: {  	p2 =	por p0, p2  }
.Ltmp1:
0x3e: {  	_ = 	snop;
	(pc) =	sbr.rel @p2 .LBB2_9-.Ltmp1, $1  }
0x3f: {  	_ =	sdelay $0x3  }
0x40: {  	s0 =	simm.s32 $0x40;
	s11 =	simm.s32 $0x0  }
.LBB2_7:
0x41: {  	p2 =	sne.s32 s0, $0xFFC0;
	[tilespmem:s11+$0x0] =	vst v7;
	s11 =	smov.u32 s0;
	s0 =	sadd.s32 $0x40, s0  }
.Ltmp2:
0x42: {  	(pc) =	sbr.rel @p2 .LBB2_7-.Ltmp2, $2  }
0x43: {  	_ =	sdelay $0x2  }
0x44: {  	s11 =	sshra.s32 s11, $0x2  }
0x45: {  	p2 =	sne.s32 s16, $0x1  }
0x46: {  	[tilespmem:s11+$0x0] =	vst v7;
	s0 =	simm.s32 @!p2 $0x80;
	s11 =	simm.s32 @!p2 $0x400;
	s20 =	simm.s32 @!p2 $0x0  }
0x47: {  	[tilespmem:s20], [sflag:$0x1] =	stream.strided.gather @!p2 [hbm4b:s14+s0], $0x200, s11, s0, $0x38;
	[tilespmem:$0x198A8] =	vst v63  }
0x48: {  	s0 =	simm.s32 @!p2 $0x1  }
0x49: {  	_ =	swait.ge @!p2 [sflag:s0], $0x200  }
0x4a: {  	[sflag:s0] =	ssyncset.done @!p2 $0x0  }
0x4b: {  	s11 =	simm.s32 @!p2 $0x200;
	[sflag:s0] =	ssyncadd.s32 @!p2 $0xFFFFFE00  }
0x4c: {  	[tilespmem:s11], [sflag:$0x1] =	stream.linear.gather @!p2 [hbm4b:s31+s20], $0x40, $0x38;
	[tilespmem:$0x198A8] =	vst v63  }
0x4d: {  	_ =	swait.ge @!p2 [sflag:s0], $0x40  }
0x4e: {  	[sflag:s0] =	ssyncset.done @!p2 $0x0  }
0x4f: {  	[sflag:s0] =	ssyncadd.s32 @!p2 $0xFFFFFFC0  }
.LBB2_9:
0x50: {  	s11 =	simm.s32 $0x0;
	s0 =	simm.s32 $0x40  }
.LBB2_10:
0x51: {  	p2 =	sne.s32 s0, $0xFFC0;
	v8 =	vld [tilespmem:s11+$0x0];
	_ =	sdelay $0x4  }
0x52: {  	v9 =	vshra.s32 v8, $0x1F  }
0x53: {  	v9 =	vxor.u32 v9, v6  }
0x54: {  	v8 =	vxor.u32 v8, v9  }
0x55: {  	v8 =	vshll.u32 v8, $0x4  }
0x56: {  	v8 =	vor.u32 v1, v8  }
0x57: {  	v8 =	vand.u32 $0xFFF, v8  }
.Ltmp3:
0x58: {  	(pc) =	sbr.rel @p2 .LBB2_10-.Ltmp3, $2  }
0x59: {  	_ =	sdelay $0x2  }
0x5a: {  	s11 =	sshra.s32 s0, $0x2;
	s0 =	sadd.s32 $0x40, s0;
	[tilespmem:v8+s17+$0x0] =	vst.idx.add.s32.msk $0xffff, v2  }
0x5b: {  	v8 =	vld [tilespmem:s11+$0x0];
	_ =	sdelay $0x4  }
0x5c: {  	v9 =	vshra.s32 v8, $0x1F  }
0x5d: {  	v9 =	vxor.u32 v9, v6  }
0x5e: {  	v8 =	vxor.u32 v8, v9  }
0x5f: {  	v8 =	vshll.u32 v8, $0x4  }
0x60: {  	s16 =	sadd.s32 $0x1, s16;
	v8 =	vor.u32 v1, v8  }
0x61: {  	p2 =	sne.s32 s16, $0x4;
	v8 =	vand.u32 $0xFFF, v8  }
.Ltmp4:
0x62: {  	_ = 	snop;
	(pc) =	sbr.rel @p2 .LBB2_5-.Ltmp4, $2  }
0x63: {  	_ =	sdelay $0x2  }
0x64: {  	s0 =	simm.s32 $0x0;
	[tilespmem:v8+s17+$0x0] =	vst.idx.add.s32.msk $0xffff, v2  }
0x65: {  	s11 =	sshra.s32 s0, $0x2;
	s16 =	sadd.s32 $0x40, s0  }
.LBB2_13:
0x66: {  	p2 =	sne.s32 s16, $0x3FC0;
	v8 =	vld [tilespmem:s11+$0x8000];
	_ =	sdelay $0x4  }
0x67: {  	(xrf0) =	vadd.scan.msk.s32 $0xffff, v8;
	_ =	sdelay $0x2  }
.Ltmp5:
0x68: {  	(pc) =	sbr.rel @p2 .LBB2_13-.Ltmp5, $3  }
0x69: {  	_ =	sdelay $0x1  }
0x6a: {  	v8, _, _ =	vpop (xrf0)  }
0x6b: {  	[tilespmem:s11+$0x8000] =	vst v8;
	s11 =	sshra.s32 s16, $0x2;
	s16 =	sadd.s32 $0x40, s16  }
0x6c: {  	v8 =	vld [tilespmem:s11+$0x8000];
	_ =	sdelay $0x4  }
0x6d: {  	(xrf0) =	vadd.scan.msk.s32 $0xffff, v8;
	v8 =	vmov s0  }
0x6e: {  	v8 =	vshll.u32 v8, $0x4  }
0x6f: {  	v8 =	vor.u32 v3, v8  }
0x70: {  	v8 =	vor.u32 $0xF, v8;
	_ =	sdelay $0x2  }
0x71: {  	v9, _, _ =	vpop (xrf0)  }
0x72: {  	s28 =	simm.s32 $0x10;
	[tilespmem:s11+$0x8000] =	vst v9  }
0x73: {  	v10 =	vld.idx.msk [tilespmem:v8+s17+$0x0], $0xffff;
	v8 =	vmov s28  }
0x74: {  	v8 =	vshll.u32 v8, $0x4  }
0x75: {  	v8 =	vor.u32 v3, v8  }
0x76: {  	v8 =	vor.u32 $0xF, v8;
	_ =	sdelay $0x2  }
0x77: {  	s30 =	simm.s32 $0x20;
	s0 =	simm.s32 $0x9100  }
0x78: {  	v9 =	vmov s30;
	s11 =	simm.s32 $0x30;
	[tilespmem:s0+$0x0] =	vst v10  }
.LBB2_15:
0x79: {  	p2 =	sne.s32 s11, $0xF0;
	v9 =	vshll.u32 v9, $0x4;
	v10 =	vld.idx.msk [tilespmem:v8+s17+$0x0], $0xffff  }
0x7a: {  	v8 =	vor.u32 v3, v9  }
.Ltmp6:
0x7b: {  	v8 =	vor.u32 $0xF, v8;
	(pc) =	sbr.rel @p2 .LBB2_15-.Ltmp6, $3  }
0x7c: {  	_ =	sdelay $0x1  }
0x7d: {  	s0 =	sadd.s32 $0x10, s0  }
0x7e: {  	v9 =	vmov s11;
	s11 =	sadd.s32 $0x10, s11;
	[tilespmem:s0+$0x0] =	vst v10  }
0x7f: {  	_ =	sdelay $0x2  }
0x80: {  	v9 =	vshll.u32 v9, $0x4  }
0x81: {  	v8 =	vld.idx.msk [tilespmem:v8+s17+$0x0], $0xffff;
	v9 =	vor.u32 v3, v9  }
0x82: {  	v9 =	vor.u32 $0xF, v9;
	_ =	sdelay $0x2  }
0x83: {  	s0 =	sadd.s32 $0x10, s0  }
0x84: {  	[tilespmem:s0+$0x0] =	vst v8  }
0x85: {  	v8 =	vld.idx.msk [tilespmem:v9+s17+$0x0], $0xffff;
	_ =	sdelay $0x3  }
0x86: {  	s0 =	sadd.s32 $0x10, s0  }
0x87: {  	s28 =	simm.s32 $0x9100;
	[tilespmem:s0+$0x0] =	vst v8  }
0x88: {  	[spmem:s18] =	stream.strided.scatter [tilespmem:s28], [sflag:$0x1], $0x100, s13, s7, $0x38;
	[tilespmem:$0x198A8] =	vst v63  }
0x89: {  	_ =	swait.ge [sflag:s2], $0x100  }
0x8a: {  	[sflag:s2] =	ssyncset.done $0x0  }
0x8b: {  	[sflag:s2] =	ssyncadd.s32 $0xFFFFFF00  }
0x8c: {  	[bflag:$0x0] =	sbarrier.arrive $0xFFFF  }
0x8d: {  	s8 =	simm.s32 $0x9200;
	s30 =	rddreg [dreg:$0x4]  }
0x8e: {  	[tilespmem:s8], [sflag:$0x1] =	stream.linear.gather [spmem:s30], $0x1000, $0x38;
	[tilespmem:$0x198A8] =	vst v63  }
0x8f: {  	_ =	swait.ge [sflag:s2], $0x1000  }
0x90: {  	[sflag:s2] =	ssyncset.done $0x0  }
0x91: {  	s11 =	simm.s32 $0x0;
	s0 =	simm.s32 $0x0;
	[sflag:s2] =	ssyncadd.s32 $0xFFFFF000  }
.LBB2_17:
0x92: {  	s16 =	sshll.u32 s11, $0x4  }
0x93: {  	s20 =	sand.u32 $0x70, s16  }
0x94: {  	s21 =	sshll.u32 s11, $0x7;
	v8 =	vmov s20  }
0x95: {  	s26 =	sand.u32 $0x400, s21  }
0x96: {  	s30 =	sand.u32 $0x800, s0;
	s20 =	sor.u32 $0x9200, s26  }
0x97: {  	s22 =	sand.u32 $0x380, s0;
	s23 =	sadd.s32 s30, s20  }
0x98: {  	s28 =	simm.s32 $0x0;
	s22 =	sadd.s32 s22, s23  }
0x99: {  	v9 =	vimm.s32 $0x0;
	v11 =	vimm.s32 $0x0;
	s21 =	simm.s32 $0x1;
	s23 =	simm.s32 $0x100;
	v10 =	vld.idx.msk [tilespmem:v8+s22+$0x0 ss:$0x1], $0xffff;
	s22 =	simm.s32 $0x80  }
.LBB2_18:
0x9a: {  	s30 =	sand.u32 $0x800, s23  }
0x9b: {  	p2 =	sne.s32 s21, $0xF;
	s8 =	smov.u32 s21;
	s21 =	sadd.s32 $0x1, s21  }
.Ltmp7:
0x9c: {  	s26 =	sand.u32 $0x380, s22;
	s30 =	sadd.s32 s30, s20;
	(pc) =	sbr.rel @p2 .LBB2_18-.Ltmp7, $4  }
0x9d: {  	p3 =	slt.u32 s28, s12;
	s28 =	smov.u32 s8;
	s26 =	sadd.s32 s26, s30  }
0x9e: {  	v9 =	vadd.s32 v9, v10;
	v12 =	vpsel !p3, $0x0, v10;
	v10 =	vld.idx.msk [tilespmem:v8+s26+$0x0 ss:$0x1], $0xffff  }
0x9f: {  	v11 =	vadd.s32 v11, v12  }
0xa0: {  	s22 =	sadd.s32 $0x80, s22;
	s23 =	sadd.s32 $0x100, s23  }
0xa1: {  	_ = 	snop  }
0xa2: {  	p2 =	slt.u32 s28, s12;
	s11 =	sadd.s32 $0x1, s11  }
0xa3: {  	v63 =	vpsel !p2, $0x0, v10;
	p2 =	sne.s32 s11, $0x10  }
.Ltmp8:
0xa4: {  	_ = 	snop;
	(pc) =	sbr.rel @p2 .LBB2_17-.Ltmp8, $4  }
0xa5: {  	_ = 	snop  }
0xa6: {  	v8 =	vadd.s32 v9, v10  }
0xa7: {  	v9 =	vadd.s32 v11, v63;
	[tilespmem:s16+$0xA200] =	vst v8  }
0xa8: {  	[tilespmem:s16+$0x9000] =	vst v9;
	s16 =	simm.s32 $0x0  }
0xa9: {  	s8 =	simm.s32 $0x0  }
0xaa: {  	v9 =	vld [tilespmem:s8+$0xA200];
	_ =	sdelay $0x4  }
0xab: {  	(xrf0) =	vadd.scan.msk.s32 $0xffff, v9;
	_ =	sdelay $0x1  }
0xac: {  	s20 =	simm.s32 $0x10  }
0xad: {  	v10 =	vld [tilespmem:s20+$0xA200];
	_ =	sdelay $0x2  }
0xae: {  	v11, _, _ =	vpop (xrf0)  }
0xaf: {  	(v2sf) =	vpush v11, $0xF  }
0xb0: {  	v12 =	vld [tilespmem:s8+$0x9000];
	(xrf0) =	vadd.scan.msk.s32 $0xffff, v10;
	_ =	sdelay $0x1  }
0xb1: {  	s11 =	simm.s32 $0x20  }
0xb2: {  	v8 =	vld [tilespmem:s11+$0xA200]  }
0xb3: {  	v9 =	vsub.s32 s16, v9  }
0xb4: {  	v9 =	vadd.s32 v12, v9  }
0xb5: {  	v12 =	vadd.s32 v11, v9;
	v11, _, _ =	vpop (xrf0)  }
0xb6: {  	(v2sf) =	vpush v11, $0xF  }
0xb7: {  	(xrf0) =	vadd.scan.msk.s32 $0xffff, v8;
	_ =	sdelay $0x1  }
0xb8: {  	s0 =	simm.s32 $0x30  }
0xb9: {  	v9 =	vld [tilespmem:s0+$0xA200];
	[tilespmem:s8+$0x9000] =	vst v12  }
0xba: {  	v13 =	vld [tilespmem:s20+$0x9000]  }
0xbb: {  	s21 =	simm.s32 $0x100  }
0xbc: {  	s22 =	simm.s32 $0x140;
	s23 =	simm.s32 $0x0;
	v12, _, _ =	vpop (xrf0);
	s28 =	spop (v2sf)  }
.LBB2_21:
0xbd: {  	p2 =	sne.s32 s22, $0x3C0;
	(v2sf) =	vpush v12, $0xF;
	s23 =	sadd.s32 s23, s28  }
0xbe: {  	(xrf0) =	vadd.scan.msk.s32 $0xffff, v9;
	v14 =	vsub.s32 s23, v10;
	v10 =	vmov v8;
	v8 =	vmov v9  }
0xbf: {  	v9 =	vadd.s32 v13, v14  }
.Ltmp9:
0xc0: {  	s8 =	sshra.s32 s21, $0x2;
	s21 =	smov.u32 s22;
	v13 =	vadd.s32 v11, v9;
	v11 =	vmov v12;
	(pc) =	sbr.rel @p2 .LBB2_21-.Ltmp9, $3  }
0xc1: {  	v9 =	vld [tilespmem:s8+$0xA200];
	[tilespmem:s20+$0x9000] =	vst v13;
	s20 =	smov.u32 s11;
	s11 =	smov.u32 s0;
	s0 =	smov.u32 s8  }
0xc2: {  	v13 =	vld [tilespmem:s20+$0x9000];
	_ =	sdelay $0x1  }
0xc3: {  	s22 =	sadd.s32 $0x40, s22;
	v12, _, _ =	vpop (xrf0);
	s28 =	spop (v2sf)  }
0xc4: {  	s8 =	sadd.s32 s23, s28  }
0xc5: {  	v10 =	vsub.s32 s8, v10  }
0xc6: {  	(v2sf) =	vpush v12, $0xF;
	s21 =	sshra.s32 s21, $0x2;
	v10 =	vadd.s32 v13, v10  }
0xc7: {  	(xrf0) =	vadd.scan.msk.s32 $0xffff, v9;
	v14 =	vld [tilespmem:s21+$0xA200];
	v10 =	vadd.s32 v11, v10  }
0xc8: {  	[tilespmem:s20+$0x9000] =	vst v10  }
0xc9: {  	v10 =	vld [tilespmem:s11+$0x9000];
	_ =	sdelay $0x1  }
0xca: {  	s23 =	spop (v2sf)  }
0xcb: {  	(xrf0) =	vadd.scan.msk.s32 $0xffff, v14;
	s8 =	sadd.s32 s8, s23  }
0xcc: {  	v60, _, _ =	vpop (xrf0);
	v8 =	vsub.s32 s8, v8  }
0xcd: {  	(v2sf) =	vpush v60, $0xF;
	v8 =	vadd.s32 v10, v8  }
0xce: {  	v8 =	vadd.s32 v12, v8;
	_ =	sdelay $0x2  }
0xcf: {  	[tilespmem:s11+$0x9000] =	vst v8;
	v8, _, _ =	vpop (xrf0)  }
0xd0: {  	v61 =	vld [tilespmem:s0+$0x9000];
	(v2sf) =	vpush v8, $0xF;
	_ =	sdelay $0x1  }
0xd1: {  	s26 =	spop (v2sf)  }
0xd2: {  	s8 =	sadd.s32 s8, s26  }
0xd3: {  	v62 =	vsub.s32 s8, v9  }
0xd4: {  	v9 =	vadd.s32 v61, v62  }
0xd5: {  	v9 =	vadd.s32 v60, v9  }
0xd6: {  	[tilespmem:s0+$0x9000] =	vst v9  }
0xd7: {  	v9 =	vld [tilespmem:s21+$0x9000];
	_ =	sdelay $0x1  }
0xd8: {  	s28 =	spop (v2sf)  }
0xd9: {  	s0 =	sadd.s32 s8, s28  }
0xda: {  	v63 =	vsub.s32 s0, v14  }
0xdb: {  	v9 =	vadd.s32 v9, v63  }
0xdc: {  	v8 =	vadd.s32 v8, v9  }
0xdd: {  	[tilespmem:s21+$0x9000] =	vst v8;
	s30 =	spop (v2sf)  }
.LBB2_23:
0xde: {  	p2 =	sne.s32 @!p0 s16, $0x0  }
0xdf: {  	p2 =	por p0, !p2  }
0xe0: {  	s0 =	sshll.u32 @p2 s16, $0x11  }
0xe1: {  	s0 =	sadd.s32 @p2 s0, s10  }
0xe2: {  	s0 =	sshrl.u32 @p2 s0, $0x3  }
0xe3: {  	s0 =	sadd.s32 @p2 s1, s0  }
0xe4: {  	[tilespmem:s6], [sflag:$0x1] =	stream.strided.gather @p2 [hbm4b:s0+s7], $0x4000, s13, s7, $0x38;
	[tilespmem:$0x198A8] =	vst v63  }
0xe5: {  	_ =	swait.ge @p2 [sflag:s2], $0x4000  }
0xe6: {  	[sflag:s2] =	ssyncset.done @p2 $0x0  }
0xe7: {  	[sflag:s2] =	ssyncadd.s32 @p2 $0xFFFFC000;
	p2 =	seq.s32 @!p0 s16, $0x0  }
0xe8: {  	p2 =	por p0, p2  }
.Ltmp10:
0xe9: {  	_ = 	snop;
	(pc) =	sbr.rel @p2 .LBB2_27-.Ltmp10, $1  }
0xea: {  	_ =	sdelay $0x3  }
0xeb: {  	s0 =	simm.s32 $0x40;
	s11 =	simm.s32 $0x0  }
.LBB2_25:
0xec: {  	p2 =	sne.s32 s0, $0xFFC0;
	[tilespmem:s11+$0x0] =	vst v7;
	s8 =	smov.u32 s0;
	s0 =	sadd.s32 $0x40, s0  }
.Ltmp11:
0xed: {  	(pc) =	sbr.rel @p2 .LBB2_25-.Ltmp11, $2  }
0xee: {  	_ =	sdelay $0x2  }
0xef: {  	s11 =	sshra.s32 s8, $0x2  }
0xf0: {  	p2 =	sne.s32 s16, $0x1  }
0xf1: {  	[tilespmem:s11+$0x0] =	vst v7;
	s0 =	simm.s32 @!p2 $0x80;
	s8 =	simm.s32 @!p2 $0x400;
	s11 =	simm.s32 @!p2 $0x0  }
0xf2: {  	[tilespmem:s11], [sflag:$0x1] =	stream.strided.gather @!p2 [hbm4b:s14+s0], $0x200, s8, s0, $0x38;
	[tilespmem:$0x198A8] =	vst v63  }
0xf3: {  	s0 =	simm.s32 @!p2 $0x1  }
0xf4: {  	_ =	swait.ge @!p2 [sflag:s0], $0x200  }
0xf5: {  	[sflag:s0] =	ssyncset.done @!p2 $0x0  }
0xf6: {  	s8 =	simm.s32 @!p2 $0x200;
	[sflag:s0] =	ssyncadd.s32 @!p2 $0xFFFFFE00  }
0xf7: {  	[tilespmem:s8], [sflag:$0x1] =	stream.linear.gather @!p2 [hbm4b:s31+s11], $0x40, $0x38;
	[tilespmem:$0x198A8] =	vst v63  }
0xf8: {  	_ =	swait.ge @!p2 [sflag:s0], $0x40  }
0xf9: {  	[sflag:s0] =	ssyncset.done @!p2 $0x0  }
0xfa: {  	[sflag:s0] =	ssyncadd.s32 @!p2 $0xFFFFFFC0  }
.LBB2_27:
0xfb: {  	s20 =	simm.s32 $0x0  }
0xfc: {  	v8 =	vld [tilespmem:s20+$0x0];
	_ =	sdelay $0x4  }
0xfd: {  	v9 =	vshra.s32 v8, $0x1F  }
0xfe: {  	v9 =	vor.u32 $0x80000000, v9  }
0xff: {  	v9 =	vxor.u32 v9, v6  }
0x100: {  	v8 =	vxor.u32 v8, v9  }
0x101: {  	v9 =	vand.u32 $0xFF, v8  }
0x102: {  	(xrf1) =	vunique.msk.u32 $0xffff, v9;
	_ =	sdelay $0xa  }
0x103: {  	[tilespmem:s20+$0x0] =	vst v8  }
0x104: {  	v8 =	vld.idx.msk [tilespmem:v9+s24+$0x0], $0xffff;
	_ =	sdelay $0x1  }
0x105: {  	_, v10, vm0 =	vpop (xrf1);
	_ =	sdelay $0x2  }
0x106: {  	v8 =	vadd.s32 v8, v10  }
0x107: {  	v10 =	vadd.s32 $0xFFFFFFFF, v8  }
0x108: {  	vm1 =	vgt.s32 v10, $0xF423F  }
0x109: {  	s0 =	simm.s32 $0x80;
	s11 =	simm.s32 $0x10;
	[tilespmem:v9+s24+$0x0] =	vst.idx.msk vm0, v8;
	v8 =	vsel vm1, $0xFFFFFFFF, v10  }
.LBB2_28:
0x10a: {  	p2 =	sne.s32 s0, $0xFFC0;
	v9 =	vld [tilespmem:s11+$0x0];
	[tilespmem:s20+$0x4000] =	vst v8;
	s8 =	smov.u32 s0;
	s0 =	sadd.s32 $0x40, s0  }
0x10b: {  	s20 =	smov.u32 s11;
	_ =	sdelay $0x3  }
0x10c: {  	v8 =	vshra.s32 v9, $0x1F  }
0x10d: {  	v8 =	vor.u32 $0x80000000, v8  }
0x10e: {  	v8 =	vxor.u32 v8, v6  }
0x10f: {  	v8 =	vxor.u32 v9, v8  }
0x110: {  	[tilespmem:s20+$0x0] =	vst v8;
	v8 =	vand.u32 $0xFF, v8  }
0x111: {  	(xrf1) =	vunique.msk.u32 $0xffff, v8;
	_ =	sdelay $0xa  }
0x112: {  	v9 =	vld.idx.msk [tilespmem:v8+s24+$0x0], $0xffff;
	_ =	sdelay $0x2  }
0x113: {  	_, v10, vm0 =	vpop (xrf1);
	_ =	sdelay $0x1  }
.Ltmp12:
0x114: {  	(pc) =	sbr.rel @p2 .LBB2_28-.Ltmp12, $4  }
0x115: {  	v9 =	vadd.s32 v9, v10  }
0x116: {  	v10 =	vadd.s32 $0xFFFFFFFF, v9  }
0x117: {  	vm1 =	vgt.s32 v10, $0xF423F  }
0x118: {  	s11 =	sshra.s32 s8, $0x2;
	[tilespmem:v8+s24+$0x0] =	vst.idx.msk vm0, v9;
	v8 =	vsel vm1, $0xFFFFFFFF, v10  }
0x119: {  	v9 =	vld [tilespmem:s11+$0x0];
	_ =	sdelay $0x4  }
0x11a: {  	v10 =	vshra.s32 v9, $0x1F  }
0x11b: {  	v10 =	vor.u32 $0x80000000, v10  }
0x11c: {  	v10 =	vxor.u32 v10, v6  }
0x11d: {  	v9 =	vxor.u32 v9, v10  }
0x11e: {  	v10 =	vand.u32 $0xFF, v9  }
0x11f: {  	(xrf1) =	vunique.msk.u32 $0xffff, v10;
	_ =	sdelay $0x9  }
0x120: {  	[tilespmem:s20+$0x4000] =	vst v8  }
0x121: {  	[tilespmem:s11+$0x0] =	vst v9  }
0x122: {  	v8 =	vld.idx.msk [tilespmem:v10+s24+$0x0], $0xffff;
	_ =	sdelay $0x1  }
0x123: {  	_, v63, vm0 =	vpop (xrf1);
	_ =	sdelay $0x2  }
0x124: {  	v8 =	vadd.s32 v8, v63  }
0x125: {  	v9 =	vadd.s32 $0xFFFFFFFF, v8  }
0x126: {  	vm1 =	vgt.s32 v9, $0xF423F  }
0x127: {  	[tilespmem:v10+s24+$0x0] =	vst.idx.msk vm0, v8;
	v8 =	vsel vm1, $0xFFFFFFFF, v9  }
0x128: {  	[tilespmem:s11+$0x4000] =	vst v8;
	(ifvalue) =	ssetifvalue $0xFFFFFFFF  }
0x129: {  	(ifvalue) =	ssetifvalue $0xFFFFFFFF  }
0x12a: {  	[spmem:s5] =	stream.indirect.scatter [tilespmem:s6], [sflag:$0x1], $0x1, s25, s25, $0x40b8;
	[tilespmem:$0x198A8] =	vst v63  }
0x12b: {  	s0 =	sadd.s32 s19, s16;
	s16 =	sadd.s32 $0x1, s16;
	_ =	swait.ge [sflag:s2], $0x4000  }
0x12c: {  	s0 =	sshll.u32 s0, $0xB;
	p2 =	sne.s32 s16, $0x4;
	[sflag:s2] =	ssyncset.done $0x0  }
.Ltmp13:
0x12d: {  	s0 =	sadd.s32 s3, s0;
	[sflag:s2] =	ssyncadd.s32 $0xFFFFC000;
	(pc) =	sbr.rel @p2 .LBB2_23-.Ltmp13, $4  }
0x12e: {  	[hbm4b:s0+s6] =	stream.linear.scatter [tilespmem:s25], [sflag:$0x1], $0x4000, $0x38;
	[tilespmem:$0x198A8] =	vst v63  }
0x12f: {  	_ =	swait.ge [sflag:s2], $0x4000  }
0x130: {  	[sflag:s2] =	ssyncset.done $0x0  }
0x131: {  	[sflag:s2] =	ssyncadd.s32 $0xFFFFC000  }
0x132: {  	s0 =	sshll.u32 s4, $0x14;
	[bflag:$0x0] =	sbarrier.arrive $0xFFFF  }
0x133: {  	s0 =	sor.u32 s29, s0;
	s8 =	rddreg [dreg:$0xa]  }
0x134: {  	s28 =	sshll.u32 s12, $0x6;
	s30 =	rddreg [dreg:$0x19];
	s0 =	sshrl.u32 s0, $0x3  }
0x135: {  	s31 =	sor.u32 $0x1C01, s28;
	s4 =	sshrl.u32 s30, $0x3;
	s8 =	sadd.s32 s8, s0  }
0x136: {  	[hbm:s8], [sflag:s31] =	dma.local [spmem:s4], $0x2000  }
0x137: {  	_ =	swait.ge [sflag:s2], $0x2000  }
0x138: {  	[sflag:s2] =	ssyncset.done $0x0  }
0x139: {  	[sflag:s2] =	ssyncadd.s32 $0xFFFFE000  }
0x13a: {  	s10 =	simm.s32 $0x0;
	s11 =	simm.s32 $0x0;
	[bflag:$0x0] =	sbarrier.arrive $0xFFFF  }
.LBB2_31:
0x13b: {  	s8 =	sshll.u32 s11, $0xE  }
0x13c: {  	s14 =	sadd.s32 s29, s8  }
0x13d: {  	s8 =	sor.u32 s14, s10  }
0x13e: {  	v8 =	vor.u32 s8, v1  }
0x13f: {  	s16 =	simm.s32 $0x10;
	s20 =	simm.s32 $0x0;
	[tilespmem:s10+$0x0] =	vst v8  }
.LBB2_32:
0x140: {  	p2 =	sne.s32 s16, $0x3FF0  }
.Ltmp14:
0x141: {  	_ = 	snop;
	(pc) =	sbr.rel @p2 .LBB2_32-.Ltmp14, $4  }
0x142: {  	_ = 	snop  }
0x143: {  	s8 =	sor.u32 s14, s16;
	s16 =	sadd.s32 $0x10, s16  }
0x144: {  	s20 =	sadd.s32 $0x10, s20;
	v8 =	vor.u32 s8, v1  }
0x145: {  	[tilespmem:s20+$0x0] =	vst v8  }
0x146: {  	s8 =	sadd.s32 s19, s11  }
0x147: {  	s8 =	sshll.u32 s8, $0xB  }
0x148: {  	s8 =	sadd.s32 s3, s8  }
0x149: {  	[tilespmem:s25], [sflag:$0x1] =	stream.linear.gather [hbm4b:s8+s6], $0x4000, $0x38;
	[tilespmem:$0x198A8] =	vst v63  }
0x14a: {  	_ =	swait.ge [sflag:s2], $0x4000  }
0x14b: {  	s11 =	sadd.s32 $0x1, s11;
	[sflag:s2] =	ssyncset.done $0x0  }
0x14c: {  	p2 =	sne.s32 s11, $0x4;
	[sflag:s2] =	ssyncadd.s32 $0xFFFFC000;
	(ifvalue) =	ssetifvalue $0xFFFFFFFF  }
.Ltmp15:
0x14d: {  	(ifvalue) =	ssetifvalue $0xFFFFFFFF;
	(pc) =	sbr.rel @p2 .LBB2_31-.Ltmp15, $4  }
0x14e: {  	[spmem:s5] =	stream.indirect.scatter [tilespmem:s6], [sflag:$0x1], $0x1, s25, s25, $0x40b8;
	[tilespmem:$0x198A8] =	vst v63  }
0x14f: {  	_ =	swait.ge [sflag:s2], $0x4000  }
0x150: {  	[sflag:s2] =	ssyncset.done $0x0  }
0x151: {  	[sflag:s2] =	ssyncadd.s32 $0xFFFFC000  }
0x152: {  	[bflag:$0x0] =	sbarrier.arrive $0xFFFF  }
0x153: {  	s9 =	sadd.s32 $0x1, s9;
	s8 =	rddreg [dreg:$0xb]  }
0x154: {  	p2 =	sne.s32 s9, $0x8;
	s0 =	sadd.s32 s8, s0  }
0x155: {  	[hbm:s0], [sflag:s31] =	dma.local [spmem:s4], $0x2000  }
.Ltmp16:
0x156: {  	_ =	swait.ge [sflag:s2], $0x2000;
	(pc) =	sbr.rel @p2 .LBB2_2-.Ltmp16, $4  }
0x157: {  	[sflag:s2] =	ssyncset.done $0x0  }
0x158: {  	[sflag:s2] =	ssyncadd.s32 $0xFFFFE000  }
0x159: {  	[bflag:$0x0] =	sbarrier.arrive $0xFFFF  }
0x15a: {  	s14 =	simm.s32 $0x0  }
.LBB2_35:
0x15b: {  	s0 =	simm.s32 $0x40;
	s9 =	simm.s32 $0x0  }
.LBB2_36:
0x15c: {  	p2 =	seq.s32 s0, $0x3FC0;
	[tilespmem:s9+$0x8000] =	vst v0;
	s8 =	smov.u32 s0;
	s0 =	sadd.s32 $0x40, s0  }
.Ltmp17:
0x15d: {  	(pc) =	sbr.rel @!p2 .LBB2_36-.Ltmp17, $2  }
0x15e: {  	_ =	sdelay $0x2  }
0x15f: {  	s9 =	sshra.s32 s8, $0x2  }
0x160: {  	s0 =	rddreg [dreg:$0xe]  }
0x161: {  	[tilespmem:s9+$0x8000] =	vst v0;
	s8 =	rddreg [dreg:$0x11];
	s9 =	sadd.s32 s0, s14  }
0x162: {  	s30 =	rddreg [dreg:$0x12];
	s0 =	sshll.u32 s9, $0x11  }
0x163: {  	s20 =	simm.s32 $0x0;
	s10 =	sadd.s32 s0, s8;
	s16 =	sadd.s32 s0, s30  }
.LBB2_38:
0x164: {  	p2 =	sne.s32 @!p0 s20, $0x0  }
0x165: {  	p2 =	por p0, !p2  }
0x166: {  	s0 =	sshll.u32 @p2 s20, $0xB  }
0x167: {  	s0 =	sadd.s32 @p2 s0, s10  }
0x168: {  	[tilespmem:s6], [sflag:$0x1] =	stream.linear.gather @p2 [hbm4b:s0+s6], $0x4000, $0x38;
	[tilespmem:$0x198A8] =	vst v63  }
0x169: {  	_ =	swait.ge @p2 [sflag:s2], $0x4000  }
0x16a: {  	[sflag:s2] =	ssyncset.done @p2 $0x0  }
0x16b: {  	[sflag:s2] =	ssyncadd.s32 @p2 $0xFFFFC000;
	p2 =	seq.s32 @!p0 s20, $0x0  }
0x16c: {  	p2 =	por p0, p2  }
.Ltmp18:
0x16d: {  	_ = 	snop;
	(pc) =	sbr.rel @p2 .LBB2_42-.Ltmp18, $1  }
0x16e: {  	_ =	sdelay $0x3  }
0x16f: {  	s0 =	simm.s32 $0x40;
	s11 =	simm.s32 $0x0  }
.LBB2_40:
0x170: {  	p2 =	sne.s32 s0, $0xFFC0;
	[tilespmem:s11+$0x0] =	vst v4;
	s8 =	smov.u32 s0;
	s0 =	sadd.s32 $0x40, s0  }
.Ltmp19:
0x171: {  	(pc) =	sbr.rel @p2 .LBB2_40-.Ltmp19, $2  }
0x172: {  	_ =	sdelay $0x2  }
0x173: {  	s11 =	sshra.s32 s8, $0x2  }
0x174: {  	p2 =	sne.s32 s20, $0x1  }
0x175: {  	[tilespmem:s11+$0x0] =	vst v4;
	s0 =	simm.s32 @!p2 $0x0  }
0x176: {  	[tilespmem:s0], [sflag:$0x1] =	stream.linear.gather @!p2 [hbm4b:s16+s0], $0x240, $0x38;
	[tilespmem:$0x198A8] =	vst v63  }
0x177: {  	s0 =	simm.s32 @!p2 $0x1  }
0x178: {  	_ =	swait.ge @!p2 [sflag:s0], $0x240  }
0x179: {  	[sflag:s0] =	ssyncset.done @!p2 $0x0  }
0x17a: {  	[sflag:s0] =	ssyncadd.s32 @!p2 $0xFFFFFDC0  }
.LBB2_42:
0x17b: {  	s11 =	simm.s32 $0x0;
	s0 =	simm.s32 $0x40  }
.LBB2_43:
0x17c: {  	p2 =	sne.s32 s0, $0xFFC0;
	v7 =	vld [tilespmem:s11+$0x0];
	_ =	sdelay $0x4  }
0x17d: {  	v7 =	vshrl.u32 v7, $0x4  }
0x17e: {  	v7 =	vand.u32 $0xFF0, v7  }
0x17f: {  	v7 =	vor.u32 v1, v7  }
.Ltmp20:
0x180: {  	(pc) =	sbr.rel @p2 .LBB2_43-.Ltmp20, $2  }
0x181: {  	_ =	sdelay $0x2  }
0x182: {  	s11 =	sshra.s32 s0, $0x2;
	s0 =	sadd.s32 $0x40, s0;
	[tilespmem:v7+s17+$0x0] =	vst.idx.add.s32.msk $0xffff, v2  }
0x183: {  	v7 =	vld [tilespmem:s11+$0x0];
	_ =	sdelay $0x4  }
0x184: {  	v7 =	vshrl.u32 v7, $0x4  }
0x185: {  	s20 =	sadd.s32 $0x1, s20;
	v7 =	vand.u32 $0xFF0, v7  }
0x186: {  	p2 =	sne.s32 s20, $0x4;
	v7 =	vor.u32 v1, v7  }
.Ltmp21:
0x187: {  	_ = 	snop;
	(pc) =	sbr.rel @p2 .LBB2_38-.Ltmp21, $2  }
0x188: {  	_ =	sdelay $0x2  }
0x189: {  	s0 =	simm.s32 $0x0;
	[tilespmem:v7+s17+$0x0] =	vst.idx.add.s32.msk $0xffff, v2  }
0x18a: {  	s11 =	sshra.s32 s0, $0x2;
	s20 =	sadd.s32 $0x40, s0  }
.LBB2_46:
0x18b: {  	p2 =	sne.s32 s20, $0x3FC0;
	v7 =	vld [tilespmem:s11+$0x8000];
	_ =	sdelay $0x4  }
0x18c: {  	(xrf0) =	vadd.scan.msk.s32 $0xffff, v7;
	_ =	sdelay $0x2  }
.Ltmp22:
0x18d: {  	(pc) =	sbr.rel @p2 .LBB2_46-.Ltmp22, $3  }
0x18e: {  	_ =	sdelay $0x1  }
0x18f: {  	v7, _, _ =	vpop (xrf0)  }
0x190: {  	[tilespmem:s11+$0x8000] =	vst v7;
	s11 =	sshra.s32 s20, $0x2;
	s20 =	sadd.s32 $0x40, s20  }
0x191: {  	v7 =	vld [tilespmem:s11+$0x8000];
	_ =	sdelay $0x4  }
0x192: {  	(xrf0) =	vadd.scan.msk.s32 $0xffff, v7;
	v7 =	vmov s0  }
0x193: {  	v7 =	vshll.u32 v7, $0x4  }
0x194: {  	v7 =	vor.u32 v3, v7  }
0x195: {  	v7 =	vor.u32 $0xF, v7;
	_ =	sdelay $0x2  }
0x196: {  	v8, _, _ =	vpop (xrf0)  }
0x197: {  	s30 =	simm.s32 $0x10;
	[tilespmem:s11+$0x8000] =	vst v8  }
0x198: {  	v9 =	vld.idx.msk [tilespmem:v7+s17+$0x0], $0xffff;
	v7 =	vmov s30  }
0x199: {  	v7 =	vshll.u32 v7, $0x4  }
0x19a: {  	v7 =	vor.u32 v3, v7  }
0x19b: {  	v7 =	vor.u32 $0xF, v7;
	_ =	sdelay $0x2  }
0x19c: {  	s8 =	simm.s32 $0x20;
	s0 =	simm.s32 $0x9100  }
0x19d: {  	v8 =	vmov s8;
	s11 =	simm.s32 $0x30;
	[tilespmem:s0+$0x0] =	vst v9  }
.LBB2_48:
0x19e: {  	p2 =	sne.s32 s11, $0xF0;
	v8 =	vshll.u32 v8, $0x4;
	v9 =	vld.idx.msk [tilespmem:v7+s17+$0x0], $0xffff  }
0x19f: {  	v7 =	vor.u32 v3, v8  }
.Ltmp23:
0x1a0: {  	v7 =	vor.u32 $0xF, v7;
	(pc) =	sbr.rel @p2 .LBB2_48-.Ltmp23, $3  }
0x1a1: {  	_ =	sdelay $0x1  }
0x1a2: {  	s0 =	sadd.s32 $0x10, s0  }
0x1a3: {  	v8 =	vmov s11;
	s11 =	sadd.s32 $0x10, s11;
	[tilespmem:s0+$0x0] =	vst v9  }
0x1a4: {  	_ =	sdelay $0x2  }
0x1a5: {  	v8 =	vshll.u32 v8, $0x4  }
0x1a6: {  	v7 =	vld.idx.msk [tilespmem:v7+s17+$0x0], $0xffff;
	v8 =	vor.u32 v3, v8  }
0x1a7: {  	v8 =	vor.u32 $0xF, v8;
	_ =	sdelay $0x2  }
0x1a8: {  	s0 =	sadd.s32 $0x10, s0  }
0x1a9: {  	[tilespmem:s0+$0x0] =	vst v7  }
0x1aa: {  	v7 =	vld.idx.msk [tilespmem:v8+s17+$0x0], $0xffff;
	_ =	sdelay $0x3  }
0x1ab: {  	s0 =	sadd.s32 $0x10, s0  }
0x1ac: {  	s28 =	simm.s32 $0x9100;
	[tilespmem:s0+$0x0] =	vst v7  }
0x1ad: {  	[spmem:s18] =	stream.strided.scatter [tilespmem:s28], [sflag:$0x1], $0x100, s13, s7, $0x38;
	[tilespmem:$0x198A8] =	vst v63  }
0x1ae: {  	_ =	swait.ge [sflag:s2], $0x100  }
0x1af: {  	[sflag:s2] =	ssyncset.done $0x0  }
0x1b0: {  	[sflag:s2] =	ssyncadd.s32 $0xFFFFFF00  }
0x1b1: {  	[bflag:$0x0] =	sbarrier.arrive $0xFFFF  }
0x1b2: {  	s8 =	simm.s32 $0x9200;
	s30 =	rddreg [dreg:$0x4]  }
0x1b3: {  	[tilespmem:s8], [sflag:$0x1] =	stream.linear.gather [spmem:s30], $0x1000, $0x38;
	[tilespmem:$0x198A8] =	vst v63  }
0x1b4: {  	_ =	swait.ge [sflag:s2], $0x1000  }
0x1b5: {  	[sflag:s2] =	ssyncset.done $0x0  }
0x1b6: {  	s11 =	simm.s32 $0x0;
	s0 =	simm.s32 $0x0;
	[sflag:s2] =	ssyncadd.s32 $0xFFFFF000  }
.LBB2_50:
0x1b7: {  	s20 =	sshll.u32 s11, $0x4  }
0x1b8: {  	s8 =	sand.u32 $0x70, s20  }
0x1b9: {  	s21 =	sshll.u32 s11, $0x7;
	v7 =	vmov s8  }
0x1ba: {  	s23 =	sand.u32 $0x400, s21  }
0x1bb: {  	s26 =	sand.u32 $0x800, s0;
	s21 =	sor.u32 $0x9200, s23  }
0x1bc: {  	s23 =	sand.u32 $0x380, s0;
	s8 =	sadd.s32 s26, s21  }
0x1bd: {  	s22 =	simm.s32 $0x1;
	s8 =	sadd.s32 s23, s8  }
0x1be: {  	v8 =	vimm.s32 $0x0;
	s28 =	simm.s32 $0x100;
	s30 =	simm.s32 $0x0;
	v10 =	vimm.s32 $0x0;
	s23 =	simm.s32 $0x80;
	v9 =	vld.idx.msk [tilespmem:v7+s8+$0x0 ss:$0x1], $0xffff  }
.LBB2_51:
0x1bf: {  	s8 =	sand.u32 $0x800, s28  }
0x1c0: {  	p2 =	sne.s32 s22, $0xF;
	s26 =	smov.u32 s22;
	s22 =	sadd.s32 $0x1, s22  }
.Ltmp24:
0x1c1: {  	s15 =	sand.u32 $0x380, s23;
	s8 =	sadd.s32 s8, s21;
	(pc) =	sbr.rel @p2 .LBB2_51-.Ltmp24, $4  }
0x1c2: {  	p3 =	slt.u32 s30, s12;
	s30 =	smov.u32 s26;
	s8 =	sadd.s32 s15, s8  }
0x1c3: {  	v8 =	vadd.s32 v8, v9;
	v11 =	vpsel !p3, $0x0, v9;
	v9 =	vld.idx.msk [tilespmem:v7+s8+$0x0 ss:$0x1], $0xffff  }
0x1c4: {  	v10 =	vadd.s32 v10, v11  }
0x1c5: {  	s23 =	sadd.s32 $0x80, s23;
	s28 =	sadd.s32 $0x100, s28  }
0x1c6: {  	_ = 	snop  }
0x1c7: {  	p2 =	slt.u32 s30, s12;
	s11 =	sadd.s32 $0x1, s11  }
0x1c8: {  	v7 =	vadd.s32 v8, v9;
	v8 =	vpsel !p2, $0x0, v9;
	p2 =	sne.s32 s11, $0x10  }
.Ltmp25:
0x1c9: {  	_ = 	snop;
	(pc) =	sbr.rel @p2 .LBB2_50-.Ltmp25, $3  }
0x1ca: {  	_ =	sdelay $0x1  }
0x1cb: {  	v8 =	vadd.s32 v10, v8;
	[tilespmem:s20+$0xA200] =	vst v7  }
0x1cc: {  	[tilespmem:s20+$0x9000] =	vst v8;
	s20 =	simm.s32 $0x0  }
0x1cd: {  	s8 =	simm.s32 $0x0  }
0x1ce: {  	v8 =	vld [tilespmem:s8+$0xA200];
	_ =	sdelay $0x4  }
0x1cf: {  	(xrf0) =	vadd.scan.msk.s32 $0xffff, v8;
	_ =	sdelay $0x1  }
0x1d0: {  	s21 =	simm.s32 $0x10  }
0x1d1: {  	v9 =	vld [tilespmem:s21+$0xA200];
	_ =	sdelay $0x2  }
0x1d2: {  	v10, _, _ =	vpop (xrf0)  }
0x1d3: {  	(v2sf) =	vpush v10, $0xF  }
0x1d4: {  	v11 =	vld [tilespmem:s8+$0x9000];
	(xrf0) =	vadd.scan.msk.s32 $0xffff, v9;
	_ =	sdelay $0x1  }
0x1d5: {  	s11 =	simm.s32 $0x20  }
0x1d6: {  	v7 =	vld [tilespmem:s11+$0xA200]  }
0x1d7: {  	v8 =	vsub.s32 s20, v8  }
0x1d8: {  	v8 =	vadd.s32 v11, v8  }
0x1d9: {  	v11 =	vadd.s32 v10, v8;
	v10, _, _ =	vpop (xrf0)  }
0x1da: {  	(v2sf) =	vpush v10, $0xF  }
0x1db: {  	(xrf0) =	vadd.scan.msk.s32 $0xffff, v7;
	_ =	sdelay $0x1  }
0x1dc: {  	s0 =	simm.s32 $0x30  }
0x1dd: {  	v8 =	vld [tilespmem:s0+$0xA200];
	[tilespmem:s8+$0x9000] =	vst v11  }
0x1de: {  	v12 =	vld [tilespmem:s21+$0x9000]  }
0x1df: {  	s22 =	simm.s32 $0x100  }
0x1e0: {  	s23 =	simm.s32 $0x140;
	s28 =	simm.s32 $0x0;
	v11, _, _ =	vpop (xrf0);
	s30 =	spop (v2sf)  }
.LBB2_54:
0x1e1: {  	p2 =	sne.s32 s23, $0x3C0;
	(v2sf) =	vpush v11, $0xF;
	s28 =	sadd.s32 s28, s30  }
0x1e2: {  	(xrf0) =	vadd.scan.msk.s32 $0xffff, v8;
	v13 =	vsub.s32 s28, v9;
	v9 =	vmov v7;
	v7 =	vmov v8  }
0x1e3: {  	v8 =	vadd.s32 v12, v13  }
.Ltmp26:
0x1e4: {  	s8 =	sshra.s32 s22, $0x2;
	s22 =	smov.u32 s23;
	v12 =	vadd.s32 v10, v8;
	v10 =	vmov v11;
	(pc) =	sbr.rel @p2 .LBB2_54-.Ltmp26, $3  }
0x1e5: {  	v8 =	vld [tilespmem:s8+$0xA200];
	[tilespmem:s21+$0x9000] =	vst v12;
	s21 =	smov.u32 s11;
	s11 =	smov.u32 s0;
	s0 =	smov.u32 s8  }
0x1e6: {  	v12 =	vld [tilespmem:s21+$0x9000];
	_ =	sdelay $0x1  }
0x1e7: {  	s23 =	sadd.s32 $0x40, s23;
	v11, _, _ =	vpop (xrf0);
	s30 =	spop (v2sf)  }
0x1e8: {  	s8 =	sadd.s32 s28, s30  }
0x1e9: {  	v9 =	vsub.s32 s8, v9  }
0x1ea: {  	(v2sf) =	vpush v11, $0xF;
	s15 =	sshra.s32 s22, $0x2;
	v9 =	vadd.s32 v12, v9  }
0x1eb: {  	(xrf0) =	vadd.scan.msk.s32 $0xffff, v8;
	v13 =	vld [tilespmem:s15+$0xA200];
	v9 =	vadd.s32 v10, v9  }
0x1ec: {  	[tilespmem:s21+$0x9000] =	vst v9  }
0x1ed: {  	v9 =	vld [tilespmem:s11+$0x9000];
	_ =	sdelay $0x1  }
0x1ee: {  	s23 =	spop (v2sf)  }
0x1ef: {  	(xrf0) =	vadd.scan.msk.s32 $0xffff, v13;
	s8 =	sadd.s32 s8, s23  }
0x1f0: {  	v61, _, _ =	vpop (xrf0);
	v7 =	vsub.s32 s8, v7  }
0x1f1: {  	(v2sf) =	vpush v61, $0xF;
	v7 =	vadd.s32 v9, v7  }
0x1f2: {  	v7 =	vadd.s32 v11, v7;
	_ =	sdelay $0x2  }
0x1f3: {  	[tilespmem:s11+$0x9000] =	vst v7;
	v7, _, _ =	vpop (xrf0)  }
0x1f4: {  	v62 =	vld [tilespmem:s0+$0x9000];
	(v2sf) =	vpush v7, $0xF;
	_ =	sdelay $0x1  }
0x1f5: {  	s26 =	spop (v2sf)  }
0x1f6: {  	s8 =	sadd.s32 s8, s26  }
0x1f7: {  	v8 =	vsub.s32 s8, v8  }
0x1f8: {  	v8 =	vadd.s32 v62, v8  }
0x1f9: {  	v8 =	vadd.s32 v61, v8  }
0x1fa: {  	[tilespmem:s0+$0x9000] =	vst v8  }
0x1fb: {  	v8 =	vld [tilespmem:s15+$0x9000];
	_ =	sdelay $0x1  }
0x1fc: {  	s28 =	spop (v2sf)  }
0x1fd: {  	s0 =	sadd.s32 s8, s28  }
0x1fe: {  	v63 =	vsub.s32 s0, v13  }
0x1ff: {  	v8 =	vadd.s32 v8, v63  }
0x200: {  	v7 =	vadd.s32 v7, v8  }
0x201: {  	[tilespmem:s15+$0x9000] =	vst v7;
	s30 =	spop (v2sf)  }
.LBB2_56:
0x202: {  	p2 =	sne.s32 @!p0 s20, $0x0  }
0x203: {  	p2 =	por p0, !p2  }
0x204: {  	s0 =	sshll.u32 @p2 s20, $0xB  }
0x205: {  	s0 =	sadd.s32 @p2 s0, s10  }
0x206: {  	[tilespmem:s6], [sflag:$0x1] =	stream.linear.gather @p2 [hbm4b:s0+s6], $0x4000, $0x38;
	[tilespmem:$0x198A8] =	vst v63  }
0x207: {  	_ =	swait.ge @p2 [sflag:s2], $0x4000  }
0x208: {  	[sflag:s2] =	ssyncset.done @p2 $0x0  }
0x209: {  	[sflag:s2] =	ssyncadd.s32 @p2 $0xFFFFC000;
	p2 =	seq.s32 @!p0 s20, $0x0  }
0x20a: {  	p2 =	por p0, p2  }
.Ltmp27:
0x20b: {  	_ = 	snop;
	(pc) =	sbr.rel @p2 .LBB2_60-.Ltmp27, $1  }
0x20c: {  	_ =	sdelay $0x3  }
0x20d: {  	s0 =	simm.s32 $0x40;
	s11 =	simm.s32 $0x0  }
.LBB2_58:
0x20e: {  	p2 =	sne.s32 s0, $0xFFC0;
	[tilespmem:s11+$0x0] =	vst v4;
	s8 =	smov.u32 s0;
	s0 =	sadd.s32 $0x40, s0  }
.Ltmp28:
0x20f: {  	(pc) =	sbr.rel @p2 .LBB2_58-.Ltmp28, $2  }
0x210: {  	_ =	sdelay $0x2  }
0x211: {  	s11 =	sshra.s32 s8, $0x2  }
0x212: {  	p2 =	sne.s32 s20, $0x1  }
0x213: {  	[tilespmem:s11+$0x0] =	vst v4;
	s0 =	simm.s32 @!p2 $0x0  }
0x214: {  	[tilespmem:s0], [sflag:$0x1] =	stream.linear.gather @!p2 [hbm4b:s16+s0], $0x240, $0x38;
	[tilespmem:$0x198A8] =	vst v63  }
0x215: {  	s0 =	simm.s32 @!p2 $0x1  }
0x216: {  	_ =	swait.ge @!p2 [sflag:s0], $0x240  }
0x217: {  	[sflag:s0] =	ssyncset.done @!p2 $0x0  }
0x218: {  	[sflag:s0] =	ssyncadd.s32 @!p2 $0xFFFFFDC0  }
.LBB2_60:
0x219: {  	s0 =	simm.s32 $0x0  }
0x21a: {  	v7 =	vld [tilespmem:s0+$0x0];
	_ =	sdelay $0x4  }
0x21b: {  	v7 =	vshrl.u32 v7, $0x8  }
0x21c: {  	v7 =	vand.u32 $0xFF, v7  }
0x21d: {  	(xrf1) =	vunique.msk.u32 $0xffff, v7;
	_ =	sdelay $0xb  }
0x21e: {  	v8 =	vld.idx.msk [tilespmem:v7+s24+$0x0], $0xffff;
	_ =	sdelay $0x1  }
0x21f: {  	_, v9, vm0 =	vpop (xrf1);
	_ =	sdelay $0x2  }
0x220: {  	v8 =	vadd.s32 v8, v9  }
0x221: {  	v9 =	vadd.s32 $0xFFFFFFFF, v8  }
0x222: {  	vm1 =	vgt.s32 v9, $0xF423F  }
0x223: {  	s11 =	simm.s32 $0x80;
	s21 =	simm.s32 $0x10;
	[tilespmem:v7+s24+$0x0] =	vst.idx.msk vm0, v8;
	v7 =	vsel vm1, $0xFFFFFFFF, v9  }
.LBB2_61:
0x224: {  	p2 =	sne.s32 s11, $0xFFC0;
	v8 =	vld [tilespmem:s21+$0x0];
	[tilespmem:s0+$0x4000] =	vst v7;
	s8 =	smov.u32 s11;
	s11 =	sadd.s32 $0x40, s11  }
0x225: {  	s0 =	smov.u32 s21;
	_ =	sdelay $0x3  }
0x226: {  	v7 =	vshrl.u32 v8, $0x8  }
0x227: {  	v7 =	vand.u32 $0xFF, v7  }
0x228: {  	(xrf1) =	vunique.msk.u32 $0xffff, v7;
	_ =	sdelay $0xa  }
0x229: {  	v8 =	vld.idx.msk [tilespmem:v7+s24+$0x0], $0xffff;
	_ =	sdelay $0x2  }
0x22a: {  	_, v9, vm0 =	vpop (xrf1);
	_ =	sdelay $0x1  }
.Ltmp29:
0x22b: {  	(pc) =	sbr.rel @p2 .LBB2_61-.Ltmp29, $4  }
0x22c: {  	v8 =	vadd.s32 v8, v9  }
0x22d: {  	v9 =	vadd.s32 $0xFFFFFFFF, v8  }
0x22e: {  	vm1 =	vgt.s32 v9, $0xF423F  }
0x22f: {  	s21 =	sshra.s32 s8, $0x2;
	[tilespmem:v7+s24+$0x0] =	vst.idx.msk vm0, v8;
	v7 =	vsel vm1, $0xFFFFFFFF, v9  }
0x230: {  	v8 =	vld [tilespmem:s21+$0x0];
	_ =	sdelay $0x4  }
0x231: {  	v8 =	vshrl.u32 v8, $0x8  }
0x232: {  	v8 =	vand.u32 $0xFF, v8  }
0x233: {  	(xrf1) =	vunique.msk.u32 $0xffff, v8;
	_ =	sdelay $0xa  }
0x234: {  	[tilespmem:s0+$0x4000] =	vst v7  }
0x235: {  	v7 =	vld.idx.msk [tilespmem:v8+s24+$0x0], $0xffff;
	_ =	sdelay $0x1  }
0x236: {  	_, v9, vm0 =	vpop (xrf1);
	_ =	sdelay $0x2  }
0x237: {  	v7 =	vadd.s32 v7, v9  }
0x238: {  	v9 =	vadd.s32 $0xFFFFFFFF, v7  }
0x239: {  	vm1 =	vgt.s32 v9, $0xF423F  }
0x23a: {  	[tilespmem:v8+s24+$0x0] =	vst.idx.msk vm0, v7;
	v7 =	vsel vm1, $0xFFFFFFFF, v9  }
0x23b: {  	[tilespmem:s21+$0x4000] =	vst v7;
	(ifvalue) =	ssetifvalue $0xFFFFFFFF  }
0x23c: {  	(ifvalue) =	ssetifvalue $0xFFFFFFFF  }
0x23d: {  	[spmem:s5] =	stream.indirect.scatter [tilespmem:s6], [sflag:$0x1], $0x1, s25, s25, $0x40b8;
	[tilespmem:$0x198A8] =	vst v63  }
0x23e: {  	s30 =	sadd.s32 s19, s20;
	s20 =	sadd.s32 $0x1, s20;
	_ =	swait.ge [sflag:s2], $0x4000  }
0x23f: {  	s0 =	sshll.u32 s30, $0xB;
	p2 =	sne.s32 s20, $0x4;
	[sflag:s2] =	ssyncset.done $0x0  }
.Ltmp30:
0x240: {  	s0 =	sadd.s32 s3, s0;
	[sflag:s2] =	ssyncadd.s32 $0xFFFFC000;
	(pc) =	sbr.rel @p2 .LBB2_56-.Ltmp30, $4  }
0x241: {  	[hbm4b:s0+s6] =	stream.linear.scatter [tilespmem:s25], [sflag:$0x1], $0x4000, $0x38;
	[tilespmem:$0x198A8] =	vst v63  }
0x242: {  	_ =	swait.ge [sflag:s2], $0x4000  }
0x243: {  	[sflag:s2] =	ssyncset.done $0x0  }
0x244: {  	[sflag:s2] =	ssyncadd.s32 $0xFFFFC000  }
0x245: {  	s0 =	sshll.u32 s9, $0x14  }
0x246: {  	[bflag:$0x0] =	sbarrier.arrive $0xFFFF;
	s0 =	sor.u32 s29, s0  }
0x247: {  	s8 =	rddreg [dreg:$0xc];
	s0 =	sshrl.u32 s0, $0x3  }
0x248: {  	s8 =	sadd.s32 s8, s0  }
0x249: {  	[hbm:s8], [sflag:s31] =	dma.local [spmem:s4], $0x2000  }
0x24a: {  	_ =	swait.ge [sflag:s2], $0x2000  }
0x24b: {  	[sflag:s2] =	ssyncset.done $0x0  }
0x24c: {  	[sflag:s2] =	ssyncadd.s32 $0xFFFFE000  }
0x24d: {  	[bflag:$0x0] =	sbarrier.arrive $0xFFFF  }
0x24e: {  	s16 =	rddreg [dreg:$0xb]  }
0x24f: {  	s10 =	simm.s32 $0x0;
	s8 =	sadd.s32 s16, s0  }
0x250: {  	[tilespmem:s10], [sflag:$0x1] =	stream.linear.gather [hbm4b:s8+s10], $0x4000, $0x38;
	[tilespmem:$0x198A8] =	vst v63  }
0x251: {  	_ =	swait.ge [sflag:s2], $0x4000  }
0x252: {  	[sflag:s2] =	ssyncset.done $0x0  }
0x253: {  	s20 =	rddreg [dreg:$0x18];
	[sflag:s2] =	ssyncadd.s32 $0xFFFFC000  }
0x254: {  	[tilespmem:s25], [sflag:$0x1] =	stream.linear.gather [hbm4b:s20+s10], $0x4000, $0x38;
	[tilespmem:$0x198A8] =	vst v63  }
0x255: {  	_ =	swait.ge [sflag:s2], $0x4000  }
0x256: {  	[sflag:s2] =	ssyncset.done $0x0  }
0x257: {  	[sflag:s2] =	ssyncadd.s32 $0xFFFFC000;
	(ifvalue) =	ssetifvalue $0xFFFFFFFF  }
0x258: {  	(ifvalue) =	ssetifvalue $0xFFFFFFFF  }
0x259: {  	[spmem:s5] =	stream.indirect.scatter [tilespmem:s10], [sflag:$0x1], $0x1, s25, s25, $0x40b8;
	[tilespmem:$0x198A8] =	vst v63  }
0x25a: {  	_ =	swait.ge [sflag:s2], $0x4000  }
0x25b: {  	[sflag:s2] =	ssyncset.done $0x0  }
0x25c: {  	s21 =	sadd.s32 $0x800, s8;
	[sflag:s2] =	ssyncadd.s32 $0xFFFFC000  }
0x25d: {  	[tilespmem:s10], [sflag:$0x1] =	stream.linear.gather [hbm4b:s21+s10], $0x4000, $0x38;
	[tilespmem:$0x198A8] =	vst v63  }
0x25e: {  	_ =	swait.ge [sflag:s2], $0x4000  }
0x25f: {  	[sflag:s2] =	ssyncset.done $0x0  }
0x260: {  	s22 =	rddreg [dreg:$0x1b];
	[sflag:s2] =	ssyncadd.s32 $0xFFFFC000  }
0x261: {  	[tilespmem:s25], [sflag:$0x1] =	stream.linear.gather [hbm4b:s22+s10], $0x4000, $0x38;
	[tilespmem:$0x198A8] =	vst v63  }
0x262: {  	_ =	swait.ge [sflag:s2], $0x4000  }
0x263: {  	[sflag:s2] =	ssyncset.done $0x0  }
0x264: {  	[sflag:s2] =	ssyncadd.s32 $0xFFFFC000;
	(ifvalue) =	ssetifvalue $0xFFFFFFFF  }
0x265: {  	(ifvalue) =	ssetifvalue $0xFFFFFFFF  }
0x266: {  	[spmem:s5] =	stream.indirect.scatter [tilespmem:s10], [sflag:$0x1], $0x1, s25, s25, $0x40b8;
	[tilespmem:$0x198A8] =	vst v63  }
0x267: {  	_ =	swait.ge [sflag:s2], $0x4000  }
0x268: {  	[sflag:s2] =	ssyncset.done $0x0  }
0x269: {  	s23 =	sadd.s32 $0x1000, s8;
	[sflag:s2] =	ssyncadd.s32 $0xFFFFC000  }
0x26a: {  	[tilespmem:s10], [sflag:$0x1] =	stream.linear.gather [hbm4b:s23+s10], $0x4000, $0x38;
	[tilespmem:$0x198A8] =	vst v63  }
0x26b: {  	_ =	swait.ge [sflag:s2], $0x4000  }
0x26c: {  	[sflag:s2] =	ssyncset.done $0x0  }
0x26d: {  	s26 =	rddreg [dreg:$0x1c];
	[sflag:s2] =	ssyncadd.s32 $0xFFFFC000  }
0x26e: {  	[tilespmem:s25], [sflag:$0x1] =	stream.linear.gather [hbm4b:s26+s10], $0x4000, $0x38;
	[tilespmem:$0x198A8] =	vst v63  }
0x26f: {  	_ =	swait.ge [sflag:s2], $0x4000  }
0x270: {  	[sflag:s2] =	ssyncset.done $0x0  }
0x271: {  	[sflag:s2] =	ssyncadd.s32 $0xFFFFC000;
	(ifvalue) =	ssetifvalue $0xFFFFFFFF  }
0x272: {  	(ifvalue) =	ssetifvalue $0xFFFFFFFF  }
0x273: {  	[spmem:s5] =	stream.indirect.scatter [tilespmem:s10], [sflag:$0x1], $0x1, s25, s25, $0x40b8;
	[tilespmem:$0x198A8] =	vst v63  }
0x274: {  	_ =	swait.ge [sflag:s2], $0x4000  }
0x275: {  	[sflag:s2] =	ssyncset.done $0x0  }
0x276: {  	s8 =	sadd.s32 $0x1800, s8;
	[sflag:s2] =	ssyncadd.s32 $0xFFFFC000  }
0x277: {  	[tilespmem:s10], [sflag:$0x1] =	stream.linear.gather [hbm4b:s8+s10], $0x4000, $0x38;
	[tilespmem:$0x198A8] =	vst v63  }
0x278: {  	_ =	swait.ge [sflag:s2], $0x4000  }
0x279: {  	[sflag:s2] =	ssyncset.done $0x0  }
0x27a: {  	s28 =	rddreg [dreg:$0x1d];
	[sflag:s2] =	ssyncadd.s32 $0xFFFFC000  }
0x27b: {  	[tilespmem:s25], [sflag:$0x1] =	stream.linear.gather [hbm4b:s28+s10], $0x4000, $0x38;
	[tilespmem:$0x198A8] =	vst v63  }
0x27c: {  	_ =	swait.ge [sflag:s2], $0x4000  }
0x27d: {  	[sflag:s2] =	ssyncset.done $0x0  }
0x27e: {  	[sflag:s2] =	ssyncadd.s32 $0xFFFFC000;
	(ifvalue) =	ssetifvalue $0xFFFFFFFF  }
0x27f: {  	(ifvalue) =	ssetifvalue $0xFFFFFFFF  }
0x280: {  	[spmem:s5] =	stream.indirect.scatter [tilespmem:s10], [sflag:$0x1], $0x1, s25, s25, $0x40b8;
	[tilespmem:$0x198A8] =	vst v63  }
0x281: {  	_ =	swait.ge [sflag:s2], $0x4000  }
0x282: {  	[sflag:s2] =	ssyncset.done $0x0  }
0x283: {  	[sflag:s2] =	ssyncadd.s32 $0xFFFFC000  }
0x284: {  	[bflag:$0x0] =	sbarrier.arrive $0xFFFF  }
0x285: {  	s14 =	sadd.s32 $0x1, s14;
	s30 =	rddreg [dreg:$0xd]  }
0x286: {  	p2 =	sne.s32 s14, $0x8;
	s0 =	sadd.s32 s30, s0  }
0x287: {  	[hbm:s0], [sflag:s31] =	dma.local [spmem:s4], $0x2000  }
.Ltmp31:
0x288: {  	_ =	swait.ge [sflag:s2], $0x2000;
	(pc) =	sbr.rel @p2 .LBB2_35-.Ltmp31, $3  }
0x289: {  	[sflag:s2] =	ssyncset.done $0x0  }
0x28a: {  	[sflag:s2] =	ssyncadd.s32 $0xFFFFE000  }
0x28b: {  	[bflag:$0x0] =	sbarrier.arrive $0xFFFF;
	_ =	sdelay $0x1  }
.LBB2_64:
0x28c: {  	s0 =	simm.s32 $0x40;
	s9 =	simm.s32 $0x0  }
.LBB2_65:
0x28d: {  	p2 =	seq.s32 s0, $0x3FC0;
	[tilespmem:s9+$0x8000] =	vst v0;
	s8 =	smov.u32 s0;
	s0 =	sadd.s32 $0x40, s0  }
.Ltmp32:
0x28e: {  	(pc) =	sbr.rel @!p2 .LBB2_65-.Ltmp32, $2  }
0x28f: {  	_ =	sdelay $0x2  }
0x290: {  	s9 =	sshra.s32 s8, $0x2  }
0x291: {  	s0 =	rddreg [dreg:$0xe]  }
0x292: {  	[tilespmem:s9+$0x8000] =	vst v0;
	s8 =	rddreg [dreg:$0x15];
	s9 =	sadd.s32 s0, s10  }
0x293: {  	s30 =	rddreg [dreg:$0x13];
	s0 =	sshll.u32 s9, $0x11  }
0x294: {  	s20 =	simm.s32 $0x0;
	s14 =	sadd.s32 s0, s8;
	s16 =	sadd.s32 s0, s30  }
.LBB2_67:
0x295: {  	p2 =	sne.s32 @!p0 s20, $0x0  }
0x296: {  	p2 =	por p0, !p2  }
0x297: {  	s0 =	sshll.u32 @p2 s20, $0xB  }
0x298: {  	s0 =	sadd.s32 @p2 s0, s14  }
0x299: {  	[tilespmem:s6], [sflag:$0x1] =	stream.linear.gather @p2 [hbm4b:s0+s6], $0x4000, $0x38;
	[tilespmem:$0x198A8] =	vst v63  }
0x29a: {  	_ =	swait.ge @p2 [sflag:s2], $0x4000  }
0x29b: {  	[sflag:s2] =	ssyncset.done @p2 $0x0  }
0x29c: {  	[sflag:s2] =	ssyncadd.s32 @p2 $0xFFFFC000;
	p2 =	seq.s32 @!p0 s20, $0x0  }
0x29d: {  	p2 =	por p0, p2  }
.Ltmp33:
0x29e: {  	_ = 	snop;
	(pc) =	sbr.rel @p2 .LBB2_71-.Ltmp33, $1  }
0x29f: {  	_ =	sdelay $0x3  }
0x2a0: {  	s0 =	simm.s32 $0x40;
	s11 =	simm.s32 $0x0  }
.LBB2_69:
0x2a1: {  	p2 =	sne.s32 s0, $0xFFC0;
	[tilespmem:s11+$0x0] =	vst v4;
	s8 =	smov.u32 s0;
	s0 =	sadd.s32 $0x40, s0  }
.Ltmp34:
0x2a2: {  	(pc) =	sbr.rel @p2 .LBB2_69-.Ltmp34, $2  }
0x2a3: {  	_ =	sdelay $0x2  }
0x2a4: {  	s11 =	sshra.s32 s8, $0x2  }
0x2a5: {  	p2 =	sne.s32 s20, $0x1  }
0x2a6: {  	[tilespmem:s11+$0x0] =	vst v4;
	s0 =	simm.s32 @!p2 $0x0  }
0x2a7: {  	[tilespmem:s0], [sflag:$0x1] =	stream.linear.gather @!p2 [hbm4b:s16+s0], $0x240, $0x38;
	[tilespmem:$0x198A8] =	vst v63  }
0x2a8: {  	s0 =	simm.s32 @!p2 $0x1  }
0x2a9: {  	_ =	swait.ge @!p2 [sflag:s0], $0x240  }
0x2aa: {  	[sflag:s0] =	ssyncset.done @!p2 $0x0  }
0x2ab: {  	[sflag:s0] =	ssyncadd.s32 @!p2 $0xFFFFFDC0  }
.LBB2_71:
0x2ac: {  	s11 =	simm.s32 $0x0;
	s0 =	simm.s32 $0x40  }
.LBB2_72:
0x2ad: {  	p2 =	sne.s32 s0, $0xFFC0;
	v7 =	vld [tilespmem:s11+$0x0];
	_ =	sdelay $0x4  }
0x2ae: {  	v7 =	vshrl.u32 v7, $0xC  }
0x2af: {  	v7 =	vand.u32 $0xFF0, v7  }
0x2b0: {  	v7 =	vor.u32 v1, v7  }
.Ltmp35:
0x2b1: {  	(pc) =	sbr.rel @p2 .LBB2_72-.Ltmp35, $2  }
0x2b2: {  	_ =	sdelay $0x2  }
0x2b3: {  	s11 =	sshra.s32 s0, $0x2;
	s0 =	sadd.s32 $0x40, s0;
	[tilespmem:v7+s17+$0x0] =	vst.idx.add.s32.msk $0xffff, v2  }
0x2b4: {  	v7 =	vld [tilespmem:s11+$0x0];
	_ =	sdelay $0x4  }
0x2b5: {  	v7 =	vshrl.u32 v7, $0xC  }
0x2b6: {  	s20 =	sadd.s32 $0x1, s20;
	v7 =	vand.u32 $0xFF0, v7  }
0x2b7: {  	p2 =	sne.s32 s20, $0x4;
	v7 =	vor.u32 v1, v7  }
.Ltmp36:
0x2b8: {  	_ = 	snop;
	(pc) =	sbr.rel @p2 .LBB2_67-.Ltmp36, $2  }
0x2b9: {  	_ =	sdelay $0x2  }
0x2ba: {  	s0 =	simm.s32 $0x0;
	[tilespmem:v7+s17+$0x0] =	vst.idx.add.s32.msk $0xffff, v2  }
0x2bb: {  	s11 =	sshra.s32 s0, $0x2;
	s20 =	sadd.s32 $0x40, s0  }
.LBB2_75:
0x2bc: {  	p2 =	sne.s32 s20, $0x3FC0;
	v7 =	vld [tilespmem:s11+$0x8000];
	_ =	sdelay $0x4  }
0x2bd: {  	(xrf0) =	vadd.scan.msk.s32 $0xffff, v7;
	_ =	sdelay $0x2  }
.Ltmp37:
0x2be: {  	(pc) =	sbr.rel @p2 .LBB2_75-.Ltmp37, $3  }
0x2bf: {  	_ =	sdelay $0x1  }
0x2c0: {  	v7, _, _ =	vpop (xrf0)  }
0x2c1: {  	[tilespmem:s11+$0x8000] =	vst v7;
	s11 =	sshra.s32 s20, $0x2;
	s20 =	sadd.s32 $0x40, s20  }
0x2c2: {  	v7 =	vld [tilespmem:s11+$0x8000];
	_ =	sdelay $0x4  }
0x2c3: {  	(xrf0) =	vadd.scan.msk.s32 $0xffff, v7;
	v7 =	vmov s0  }
0x2c4: {  	v7 =	vshll.u32 v7, $0x4  }
0x2c5: {  	v7 =	vor.u32 v3, v7  }
0x2c6: {  	v7 =	vor.u32 $0xF, v7;
	_ =	sdelay $0x2  }
0x2c7: {  	v8, _, _ =	vpop (xrf0)  }
0x2c8: {  	s30 =	simm.s32 $0x10;
	[tilespmem:s11+$0x8000] =	vst v8  }
0x2c9: {  	v9 =	vld.idx.msk [tilespmem:v7+s17+$0x0], $0xffff;
	v7 =	vmov s30  }
0x2ca: {  	v7 =	vshll.u32 v7, $0x4  }
0x2cb: {  	v7 =	vor.u32 v3, v7  }
0x2cc: {  	v7 =	vor.u32 $0xF, v7;
	_ =	sdelay $0x2  }
0x2cd: {  	s8 =	simm.s32 $0x20;
	s0 =	simm.s32 $0x9100  }
0x2ce: {  	v8 =	vmov s8;
	s11 =	simm.s32 $0x30;
	[tilespmem:s0+$0x0] =	vst v9  }
.LBB2_77:
0x2cf: {  	p2 =	sne.s32 s11, $0xF0;
	v8 =	vshll.u32 v8, $0x4;
	v9 =	vld.idx.msk [tilespmem:v7+s17+$0x0], $0xffff  }
0x2d0: {  	v7 =	vor.u32 v3, v8  }
.Ltmp38:
0x2d1: {  	v7 =	vor.u32 $0xF, v7;
	(pc) =	sbr.rel @p2 .LBB2_77-.Ltmp38, $3  }
0x2d2: {  	_ =	sdelay $0x1  }
0x2d3: {  	s0 =	sadd.s32 $0x10, s0  }
0x2d4: {  	v8 =	vmov s11;
	s11 =	sadd.s32 $0x10, s11;
	[tilespmem:s0+$0x0] =	vst v9  }
0x2d5: {  	_ =	sdelay $0x2  }
0x2d6: {  	v8 =	vshll.u32 v8, $0x4  }
0x2d7: {  	v7 =	vld.idx.msk [tilespmem:v7+s17+$0x0], $0xffff;
	v8 =	vor.u32 v3, v8  }
0x2d8: {  	v8 =	vor.u32 $0xF, v8;
	_ =	sdelay $0x2  }
0x2d9: {  	s0 =	sadd.s32 $0x10, s0  }
0x2da: {  	[tilespmem:s0+$0x0] =	vst v7  }
0x2db: {  	v7 =	vld.idx.msk [tilespmem:v8+s17+$0x0], $0xffff;
	_ =	sdelay $0x3  }
0x2dc: {  	s0 =	sadd.s32 $0x10, s0  }
0x2dd: {  	s28 =	simm.s32 $0x9100;
	[tilespmem:s0+$0x0] =	vst v7  }
0x2de: {  	[spmem:s18] =	stream.strided.scatter [tilespmem:s28], [sflag:$0x1], $0x100, s13, s7, $0x38;
	[tilespmem:$0x198A8] =	vst v63  }
0x2df: {  	_ =	swait.ge [sflag:s2], $0x100  }
0x2e0: {  	[sflag:s2] =	ssyncset.done $0x0  }
0x2e1: {  	[sflag:s2] =	ssyncadd.s32 $0xFFFFFF00  }
0x2e2: {  	[bflag:$0x0] =	sbarrier.arrive $0xFFFF  }
0x2e3: {  	s8 =	simm.s32 $0x9200;
	s30 =	rddreg [dreg:$0x4]  }
0x2e4: {  	[tilespmem:s8], [sflag:$0x1] =	stream.linear.gather [spmem:s30], $0x1000, $0x38;
	[tilespmem:$0x198A8] =	vst v63  }
0x2e5: {  	_ =	swait.ge [sflag:s2], $0x1000  }
0x2e6: {  	[sflag:s2] =	ssyncset.done $0x0  }
0x2e7: {  	s11 =	simm.s32 $0x0;
	s0 =	simm.s32 $0x0;
	[sflag:s2] =	ssyncadd.s32 $0xFFFFF000  }
.LBB2_79:
0x2e8: {  	s20 =	sshll.u32 s11, $0x4  }
0x2e9: {  	s8 =	sand.u32 $0x70, s20  }
0x2ea: {  	s15 =	sshll.u32 s11, $0x7;
	v7 =	vmov s8  }
0x2eb: {  	s22 =	sand.u32 $0x400, s15  }
0x2ec: {  	s23 =	sand.u32 $0x800, s0;
	s21 =	sor.u32 $0x9200, s22  }
0x2ed: {  	s26 =	sand.u32 $0x380, s0;
	s8 =	sadd.s32 s23, s21  }
0x2ee: {  	s28 =	simm.s32 $0x100;
	s8 =	sadd.s32 s26, s8  }
0x2ef: {  	v8 =	vimm.s32 $0x0;
	s30 =	simm.s32 $0x0;
	v10 =	vimm.s32 $0x0;
	s22 =	simm.s32 $0x1;
	s23 =	simm.s32 $0x80;
	v9 =	vld.idx.msk [tilespmem:v7+s8+$0x0 ss:$0x1], $0xffff  }
.LBB2_80:
0x2f0: {  	s8 =	sand.u32 $0x800, s28  }
0x2f1: {  	p2 =	sne.s32 s22, $0xF;
	s15 =	smov.u32 s22;
	s22 =	sadd.s32 $0x1, s22  }
.Ltmp39:
0x2f2: {  	s26 =	sand.u32 $0x380, s23;
	s8 =	sadd.s32 s8, s21;
	(pc) =	sbr.rel @p2 .LBB2_80-.Ltmp39, $4  }
0x2f3: {  	p3 =	slt.u32 s30, s12;
	s30 =	smov.u32 s15;
	s8 =	sadd.s32 s26, s8  }
0x2f4: {  	v8 =	vadd.s32 v8, v9;
	v11 =	vpsel !p3, $0x0, v9;
	v9 =	vld.idx.msk [tilespmem:v7+s8+$0x0 ss:$0x1], $0xffff  }
0x2f5: {  	v10 =	vadd.s32 v10, v11  }
0x2f6: {  	s23 =	sadd.s32 $0x80, s23;
	s28 =	sadd.s32 $0x100, s28  }
0x2f7: {  	_ = 	snop  }
0x2f8: {  	p2 =	slt.u32 s30, s12;
	s11 =	sadd.s32 $0x1, s11  }
0x2f9: {  	v7 =	vadd.s32 v8, v9;
	v8 =	vpsel !p2, $0x0, v9;
	p2 =	sne.s32 s11, $0x10  }
.Ltmp40:
0x2fa: {  	_ = 	snop;
	(pc) =	sbr.rel @p2 .LBB2_79-.Ltmp40, $3  }
0x2fb: {  	_ =	sdelay $0x1  }
0x2fc: {  	v8 =	vadd.s32 v10, v8;
	[tilespmem:s20+$0xA200] =	vst v7  }
0x2fd: {  	[tilespmem:s20+$0x9000] =	vst v8;
	s20 =	simm.s32 $0x0  }
0x2fe: {  	s8 =	simm.s32 $0x0  }
0x2ff: {  	v8 =	vld [tilespmem:s8+$0xA200];
	_ =	sdelay $0x4  }
0x300: {  	(xrf0) =	vadd.scan.msk.s32 $0xffff, v8;
	_ =	sdelay $0x1  }
0x301: {  	s21 =	simm.s32 $0x10  }
0x302: {  	v9 =	vld [tilespmem:s21+$0xA200];
	_ =	sdelay $0x2  }
0x303: {  	v10, _, _ =	vpop (xrf0)  }
0x304: {  	(v2sf) =	vpush v10, $0xF  }
0x305: {  	v11 =	vld [tilespmem:s8+$0x9000];
	(xrf0) =	vadd.scan.msk.s32 $0xffff, v9;
	_ =	sdelay $0x1  }
0x306: {  	s11 =	simm.s32 $0x20  }
0x307: {  	v7 =	vld [tilespmem:s11+$0xA200]  }
0x308: {  	v8 =	vsub.s32 s20, v8  }
0x309: {  	v8 =	vadd.s32 v11, v8  }
0x30a: {  	v11 =	vadd.s32 v10, v8;
	v10, _, _ =	vpop (xrf0)  }
0x30b: {  	(v2sf) =	vpush v10, $0xF  }
0x30c: {  	(xrf0) =	vadd.scan.msk.s32 $0xffff, v7;
	_ =	sdelay $0x1  }
0x30d: {  	s0 =	simm.s32 $0x30  }
0x30e: {  	v8 =	vld [tilespmem:s0+$0xA200];
	[tilespmem:s8+$0x9000] =	vst v11  }
0x30f: {  	v12 =	vld [tilespmem:s21+$0x9000]  }
0x310: {  	s22 =	simm.s32 $0x100  }
0x311: {  	s23 =	simm.s32 $0x140;
	s28 =	simm.s32 $0x0;
	v11, _, _ =	vpop (xrf0);
	s30 =	spop (v2sf)  }
.LBB2_83:
0x312: {  	p2 =	sne.s32 s23, $0x3C0;
	(v2sf) =	vpush v11, $0xF;
	s28 =	sadd.s32 s28, s30  }
0x313: {  	(xrf0) =	vadd.scan.msk.s32 $0xffff, v8;
	v13 =	vsub.s32 s28, v9;
	v9 =	vmov v7;
	v7 =	vmov v8  }
0x314: {  	v8 =	vadd.s32 v12, v13  }
.Ltmp41:
0x315: {  	s8 =	sshra.s32 s22, $0x2;
	s22 =	smov.u32 s23;
	v12 =	vadd.s32 v10, v8;
	v10 =	vmov v11;
	(pc) =	sbr.rel @p2 .LBB2_83-.Ltmp41, $3  }
0x316: {  	v8 =	vld [tilespmem:s8+$0xA200];
	[tilespmem:s21+$0x9000] =	vst v12;
	s21 =	smov.u32 s11;
	s11 =	smov.u32 s0;
	s0 =	smov.u32 s8  }
0x317: {  	v12 =	vld [tilespmem:s21+$0x9000];
	_ =	sdelay $0x1  }
0x318: {  	s23 =	sadd.s32 $0x40, s23;
	v11, _, _ =	vpop (xrf0);
	s30 =	spop (v2sf)  }
0x319: {  	s8 =	sadd.s32 s28, s30  }
0x31a: {  	v9 =	vsub.s32 s8, v9  }
0x31b: {  	(v2sf) =	vpush v11, $0xF;
	s15 =	sshra.s32 s22, $0x2;
	v9 =	vadd.s32 v12, v9  }
0x31c: {  	(xrf0) =	vadd.scan.msk.s32 $0xffff, v8;
	v13 =	vld [tilespmem:s15+$0xA200];
	v9 =	vadd.s32 v10, v9  }
0x31d: {  	[tilespmem:s21+$0x9000] =	vst v9  }
0x31e: {  	v9 =	vld [tilespmem:s11+$0x9000];
	_ =	sdelay $0x1  }
0x31f: {  	s23 =	spop (v2sf)  }
0x320: {  	(xrf0) =	vadd.scan.msk.s32 $0xffff, v13;
	s8 =	sadd.s32 s8, s23  }
0x321: {  	v61, _, _ =	vpop (xrf0);
	v7 =	vsub.s32 s8, v7  }
0x322: {  	(v2sf) =	vpush v61, $0xF;
	v7 =	vadd.s32 v9, v7  }
0x323: {  	v7 =	vadd.s32 v11, v7;
	_ =	sdelay $0x2  }
0x324: {  	[tilespmem:s11+$0x9000] =	vst v7;
	v7, _, _ =	vpop (xrf0)  }
0x325: {  	v62 =	vld [tilespmem:s0+$0x9000];
	(v2sf) =	vpush v7, $0xF;
	_ =	sdelay $0x1  }
0x326: {  	s26 =	spop (v2sf)  }
0x327: {  	s8 =	sadd.s32 s8, s26  }
0x328: {  	v8 =	vsub.s32 s8, v8  }
0x329: {  	v8 =	vadd.s32 v62, v8  }
0x32a: {  	v8 =	vadd.s32 v61, v8  }
0x32b: {  	[tilespmem:s0+$0x9000] =	vst v8  }
0x32c: {  	v8 =	vld [tilespmem:s15+$0x9000];
	_ =	sdelay $0x1  }
0x32d: {  	s28 =	spop (v2sf)  }
0x32e: {  	s0 =	sadd.s32 s8, s28  }
0x32f: {  	v63 =	vsub.s32 s0, v13  }
0x330: {  	v8 =	vadd.s32 v8, v63  }
0x331: {  	v7 =	vadd.s32 v7, v8  }
0x332: {  	[tilespmem:s15+$0x9000] =	vst v7;
	s30 =	spop (v2sf)  }
.LBB2_85:
0x333: {  	p2 =	sne.s32 @!p0 s20, $0x0  }
0x334: {  	p2 =	por p0, !p2  }
0x335: {  	s0 =	sshll.u32 @p2 s20, $0xB  }
0x336: {  	s0 =	sadd.s32 @p2 s0, s14  }
0x337: {  	[tilespmem:s6], [sflag:$0x1] =	stream.linear.gather @p2 [hbm4b:s0+s6], $0x4000, $0x38;
	[tilespmem:$0x198A8] =	vst v63  }
0x338: {  	_ =	swait.ge @p2 [sflag:s2], $0x4000  }
0x339: {  	[sflag:s2] =	ssyncset.done @p2 $0x0  }
0x33a: {  	[sflag:s2] =	ssyncadd.s32 @p2 $0xFFFFC000;
	p2 =	seq.s32 @!p0 s20, $0x0  }
0x33b: {  	p2 =	por p0, p2  }
.Ltmp42:
0x33c: {  	_ = 	snop;
	(pc) =	sbr.rel @p2 .LBB2_89-.Ltmp42, $1  }
0x33d: {  	_ =	sdelay $0x3  }
0x33e: {  	s0 =	simm.s32 $0x40;
	s11 =	simm.s32 $0x0  }
.LBB2_87:
0x33f: {  	p2 =	sne.s32 s0, $0xFFC0;
	[tilespmem:s11+$0x0] =	vst v4;
	s8 =	smov.u32 s0;
	s0 =	sadd.s32 $0x40, s0  }
.Ltmp43:
0x340: {  	(pc) =	sbr.rel @p2 .LBB2_87-.Ltmp43, $2  }
0x341: {  	_ =	sdelay $0x2  }
0x342: {  	s11 =	sshra.s32 s8, $0x2  }
0x343: {  	p2 =	sne.s32 s20, $0x1  }
0x344: {  	[tilespmem:s11+$0x0] =	vst v4;
	s0 =	simm.s32 @!p2 $0x0  }
0x345: {  	[tilespmem:s0], [sflag:$0x1] =	stream.linear.gather @!p2 [hbm4b:s16+s0], $0x240, $0x38;
	[tilespmem:$0x198A8] =	vst v63  }
0x346: {  	s0 =	simm.s32 @!p2 $0x1  }
0x347: {  	_ =	swait.ge @!p2 [sflag:s0], $0x240  }
0x348: {  	[sflag:s0] =	ssyncset.done @!p2 $0x0  }
0x349: {  	[sflag:s0] =	ssyncadd.s32 @!p2 $0xFFFFFDC0  }
.LBB2_89:
0x34a: {  	s0 =	simm.s32 $0x0  }
0x34b: {  	v7 =	vld [tilespmem:s0+$0x0];
	_ =	sdelay $0x4  }
0x34c: {  	v7 =	vshrl.u32 v7, $0x10  }
0x34d: {  	v7 =	vand.u32 $0xFF, v7  }
0x34e: {  	(xrf1) =	vunique.msk.u32 $0xffff, v7;
	_ =	sdelay $0xb  }
0x34f: {  	v8 =	vld.idx.msk [tilespmem:v7+s24+$0x0], $0xffff;
	_ =	sdelay $0x1  }
0x350: {  	_, v9, vm0 =	vpop (xrf1);
	_ =	sdelay $0x2  }
0x351: {  	v8 =	vadd.s32 v8, v9  }
0x352: {  	v9 =	vadd.s32 $0xFFFFFFFF, v8  }
0x353: {  	vm1 =	vgt.s32 v9, $0xF423F  }
0x354: {  	s11 =	simm.s32 $0x80;
	s21 =	simm.s32 $0x10;
	[tilespmem:v7+s24+$0x0] =	vst.idx.msk vm0, v8;
	v7 =	vsel vm1, $0xFFFFFFFF, v9  }
.LBB2_90:
0x355: {  	p2 =	sne.s32 s11, $0xFFC0;
	v8 =	vld [tilespmem:s21+$0x0];
	[tilespmem:s0+$0x4000] =	vst v7;
	s8 =	smov.u32 s11;
	s11 =	sadd.s32 $0x40, s11  }
0x356: {  	s0 =	smov.u32 s21;
	_ =	sdelay $0x3  }
0x357: {  	v7 =	vshrl.u32 v8, $0x10  }
0x358: {  	v7 =	vand.u32 $0xFF, v7  }
0x359: {  	(xrf1) =	vunique.msk.u32 $0xffff, v7;
	_ =	sdelay $0xa  }
0x35a: {  	v8 =	vld.idx.msk [tilespmem:v7+s24+$0x0], $0xffff;
	_ =	sdelay $0x2  }
0x35b: {  	_, v9, vm0 =	vpop (xrf1);
	_ =	sdelay $0x1  }
.Ltmp44:
0x35c: {  	(pc) =	sbr.rel @p2 .LBB2_90-.Ltmp44, $4  }
0x35d: {  	v8 =	vadd.s32 v8, v9  }
0x35e: {  	v9 =	vadd.s32 $0xFFFFFFFF, v8  }
0x35f: {  	vm1 =	vgt.s32 v9, $0xF423F  }
0x360: {  	s21 =	sshra.s32 s8, $0x2;
	[tilespmem:v7+s24+$0x0] =	vst.idx.msk vm0, v8;
	v7 =	vsel vm1, $0xFFFFFFFF, v9  }
0x361: {  	v8 =	vld [tilespmem:s21+$0x0];
	_ =	sdelay $0x4  }
0x362: {  	v8 =	vshrl.u32 v8, $0x10  }
0x363: {  	v8 =	vand.u32 $0xFF, v8  }
0x364: {  	(xrf1) =	vunique.msk.u32 $0xffff, v8;
	_ =	sdelay $0xa  }
0x365: {  	[tilespmem:s0+$0x4000] =	vst v7  }
0x366: {  	v7 =	vld.idx.msk [tilespmem:v8+s24+$0x0], $0xffff;
	_ =	sdelay $0x1  }
0x367: {  	_, v9, vm0 =	vpop (xrf1);
	_ =	sdelay $0x2  }
0x368: {  	v7 =	vadd.s32 v7, v9  }
0x369: {  	v9 =	vadd.s32 $0xFFFFFFFF, v7  }
0x36a: {  	vm1 =	vgt.s32 v9, $0xF423F  }
0x36b: {  	[tilespmem:v8+s24+$0x0] =	vst.idx.msk vm0, v7;
	v7 =	vsel vm1, $0xFFFFFFFF, v9  }
0x36c: {  	[tilespmem:s21+$0x4000] =	vst v7;
	(ifvalue) =	ssetifvalue $0xFFFFFFFF  }
0x36d: {  	(ifvalue) =	ssetifvalue $0xFFFFFFFF  }
0x36e: {  	[spmem:s5] =	stream.indirect.scatter [tilespmem:s6], [sflag:$0x1], $0x1, s25, s25, $0x40b8;
	[tilespmem:$0x198A8] =	vst v63  }
0x36f: {  	s30 =	sadd.s32 s19, s20;
	s20 =	sadd.s32 $0x1, s20;
	_ =	swait.ge [sflag:s2], $0x4000  }
0x370: {  	s0 =	sshll.u32 s30, $0xB;
	p2 =	sne.s32 s20, $0x4;
	[sflag:s2] =	ssyncset.done $0x0  }
.Ltmp45:
0x371: {  	s0 =	sadd.s32 s3, s0;
	[sflag:s2] =	ssyncadd.s32 $0xFFFFC000;
	(pc) =	sbr.rel @p2 .LBB2_85-.Ltmp45, $4  }
0x372: {  	[hbm4b:s0+s6] =	stream.linear.scatter [tilespmem:s25], [sflag:$0x1], $0x4000, $0x38;
	[tilespmem:$0x198A8] =	vst v63  }
0x373: {  	_ =	swait.ge [sflag:s2], $0x4000  }
0x374: {  	[sflag:s2] =	ssyncset.done $0x0  }
0x375: {  	[sflag:s2] =	ssyncadd.s32 $0xFFFFC000  }
0x376: {  	s0 =	sshll.u32 s9, $0x14  }
0x377: {  	[bflag:$0x0] =	sbarrier.arrive $0xFFFF;
	s0 =	sor.u32 s29, s0  }
0x378: {  	s8 =	rddreg [dreg:$0xa];
	s0 =	sshrl.u32 s0, $0x3  }
0x379: {  	s8 =	sadd.s32 s8, s0  }
0x37a: {  	[hbm:s8], [sflag:s31] =	dma.local [spmem:s4], $0x2000  }
0x37b: {  	_ =	swait.ge [sflag:s2], $0x2000  }
0x37c: {  	[sflag:s2] =	ssyncset.done $0x0  }
0x37d: {  	[sflag:s2] =	ssyncadd.s32 $0xFFFFE000  }
0x37e: {  	[bflag:$0x0] =	sbarrier.arrive $0xFFFF  }
0x37f: {  	s20 =	rddreg [dreg:$0xd]  }
0x380: {  	s9 =	simm.s32 $0x0;
	s8 =	sadd.s32 s20, s0  }
0x381: {  	[tilespmem:s9], [sflag:$0x1] =	stream.linear.gather [hbm4b:s8+s9], $0x4000, $0x38;
	[tilespmem:$0x198A8] =	vst v63  }
0x382: {  	_ =	swait.ge [sflag:s2], $0x4000  }
0x383: {  	[sflag:s2] =	ssyncset.done $0x0  }
0x384: {  	s11 =	rddreg [dreg:$0x18];
	[sflag:s2] =	ssyncadd.s32 $0xFFFFC000  }
0x385: {  	[tilespmem:s25], [sflag:$0x1] =	stream.linear.gather [hbm4b:s11+s9], $0x4000, $0x38;
	[tilespmem:$0x198A8] =	vst v63  }
0x386: {  	_ =	swait.ge [sflag:s2], $0x4000  }
0x387: {  	[sflag:s2] =	ssyncset.done $0x0  }
0x388: {  	[sflag:s2] =	ssyncadd.s32 $0xFFFFC000;
	(ifvalue) =	ssetifvalue $0xFFFFFFFF  }
0x389: {  	(ifvalue) =	ssetifvalue $0xFFFFFFFF  }
0x38a: {  	[spmem:s5] =	stream.indirect.scatter [tilespmem:s9], [sflag:$0x1], $0x1, s25, s25, $0x40b8;
	[tilespmem:$0x198A8] =	vst v63  }
0x38b: {  	_ =	swait.ge [sflag:s2], $0x4000  }
0x38c: {  	[sflag:s2] =	ssyncset.done $0x0  }
0x38d: {  	s21 =	sadd.s32 $0x800, s8;
	[sflag:s2] =	ssyncadd.s32 $0xFFFFC000  }
0x38e: {  	[tilespmem:s9], [sflag:$0x1] =	stream.linear.gather [hbm4b:s21+s9], $0x4000, $0x38;
	[tilespmem:$0x198A8] =	vst v63  }
0x38f: {  	_ =	swait.ge [sflag:s2], $0x4000  }
0x390: {  	[sflag:s2] =	ssyncset.done $0x0  }
0x391: {  	s22 =	rddreg [dreg:$0x1b];
	[sflag:s2] =	ssyncadd.s32 $0xFFFFC000  }
0x392: {  	[tilespmem:s25], [sflag:$0x1] =	stream.linear.gather [hbm4b:s22+s9], $0x4000, $0x38;
	[tilespmem:$0x198A8] =	vst v63  }
0x393: {  	_ =	swait.ge [sflag:s2], $0x4000  }
0x394: {  	[sflag:s2] =	ssyncset.done $0x0  }
0x395: {  	[sflag:s2] =	ssyncadd.s32 $0xFFFFC000;
	(ifvalue) =	ssetifvalue $0xFFFFFFFF  }
0x396: {  	(ifvalue) =	ssetifvalue $0xFFFFFFFF  }
0x397: {  	[spmem:s5] =	stream.indirect.scatter [tilespmem:s9], [sflag:$0x1], $0x1, s25, s25, $0x40b8;
	[tilespmem:$0x198A8] =	vst v63  }
0x398: {  	_ =	swait.ge [sflag:s2], $0x4000  }
0x399: {  	[sflag:s2] =	ssyncset.done $0x0  }
0x39a: {  	s23 =	sadd.s32 $0x1000, s8;
	[sflag:s2] =	ssyncadd.s32 $0xFFFFC000  }
0x39b: {  	[tilespmem:s9], [sflag:$0x1] =	stream.linear.gather [hbm4b:s23+s9], $0x4000, $0x38;
	[tilespmem:$0x198A8] =	vst v63  }
0x39c: {  	_ =	swait.ge [sflag:s2], $0x4000  }
0x39d: {  	[sflag:s2] =	ssyncset.done $0x0  }
0x39e: {  	s26 =	rddreg [dreg:$0x1c];
	[sflag:s2] =	ssyncadd.s32 $0xFFFFC000  }
0x39f: {  	[tilespmem:s25], [sflag:$0x1] =	stream.linear.gather [hbm4b:s26+s9], $0x4000, $0x38;
	[tilespmem:$0x198A8] =	vst v63  }
0x3a0: {  	_ =	swait.ge [sflag:s2], $0x4000  }
0x3a1: {  	[sflag:s2] =	ssyncset.done $0x0  }
0x3a2: {  	[sflag:s2] =	ssyncadd.s32 $0xFFFFC000;
	(ifvalue) =	ssetifvalue $0xFFFFFFFF  }
0x3a3: {  	(ifvalue) =	ssetifvalue $0xFFFFFFFF  }
0x3a4: {  	[spmem:s5] =	stream.indirect.scatter [tilespmem:s9], [sflag:$0x1], $0x1, s25, s25, $0x40b8;
	[tilespmem:$0x198A8] =	vst v63  }
0x3a5: {  	_ =	swait.ge [sflag:s2], $0x4000  }
0x3a6: {  	[sflag:s2] =	ssyncset.done $0x0  }
0x3a7: {  	s8 =	sadd.s32 $0x1800, s8;
	[sflag:s2] =	ssyncadd.s32 $0xFFFFC000  }
0x3a8: {  	[tilespmem:s9], [sflag:$0x1] =	stream.linear.gather [hbm4b:s8+s9], $0x4000, $0x38;
	[tilespmem:$0x198A8] =	vst v63  }
0x3a9: {  	_ =	swait.ge [sflag:s2], $0x4000  }
0x3aa: {  	[sflag:s2] =	ssyncset.done $0x0  }
0x3ab: {  	s28 =	rddreg [dreg:$0x1d];
	[sflag:s2] =	ssyncadd.s32 $0xFFFFC000  }
0x3ac: {  	[tilespmem:s25], [sflag:$0x1] =	stream.linear.gather [hbm4b:s28+s9], $0x4000, $0x38;
	[tilespmem:$0x198A8] =	vst v63  }
0x3ad: {  	_ =	swait.ge [sflag:s2], $0x4000  }
0x3ae: {  	[sflag:s2] =	ssyncset.done $0x0  }
0x3af: {  	[sflag:s2] =	ssyncadd.s32 $0xFFFFC000;
	(ifvalue) =	ssetifvalue $0xFFFFFFFF  }
0x3b0: {  	(ifvalue) =	ssetifvalue $0xFFFFFFFF  }
0x3b1: {  	[spmem:s5] =	stream.indirect.scatter [tilespmem:s9], [sflag:$0x1], $0x1, s25, s25, $0x40b8;
	[tilespmem:$0x198A8] =	vst v63  }
0x3b2: {  	_ =	swait.ge [sflag:s2], $0x4000  }
0x3b3: {  	[sflag:s2] =	ssyncset.done $0x0  }
0x3b4: {  	[sflag:s2] =	ssyncadd.s32 $0xFFFFC000  }
0x3b5: {  	[bflag:$0x0] =	sbarrier.arrive $0xFFFF  }
0x3b6: {  	s10 =	sadd.s32 $0x1, s10;
	s30 =	rddreg [dreg:$0xb]  }
0x3b7: {  	p2 =	sne.s32 s10, $0x8;
	s0 =	sadd.s32 s30, s0  }
0x3b8: {  	[hbm:s0], [sflag:s31] =	dma.local [spmem:s4], $0x2000  }
.Ltmp46:
0x3b9: {  	_ =	swait.ge [sflag:s2], $0x2000;
	(pc) =	sbr.rel @p2 .LBB2_64-.Ltmp46, $3  }
0x3ba: {  	[sflag:s2] =	ssyncset.done $0x0  }
0x3bb: {  	[sflag:s2] =	ssyncadd.s32 $0xFFFFE000  }
0x3bc: {  	[bflag:$0x0] =	sbarrier.arrive $0xFFFF;
	_ =	sdelay $0x1  }
.LBB2_93:
0x3bd: {  	s0 =	simm.s32 $0x40;
	s4 =	simm.s32 $0x0  }
.LBB2_94:
0x3be: {  	p2 =	seq.s32 s0, $0x3FC0;
	[tilespmem:s4+$0x8000] =	vst v0;
	s4 =	smov.u32 s0;
	s0 =	sadd.s32 $0x40, s0  }
.Ltmp47:
0x3bf: {  	(pc) =	sbr.rel @!p2 .LBB2_94-.Ltmp47, $2  }
0x3c0: {  	_ =	sdelay $0x2  }
0x3c1: {  	s4 =	sshra.s32 s4, $0x2  }
0x3c2: {  	s0 =	rddreg [dreg:$0xe]  }
0x3c3: {  	s28 =	rddreg [dreg:$0x11];
	s0 =	sadd.s32 s0, s9  }
0x3c4: {  	[tilespmem:s4+$0x8000] =	vst v0;
	s30 =	rddreg [dreg:$0x12];
	s4 =	sshll.u32 s0, $0x11  }
0x3c5: {  	s16 =	simm.s32 $0x0;
	s10 =	sadd.s32 s4, s28;
	s14 =	sadd.s32 s4, s30  }
.LBB2_96:
0x3c6: {  	p2 =	sne.s32 @!p0 s16, $0x0  }
0x3c7: {  	p2 =	por p0, !p2  }
0x3c8: {  	s0 =	sshll.u32 @p2 s16, $0xB  }
0x3c9: {  	s0 =	sadd.s32 @p2 s0, s10  }
0x3ca: {  	[tilespmem:s6], [sflag:$0x1] =	stream.linear.gather @p2 [hbm4b:s0+s6], $0x4000, $0x38;
	[tilespmem:$0x198A8] =	vst v63  }
0x3cb: {  	_ =	swait.ge @p2 [sflag:s2], $0x4000  }
0x3cc: {  	[sflag:s2] =	ssyncset.done @p2 $0x0  }
0x3cd: {  	[sflag:s2] =	ssyncadd.s32 @p2 $0xFFFFC000;
	p2 =	seq.s32 @!p0 s16, $0x0  }
0x3ce: {  	p2 =	por p0, p2  }
.Ltmp48:
0x3cf: {  	_ = 	snop;
	(pc) =	sbr.rel @p2 .LBB2_100-.Ltmp48, $1  }
0x3d0: {  	_ =	sdelay $0x3  }
0x3d1: {  	s0 =	simm.s32 $0x40;
	s11 =	simm.s32 $0x0  }
.LBB2_98:
0x3d2: {  	p2 =	sne.s32 s0, $0xFFC0;
	[tilespmem:s11+$0x0] =	vst v4;
	s8 =	smov.u32 s0;
	s0 =	sadd.s32 $0x40, s0  }
.Ltmp49:
0x3d3: {  	(pc) =	sbr.rel @p2 .LBB2_98-.Ltmp49, $2  }
0x3d4: {  	_ =	sdelay $0x2  }
0x3d5: {  	s11 =	sshra.s32 s8, $0x2  }
0x3d6: {  	p2 =	sne.s32 s16, $0x1  }
0x3d7: {  	[tilespmem:s11+$0x0] =	vst v4;
	s0 =	simm.s32 @!p2 $0x0  }
0x3d8: {  	[tilespmem:s0], [sflag:$0x1] =	stream.linear.gather @!p2 [hbm4b:s14+s0], $0x240, $0x38;
	[tilespmem:$0x198A8] =	vst v63  }
0x3d9: {  	s0 =	simm.s32 @!p2 $0x1  }
0x3da: {  	_ =	swait.ge @!p2 [sflag:s0], $0x240  }
0x3db: {  	[sflag:s0] =	ssyncset.done @!p2 $0x0  }
0x3dc: {  	[sflag:s0] =	ssyncadd.s32 @!p2 $0xFFFFFDC0  }
.LBB2_100:
0x3dd: {  	s11 =	simm.s32 $0x0;
	s0 =	simm.s32 $0x40  }
.LBB2_101:
0x3de: {  	p2 =	sne.s32 s0, $0xFFC0;
	v7 =	vld [tilespmem:s11+$0x0];
	_ =	sdelay $0x4  }
0x3df: {  	v7 =	vshrl.u32 v7, $0x14  }
0x3e0: {  	v7 =	vand.u32 $0xFF0, v7  }
0x3e1: {  	v7 =	vor.u32 v1, v7  }
.Ltmp50:
0x3e2: {  	(pc) =	sbr.rel @p2 .LBB2_101-.Ltmp50, $2  }
0x3e3: {  	_ =	sdelay $0x2  }
0x3e4: {  	s11 =	sshra.s32 s0, $0x2;
	s0 =	sadd.s32 $0x40, s0;
	[tilespmem:v7+s17+$0x0] =	vst.idx.add.s32.msk $0xffff, v2  }
0x3e5: {  	v7 =	vld [tilespmem:s11+$0x0];
	_ =	sdelay $0x4  }
0x3e6: {  	v7 =	vshrl.u32 v7, $0x14  }
0x3e7: {  	s16 =	sadd.s32 $0x1, s16;
	v7 =	vand.u32 $0xFF0, v7  }
0x3e8: {  	p2 =	sne.s32 s16, $0x4;
	v7 =	vor.u32 v1, v7  }
.Ltmp51:
0x3e9: {  	_ = 	snop;
	(pc) =	sbr.rel @p2 .LBB2_96-.Ltmp51, $2  }
0x3ea: {  	_ =	sdelay $0x2  }
0x3eb: {  	s0 =	simm.s32 $0x0;
	[tilespmem:v7+s17+$0x0] =	vst.idx.add.s32.msk $0xffff, v2  }
0x3ec: {  	s11 =	sshra.s32 s0, $0x2;
	s16 =	sadd.s32 $0x40, s0  }
.LBB2_104:
0x3ed: {  	p2 =	sne.s32 s16, $0x3FC0;
	v7 =	vld [tilespmem:s11+$0x8000];
	_ =	sdelay $0x4  }
0x3ee: {  	(xrf0) =	vadd.scan.msk.s32 $0xffff, v7;
	_ =	sdelay $0x2  }
.Ltmp52:
0x3ef: {  	(pc) =	sbr.rel @p2 .LBB2_104-.Ltmp52, $3  }
0x3f0: {  	_ =	sdelay $0x1  }
0x3f1: {  	v7, _, _ =	vpop (xrf0)  }
0x3f2: {  	[tilespmem:s11+$0x8000] =	vst v7;
	s11 =	sshra.s32 s16, $0x2;
	s16 =	sadd.s32 $0x40, s16  }
0x3f3: {  	v7 =	vld [tilespmem:s11+$0x8000];
	_ =	sdelay $0x4  }
0x3f4: {  	(xrf0) =	vadd.scan.msk.s32 $0xffff, v7;
	v7 =	vmov s0  }
0x3f5: {  	v7 =	vshll.u32 v7, $0x4  }
0x3f6: {  	v7 =	vor.u32 v3, v7  }
0x3f7: {  	v7 =	vor.u32 $0xF, v7;
	_ =	sdelay $0x2  }
0x3f8: {  	v8, _, _ =	vpop (xrf0)  }
0x3f9: {  	s30 =	simm.s32 $0x10;
	[tilespmem:s11+$0x8000] =	vst v8  }
0x3fa: {  	v9 =	vld.idx.msk [tilespmem:v7+s17+$0x0], $0xffff;
	v7 =	vmov s30  }
0x3fb: {  	v7 =	vshll.u32 v7, $0x4  }
0x3fc: {  	v7 =	vor.u32 v3, v7  }
0x3fd: {  	v7 =	vor.u32 $0xF, v7;
	_ =	sdelay $0x2  }
0x3fe: {  	s8 =	simm.s32 $0x20;
	s0 =	simm.s32 $0x9100  }
0x3ff: {  	v8 =	vmov s8;
	s11 =	simm.s32 $0x30;
	[tilespmem:s0+$0x0] =	vst v9  }
.LBB2_106:
0x400: {  	p2 =	sne.s32 s11, $0xF0;
	v8 =	vshll.u32 v8, $0x4;
	v9 =	vld.idx.msk [tilespmem:v7+s17+$0x0], $0xffff  }
0x401: {  	v7 =	vor.u32 v3, v8  }
.Ltmp53:
0x402: {  	v7 =	vor.u32 $0xF, v7;
	(pc) =	sbr.rel @p2 .LBB2_106-.Ltmp53, $3  }
0x403: {  	_ =	sdelay $0x1  }
0x404: {  	s0 =	sadd.s32 $0x10, s0  }
0x405: {  	v8 =	vmov s11;
	s11 =	sadd.s32 $0x10, s11;
	[tilespmem:s0+$0x0] =	vst v9  }
0x406: {  	_ =	sdelay $0x2  }
0x407: {  	v8 =	vshll.u32 v8, $0x4  }
0x408: {  	v7 =	vld.idx.msk [tilespmem:v7+s17+$0x0], $0xffff;
	v8 =	vor.u32 v3, v8  }
0x409: {  	v8 =	vor.u32 $0xF, v8;
	_ =	sdelay $0x2  }
0x40a: {  	s0 =	sadd.s32 $0x10, s0  }
0x40b: {  	[tilespmem:s0+$0x0] =	vst v7  }
0x40c: {  	v7 =	vld.idx.msk [tilespmem:v8+s17+$0x0], $0xffff;
	_ =	sdelay $0x3  }
0x40d: {  	s0 =	sadd.s32 $0x10, s0  }
0x40e: {  	s28 =	simm.s32 $0x9100;
	[tilespmem:s0+$0x0] =	vst v7  }
0x40f: {  	[spmem:s18] =	stream.strided.scatter [tilespmem:s28], [sflag:$0x1], $0x100, s13, s7, $0x38;
	[tilespmem:$0x198A8] =	vst v63  }
0x410: {  	_ =	swait.ge [sflag:s2], $0x100  }
0x411: {  	[sflag:s2] =	ssyncset.done $0x0  }
0x412: {  	[sflag:s2] =	ssyncadd.s32 $0xFFFFFF00  }
0x413: {  	[bflag:$0x0] =	sbarrier.arrive $0xFFFF  }
0x414: {  	s8 =	simm.s32 $0x9200;
	s30 =	rddreg [dreg:$0x4]  }
0x415: {  	[tilespmem:s8], [sflag:$0x1] =	stream.linear.gather [spmem:s30], $0x1000, $0x38;
	[tilespmem:$0x198A8] =	vst v63  }
0x416: {  	_ =	swait.ge [sflag:s2], $0x1000  }
0x417: {  	[sflag:s2] =	ssyncset.done $0x0  }
0x418: {  	s11 =	simm.s32 $0x0;
	s0 =	simm.s32 $0x0;
	[sflag:s2] =	ssyncadd.s32 $0xFFFFF000  }
.LBB2_108:
0x419: {  	s16 =	sshll.u32 s11, $0x4  }
0x41a: {  	s8 =	sand.u32 $0x70, s16  }
0x41b: {  	s15 =	sshll.u32 s11, $0x7;
	v7 =	vmov s8  }
0x41c: {  	s23 =	sand.u32 $0x400, s15  }
0x41d: {  	s26 =	sand.u32 $0x800, s0;
	s20 =	sor.u32 $0x9200, s23  }
0x41e: {  	s30 =	sand.u32 $0x380, s0;
	s8 =	sadd.s32 s26, s20  }
0x41f: {  	s21 =	simm.s32 $0x1;
	s8 =	sadd.s32 s30, s8  }
0x420: {  	v8 =	vimm.s32 $0x0;
	s22 =	simm.s32 $0x80;
	s28 =	simm.s32 $0x0;
	v10 =	vimm.s32 $0x0;
	s23 =	simm.s32 $0x100;
	v9 =	vld.idx.msk [tilespmem:v7+s8+$0x0 ss:$0x1], $0xffff  }
.LBB2_109:
0x421: {  	s8 =	sand.u32 $0x800, s23  }
0x422: {  	p2 =	sne.s32 s21, $0xF;
	s15 =	smov.u32 s21;
	s21 =	sadd.s32 $0x1, s21  }
.Ltmp54:
0x423: {  	s26 =	sand.u32 $0x380, s22;
	s8 =	sadd.s32 s8, s20;
	(pc) =	sbr.rel @p2 .LBB2_109-.Ltmp54, $4  }
0x424: {  	p3 =	slt.u32 s28, s12;
	s28 =	smov.u32 s15;
	s8 =	sadd.s32 s26, s8  }
0x425: {  	v8 =	vadd.s32 v8, v9;
	v11 =	vpsel !p3, $0x0, v9;
	v9 =	vld.idx.msk [tilespmem:v7+s8+$0x0 ss:$0x1], $0xffff  }
0x426: {  	v10 =	vadd.s32 v10, v11  }
0x427: {  	s22 =	sadd.s32 $0x80, s22;
	s23 =	sadd.s32 $0x100, s23  }
0x428: {  	_ = 	snop  }
0x429: {  	p2 =	slt.u32 s28, s12;
	s11 =	sadd.s32 $0x1, s11  }
0x42a: {  	v7 =	vadd.s32 v8, v9;
	v8 =	vpsel !p2, $0x0, v9;
	p2 =	sne.s32 s11, $0x10  }
.Ltmp55:
0x42b: {  	_ = 	snop;
	(pc) =	sbr.rel @p2 .LBB2_108-.Ltmp55, $3  }
0x42c: {  	_ =	sdelay $0x1  }
0x42d: {  	v8 =	vadd.s32 v10, v8;
	[tilespmem:s16+$0xA200] =	vst v7  }
0x42e: {  	[tilespmem:s16+$0x9000] =	vst v8;
	s16 =	simm.s32 $0x0  }
0x42f: {  	s8 =	simm.s32 $0x0  }
0x430: {  	v8 =	vld [tilespmem:s8+$0xA200];
	_ =	sdelay $0x4  }
0x431: {  	(xrf0) =	vadd.scan.msk.s32 $0xffff, v8;
	_ =	sdelay $0x1  }
0x432: {  	s20 =	simm.s32 $0x10  }
0x433: {  	v9 =	vld [tilespmem:s20+$0xA200];
	_ =	sdelay $0x2  }
0x434: {  	v10, _, _ =	vpop (xrf0)  }
0x435: {  	(v2sf) =	vpush v10, $0xF  }
0x436: {  	v11 =	vld [tilespmem:s8+$0x9000];
	(xrf0) =	vadd.scan.msk.s32 $0xffff, v9;
	_ =	sdelay $0x1  }
0x437: {  	s11 =	simm.s32 $0x20  }
0x438: {  	v7 =	vld [tilespmem:s11+$0xA200]  }
0x439: {  	v8 =	vsub.s32 s16, v8  }
0x43a: {  	v8 =	vadd.s32 v11, v8  }
0x43b: {  	v11 =	vadd.s32 v10, v8;
	v10, _, _ =	vpop (xrf0)  }
0x43c: {  	(v2sf) =	vpush v10, $0xF  }
0x43d: {  	(xrf0) =	vadd.scan.msk.s32 $0xffff, v7;
	_ =	sdelay $0x1  }
0x43e: {  	s0 =	simm.s32 $0x30  }
0x43f: {  	v8 =	vld [tilespmem:s0+$0xA200];
	[tilespmem:s8+$0x9000] =	vst v11  }
0x440: {  	v12 =	vld [tilespmem:s20+$0x9000]  }
0x441: {  	s21 =	simm.s32 $0x100  }
0x442: {  	s22 =	simm.s32 $0x140;
	s23 =	simm.s32 $0x0;
	v11, _, _ =	vpop (xrf0);
	s28 =	spop (v2sf)  }
.LBB2_112:
0x443: {  	p2 =	sne.s32 s22, $0x3C0;
	(v2sf) =	vpush v11, $0xF;
	s23 =	sadd.s32 s23, s28  }
0x444: {  	(xrf0) =	vadd.scan.msk.s32 $0xffff, v8;
	v13 =	vsub.s32 s23, v9;
	v9 =	vmov v7;
	v7 =	vmov v8  }
0x445: {  	v8 =	vadd.s32 v12, v13  }
.Ltmp56:
0x446: {  	s8 =	sshra.s32 s21, $0x2;
	s21 =	smov.u32 s22;
	v12 =	vadd.s32 v10, v8;
	v10 =	vmov v11;
	(pc) =	sbr.rel @p2 .LBB2_112-.Ltmp56, $3  }
0x447: {  	v8 =	vld [tilespmem:s8+$0xA200];
	[tilespmem:s20+$0x9000] =	vst v12;
	s20 =	smov.u32 s11;
	s11 =	smov.u32 s0;
	s0 =	smov.u32 s8  }
0x448: {  	v12 =	vld [tilespmem:s20+$0x9000];
	_ =	sdelay $0x1  }
0x449: {  	s22 =	sadd.s32 $0x40, s22;
	v11, _, _ =	vpop (xrf0);
	s28 =	spop (v2sf)  }
0x44a: {  	s8 =	sadd.s32 s23, s28  }
0x44b: {  	v9 =	vsub.s32 s8, v9  }
0x44c: {  	(v2sf) =	vpush v11, $0xF;
	s15 =	sshra.s32 s21, $0x2;
	v9 =	vadd.s32 v12, v9  }
0x44d: {  	(xrf0) =	vadd.scan.msk.s32 $0xffff, v8;
	v13 =	vld [tilespmem:s15+$0xA200];
	v9 =	vadd.s32 v10, v9  }
0x44e: {  	[tilespmem:s20+$0x9000] =	vst v9  }
0x44f: {  	v9 =	vld [tilespmem:s11+$0x9000];
	_ =	sdelay $0x1  }
0x450: {  	s23 =	spop (v2sf)  }
0x451: {  	(xrf0) =	vadd.scan.msk.s32 $0xffff, v13;
	s8 =	sadd.s32 s8, s23  }
0x452: {  	v61, _, _ =	vpop (xrf0);
	v7 =	vsub.s32 s8, v7  }
0x453: {  	(v2sf) =	vpush v61, $0xF;
	v7 =	vadd.s32 v9, v7  }
0x454: {  	v7 =	vadd.s32 v11, v7;
	_ =	sdelay $0x2  }
0x455: {  	[tilespmem:s11+$0x9000] =	vst v7;
	v7, _, _ =	vpop (xrf0)  }
0x456: {  	v62 =	vld [tilespmem:s0+$0x9000];
	(v2sf) =	vpush v7, $0xF;
	_ =	sdelay $0x1  }
0x457: {  	s26 =	spop (v2sf)  }
0x458: {  	s8 =	sadd.s32 s8, s26  }
0x459: {  	v8 =	vsub.s32 s8, v8  }
0x45a: {  	v8 =	vadd.s32 v62, v8  }
0x45b: {  	v8 =	vadd.s32 v61, v8  }
0x45c: {  	[tilespmem:s0+$0x9000] =	vst v8  }
0x45d: {  	v8 =	vld [tilespmem:s15+$0x9000];
	_ =	sdelay $0x1  }
0x45e: {  	s28 =	spop (v2sf)  }
0x45f: {  	s0 =	sadd.s32 s8, s28  }
0x460: {  	v63 =	vsub.s32 s0, v13  }
0x461: {  	v8 =	vadd.s32 v8, v63  }
0x462: {  	v7 =	vadd.s32 v7, v8  }
0x463: {  	[tilespmem:s15+$0x9000] =	vst v7;
	s30 =	spop (v2sf)  }
.LBB2_114:
0x464: {  	p2 =	sne.s32 @!p0 s16, $0x0  }
0x465: {  	p2 =	por p0, !p2  }
0x466: {  	s0 =	sshll.u32 @p2 s16, $0xB  }
0x467: {  	s0 =	sadd.s32 @p2 s0, s10  }
0x468: {  	[tilespmem:s6], [sflag:$0x1] =	stream.linear.gather @p2 [hbm4b:s0+s6], $0x4000, $0x38;
	[tilespmem:$0x198A8] =	vst v63  }
0x469: {  	_ =	swait.ge @p2 [sflag:s2], $0x4000  }
0x46a: {  	[sflag:s2] =	ssyncset.done @p2 $0x0  }
0x46b: {  	[sflag:s2] =	ssyncadd.s32 @p2 $0xFFFFC000;
	p2 =	seq.s32 @!p0 s16, $0x0  }
0x46c: {  	p2 =	por p0, p2  }
.Ltmp57:
0x46d: {  	_ = 	snop;
	(pc) =	sbr.rel @p2 .LBB2_118-.Ltmp57, $1  }
0x46e: {  	_ =	sdelay $0x3  }
0x46f: {  	s0 =	simm.s32 $0x40;
	s11 =	simm.s32 $0x0  }
.LBB2_116:
0x470: {  	p2 =	sne.s32 s0, $0xFFC0;
	[tilespmem:s11+$0x0] =	vst v4;
	s8 =	smov.u32 s0;
	s0 =	sadd.s32 $0x40, s0  }
.Ltmp58:
0x471: {  	(pc) =	sbr.rel @p2 .LBB2_116-.Ltmp58, $2  }
0x472: {  	_ =	sdelay $0x2  }
0x473: {  	s11 =	sshra.s32 s8, $0x2  }
0x474: {  	p2 =	sne.s32 s16, $0x1  }
0x475: {  	[tilespmem:s11+$0x0] =	vst v4;
	s0 =	simm.s32 @!p2 $0x0  }
0x476: {  	[tilespmem:s0], [sflag:$0x1] =	stream.linear.gather @!p2 [hbm4b:s14+s0], $0x240, $0x38;
	[tilespmem:$0x198A8] =	vst v63  }
0x477: {  	s0 =	simm.s32 @!p2 $0x1  }
0x478: {  	_ =	swait.ge @!p2 [sflag:s0], $0x240  }
0x479: {  	[sflag:s0] =	ssyncset.done @!p2 $0x0  }
0x47a: {  	[sflag:s0] =	ssyncadd.s32 @!p2 $0xFFFFFDC0  }
.LBB2_118:
0x47b: {  	s11 =	simm.s32 $0x0  }
0x47c: {  	v7 =	vld [tilespmem:s11+$0x0];
	_ =	sdelay $0x4  }
0x47d: {  	v8 =	vshrl.u32 v7, $0x18  }
0x47e: {  	(xrf1) =	vunique.msk.u32 $0xffff, v8;
	_ =	sdelay $0xb  }
0x47f: {  	v9 =	vld.idx.msk [tilespmem:v8+s24+$0x0], $0xffff;
	_ =	sdelay $0x1  }
0x480: {  	_, v10, vm0 =	vpop (xrf1);
	_ =	sdelay $0x2  }
0x481: {  	v7 =	vxor.u32 v6, v7;
	v9 =	vadd.s32 v9, v10  }
0x482: {  	vm1 =	vgt.s32 v7, $0xFFFFFFFF;
	v10 =	vadd.s32 $0xFFFFFFFF, v9  }
0x483: {  	v11 =	vsel vm1, $0xFFFFFFFF, v5;
	vm15 =	vgt.s32 v10, $0xF423F  }
0x484: {  	s0 =	simm.s32 $0x40;
	s20 =	simm.s32 $0x80;
	v7 =	vxor.u32 v7, v11;
	[tilespmem:v8+s24+$0x0] =	vst.idx.msk vm0, v9;
	v8 =	vsel vm15, $0xFFFFFFFF, v10  }
.LBB2_119:
0x485: {  	p2 =	sne.s32 s20, $0xFFC0  }
0x486: {  	s8 =	sshra.s32 s0, $0x2;
	[tilespmem:s11+$0x0] =	vst v7;
	s0 =	smov.u32 s20;
	s20 =	sadd.s32 $0x40, s20  }
0x487: {  	v7 =	vld [tilespmem:s8+$0x0];
	[tilespmem:s11+$0x4000] =	vst v8;
	s11 =	smov.u32 s8;
	_ =	sdelay $0x4  }
0x488: {  	v8 =	vshrl.u32 v7, $0x18;
	v7 =	vxor.u32 v6, v7  }
0x489: {  	vm0 =	vgt.s32 v7, $0xFFFFFFFF;
	(xrf1) =	vunique.msk.u32 $0xffff, v8  }
0x48a: {  	v9 =	vsel vm0, $0xFFFFFFFF, v5  }
0x48b: {  	v7 =	vxor.u32 v7, v9;
	_ =	sdelay $0x8  }
0x48c: {  	v9 =	vld.idx.msk [tilespmem:v8+s24+$0x0], $0xffff;
	_ =	sdelay $0x2  }
0x48d: {  	_, v10, vm0 =	vpop (xrf1);
	_ =	sdelay $0x1  }
.Ltmp59:
0x48e: {  	(pc) =	sbr.rel @p2 .LBB2_119-.Ltmp59, $4  }
0x48f: {  	v9 =	vadd.s32 v9, v10  }
0x490: {  	v10 =	vadd.s32 $0xFFFFFFFF, v9  }
0x491: {  	vm1 =	vgt.s32 v10, $0xF423F  }
0x492: {  	[tilespmem:v8+s24+$0x0] =	vst.idx.msk vm0, v9;
	v8 =	vsel vm1, $0xFFFFFFFF, v10  }
0x493: {  	s0 =	sshra.s32 s0, $0x2;
	[tilespmem:s11+$0x0] =	vst v7  }
0x494: {  	v7 =	vld [tilespmem:s0+$0x0];
	_ =	sdelay $0x4  }
0x495: {  	v9 =	vshrl.u32 v7, $0x18  }
0x496: {  	(xrf1) =	vunique.msk.u32 $0xffff, v9;
	_ =	sdelay $0xb  }
0x497: {  	[tilespmem:s11+$0x4000] =	vst v8  }
0x498: {  	v8 =	vld.idx.msk [tilespmem:v9+s24+$0x0], $0xffff  }
0x499: {  	_, v10, vm0 =	vpop (xrf1);
	_ =	sdelay $0x2  }
0x49a: {  	v7 =	vxor.u32 v6, v7  }
0x49b: {  	vm1 =	vgt.s32 v7, $0xFFFFFFFF;
	v8 =	vadd.s32 v8, v10  }
0x49c: {  	v63 =	vsel vm1, $0xFFFFFFFF, v5;
	v11 =	vadd.s32 $0xFFFFFFFF, v8  }
0x49d: {  	v7 =	vxor.u32 v7, v63;
	vm15 =	vgt.s32 v11, $0xF423F;
	[tilespmem:v9+s24+$0x0] =	vst.idx.msk vm0, v8  }
0x49e: {  	v8 =	vsel vm15, $0xFFFFFFFF, v11;
	[tilespmem:s0+$0x0] =	vst v7  }
0x49f: {  	[tilespmem:s0+$0x4000] =	vst v8;
	(ifvalue) =	ssetifvalue $0xFFFFFFFF  }
0x4a0: {  	(ifvalue) =	ssetifvalue $0xFFFFFFFF  }
0x4a1: {  	[spmem:s5] =	stream.indirect.scatter [tilespmem:s6], [sflag:$0x1], $0x1, s25, s25, $0x40b8;
	[tilespmem:$0x198A8] =	vst v63  }
0x4a2: {  	s30 =	sadd.s32 s19, s16;
	s16 =	sadd.s32 $0x1, s16;
	_ =	swait.ge [sflag:s2], $0x4000  }
0x4a3: {  	p2 =	sne.s32 s16, $0x4;
	s0 =	sshll.u32 s30, $0xB;
	[sflag:s2] =	ssyncset.done $0x0  }
.Ltmp60:
0x4a4: {  	s0 =	sadd.s32 s3, s0;
	[sflag:s2] =	ssyncadd.s32 $0xFFFFC000;
	(pc) =	sbr.rel @p2 .LBB2_114-.Ltmp60, $4  }
0x4a5: {  	[hbm4b:s0+s6] =	stream.linear.scatter [tilespmem:s25], [sflag:$0x1], $0x4000, $0x38;
	[tilespmem:$0x198A8] =	vst v63  }
0x4a6: {  	_ =	swait.ge [sflag:s2], $0x4000  }
0x4a7: {  	[sflag:s2] =	ssyncset.done $0x0  }
0x4a8: {  	[sflag:s2] =	ssyncadd.s32 $0xFFFFC000  }
0x4a9: {  	s0 =	sshll.u32 s9, $0x7  }
0x4aa: {  	s8 =	rddreg [dreg:$0x14];
	[bflag:$0x0] =	sbarrier.arrive $0xFFFF;
	s20 =	simm.s32 @p1 $0x80  }
0x4ab: {  	s21 =	simm.s32 @p1 $0x10;
	s8 =	sadd.s32 @p1 s8, s0;
	s11 =	rddreg [dreg:$0x2]  }
0x4ac: {  	s22 =	simm.s32 @p1 $0x1FC1;
	s10 =	rddreg [dreg:$0x1a];
	s14 =	sshrl.u32 @p1 s8, $0x3  }
0x4ad: {  	s16 =	sshrl.u32 @p1 s10, $0x3;
	s10 =	simm.s32 @p1 $0x1;
	s8 =	sadd.s32 @p1 s11, s14  }
0x4ae: {  	[hbm:s8@s20], [sflag:s22] =	dma.strided @p1 [spmem:s16@s21], $0x850, s10, $0x10   }
0x4af: {  	_ =	swait.ge @p1 [sflag:s10], $0x850  }
0x4b0: {  	s30 =	simm.s32 @!p1 $0x1;
	s8 =	rddreg [dreg:$0xf]  }
0x4b1: {  	s28 =	simm.s32 @!p1 $0x80;
	[sflag:s10] =	ssyncset.done @p1 $0x0;
	s0 =	sadd.s32 @!p1 s8, s0  }
0x4b2: {  	[sflag:s10] =	ssyncadd.s32 @p1 $0xFFFFF7B0;
	s23 =	sshrl.u32 @!p1 s0, $0x3;
	s0 =	rddreg [dreg:$0x19]  }
0x4b3: {  	s8 =	sadd.s32 @!p1 s11, s23;
	s11 =	sshrl.u32 @!p1 s0, $0x3;
	s0 =	simm.s32 @!p1 $0x10  }
0x4b4: {  	[hbm:s8@s28], [sflag:s31] =	dma.strided @!p1 [spmem:s11@s0], $0x2000, s30, $0x10   }
0x4b5: {  	_ =	swait.ge @!p1 [sflag:s30], $0x2000  }
0x4b6: {  	[sflag:s30] =	ssyncset.done @!p1 $0x0  }
0x4b7: {  	[sflag:s30] =	ssyncadd.s32 @!p1 $0xFFFFE000  }
0x4b8: {  	[bflag:$0x0] =	sbarrier.arrive $0xFFFF  }
0x4b9: {  	s26 =	rddreg [dreg:$0x16]  }
0x4ba: {  	s4 =	sadd.s32 s4, s26  }
0x4bb: {  	[tilespmem:s6], [sflag:$0x1] =	stream.linear.gather [hbm4b:s4+s6], $0x4000, $0x38;
	[tilespmem:$0x198A8] =	vst v63  }
0x4bc: {  	_ =	swait.ge [sflag:s2], $0x4000  }
0x4bd: {  	[sflag:s2] =	ssyncset.done $0x0  }
0x4be: {  	s15 =	rddreg [dreg:$0x18];
	[sflag:s2] =	ssyncadd.s32 $0xFFFFC000  }
0x4bf: {  	[tilespmem:s25], [sflag:$0x1] =	stream.linear.gather [hbm4b:s15+s6], $0x4000, $0x38;
	[tilespmem:$0x198A8] =	vst v63  }
0x4c0: {  	_ =	swait.ge [sflag:s2], $0x4000  }
0x4c1: {  	[sflag:s2] =	ssyncset.done $0x0  }
0x4c2: {  	[sflag:s2] =	ssyncadd.s32 $0xFFFFC000;
	(ifvalue) =	ssetifvalue $0xFFFFFFFF  }
0x4c3: {  	(ifvalue) =	ssetifvalue $0xFFFFFFFF  }
0x4c4: {  	[spmem:s5] =	stream.indirect.scatter [tilespmem:s6], [sflag:$0x1], $0x1, s25, s25, $0x40b8;
	[tilespmem:$0x198A8] =	vst v63  }
0x4c5: {  	_ =	swait.ge [sflag:s2], $0x4000  }
0x4c6: {  	[sflag:s2] =	ssyncset.done $0x0  }
0x4c7: {  	s26 =	sadd.s32 $0x800, s4;
	[sflag:s2] =	ssyncadd.s32 $0xFFFFC000  }
0x4c8: {  	[tilespmem:s6], [sflag:$0x1] =	stream.linear.gather [hbm4b:s26+s6], $0x4000, $0x38;
	[tilespmem:$0x198A8] =	vst v63  }
0x4c9: {  	_ =	swait.ge [sflag:s2], $0x4000  }
0x4ca: {  	[sflag:s2] =	ssyncset.done $0x0  }
0x4cb: {  	s15 =	rddreg [dreg:$0x1b];
	[sflag:s2] =	ssyncadd.s32 $0xFFFFC000  }
0x4cc: {  	[tilespmem:s25], [sflag:$0x1] =	stream.linear.gather [hbm4b:s15+s6], $0x4000, $0x38;
	[tilespmem:$0x198A8] =	vst v63  }
0x4cd: {  	_ =	swait.ge [sflag:s2], $0x4000  }
0x4ce: {  	[sflag:s2] =	ssyncset.done $0x0  }
0x4cf: {  	[sflag:s2] =	ssyncadd.s32 $0xFFFFC000;
	(ifvalue) =	ssetifvalue $0xFFFFFFFF  }
0x4d0: {  	(ifvalue) =	ssetifvalue $0xFFFFFFFF  }
0x4d1: {  	[spmem:s5] =	stream.indirect.scatter [tilespmem:s6], [sflag:$0x1], $0x1, s25, s25, $0x40b8;
	[tilespmem:$0x198A8] =	vst v63  }
0x4d2: {  	_ =	swait.ge [sflag:s2], $0x4000  }
0x4d3: {  	[sflag:s2] =	ssyncset.done $0x0  }
0x4d4: {  	s26 =	sadd.s32 $0x1000, s4;
	[sflag:s2] =	ssyncadd.s32 $0xFFFFC000  }
0x4d5: {  	[tilespmem:s6], [sflag:$0x1] =	stream.linear.gather [hbm4b:s26+s6], $0x4000, $0x38;
	[tilespmem:$0x198A8] =	vst v63  }
0x4d6: {  	_ =	swait.ge [sflag:s2], $0x4000  }
0x4d7: {  	[sflag:s2] =	ssyncset.done $0x0  }
0x4d8: {  	s15 =	rddreg [dreg:$0x1c];
	[sflag:s2] =	ssyncadd.s32 $0xFFFFC000  }
0x4d9: {  	[tilespmem:s25], [sflag:$0x1] =	stream.linear.gather [hbm4b:s15+s6], $0x4000, $0x38;
	[tilespmem:$0x198A8] =	vst v63  }
0x4da: {  	_ =	swait.ge [sflag:s2], $0x4000  }
0x4db: {  	[sflag:s2] =	ssyncset.done $0x0  }
0x4dc: {  	[sflag:s2] =	ssyncadd.s32 $0xFFFFC000;
	(ifvalue) =	ssetifvalue $0xFFFFFFFF  }
0x4dd: {  	(ifvalue) =	ssetifvalue $0xFFFFFFFF  }
0x4de: {  	[spmem:s5] =	stream.indirect.scatter [tilespmem:s6], [sflag:$0x1], $0x1, s25, s25, $0x40b8;
	[tilespmem:$0x198A8] =	vst v63  }
0x4df: {  	_ =	swait.ge [sflag:s2], $0x4000  }
0x4e0: {  	[sflag:s2] =	ssyncset.done $0x0  }
0x4e1: {  	s4 =	sadd.s32 $0x1800, s4;
	[sflag:s2] =	ssyncadd.s32 $0xFFFFC000  }
0x4e2: {  	[tilespmem:s6], [sflag:$0x1] =	stream.linear.gather [hbm4b:s4+s6], $0x4000, $0x38;
	[tilespmem:$0x198A8] =	vst v63  }
0x4e3: {  	_ =	swait.ge [sflag:s2], $0x4000  }
0x4e4: {  	[sflag:s2] =	ssyncset.done $0x0  }
0x4e5: {  	s26 =	rddreg [dreg:$0x1d];
	[sflag:s2] =	ssyncadd.s32 $0xFFFFC000  }
0x4e6: {  	[tilespmem:s25], [sflag:$0x1] =	stream.linear.gather [hbm4b:s26+s6], $0x4000, $0x38;
	[tilespmem:$0x198A8] =	vst v63  }
0x4e7: {  	_ =	swait.ge [sflag:s2], $0x4000  }
0x4e8: {  	[sflag:s2] =	ssyncset.done $0x0  }
0x4e9: {  	[sflag:s2] =	ssyncadd.s32 $0xFFFFC000;
	(ifvalue) =	ssetifvalue $0xFFFFFFFF  }
0x4ea: {  	(ifvalue) =	ssetifvalue $0xFFFFFFFF  }
0x4eb: {  	[spmem:s5] =	stream.indirect.scatter [tilespmem:s6], [sflag:$0x1], $0x1, s25, s25, $0x40b8;
	[tilespmem:$0x198A8] =	vst v63  }
0x4ec: {  	_ =	swait.ge [sflag:s2], $0x4000  }
0x4ed: {  	[sflag:s2] =	ssyncset.done $0x0  }
0x4ee: {  	[sflag:s2] =	ssyncadd.s32 $0xFFFFC000  }
0x4ef: {  	[bflag:$0x0] =	sbarrier.arrive $0xFFFF  }
0x4f0: {  	s8 =	rddreg [dreg:$0x9]  }
0x4f1: {  	s4 =	sadd.s32 @p1 s8, s14  }
0x4f2: {  	[hbm:s4@s20], [sflag:s22] =	dma.strided @p1 [spmem:s16@s21], $0x850, s10, $0x10   }
0x4f3: {  	_ =	swait.ge @p1 [sflag:s10], $0x850  }
0x4f4: {  	s9 =	sadd.s32 $0x1, s9;
	[sflag:s10] =	ssyncset.done @p1 $0x0  }
0x4f5: {  	p2 =	sne.s32 s9, $0x8;
	s4 =	sadd.s32 @!p1 s8, s23;
	[sflag:s10] =	ssyncadd.s32 @p1 $0xFFFFF7B0  }
0x4f6: {  	[hbm:s4@s28], [sflag:s31] =	dma.strided @!p1 [spmem:s11@s0], $0x2000, s30, $0x10   }
.Ltmp61:
0x4f7: {  	_ =	swait.ge @!p1 [sflag:s30], $0x2000;
	(pc) =	sbr.rel @p2 .LBB2_93-.Ltmp61, $3  }
0x4f8: {  	[sflag:s30] =	ssyncset.done @!p1 $0x0  }
0x4f9: {  	[sflag:s30] =	ssyncadd.s32 @!p1 $0xFFFFE000  }
0x4fa: {  	[bflag:$0x0] =	sbarrier.arrive $0xFFFF;
	_ =	sdelay $0x1  }
0x4fb: {  	s4 =	rddreg [dreg:$0x1e]  }
0x4fc: {  	s0 =	rddreg [dreg:$0x17];
	s4 =	sadd.s32 $0x1, s4  }
0x4fd: {  	p2 =	sne.s32 s4, s0  }
.Ltmp62:
0x4fe: {  	_ = 	snop;
	(pc) =	sbr.rel @p2 .LBB2_1-.Ltmp62, $1  }
0x4ff: {  	_ =	sdelay $0x3  }
0x500: {  	_ =	sfence.sel $0x180000  }
0x501: {  	[bflag:$0x0] =	sbarrier.arrive $0xFFFF  }
0x502: {  	_ =	strace $0x90000047  }
0x503: {  	[bflag:$0x2] =	sbarrier.arrive $0xFFFF  }
0x504: {  	p0 =	sne.s32 s12, $0x0;
	s0 =	rddreg [dreg:$0x6]  }
0x505: {  	s0 =	sadd.s32 @!p0 $0x100000, s0  }
0x506: {  	[sflag:s0] =	ssyncadd.tile.s32 @!p0 $0x1;
	_ =	shalt  }
.Lfunc_end2:
_tile_overlayer_lowered:
.L_overlay_start_2:
0x507: {  	(tag) =	ssettag $0x2  }
0x508: {  	s0 =	rddreg [dreg:$0x0];
	s2 =	stileid.u32  }
0x509: {  	s1 =	rddreg [dreg:$0x1];
	p0 =	sne.s32 s2, $0x0  }
0x50a: {  	s3 =	rddreg [dreg:$0x2];
	[bflag:$0x3] =	sbarrier.arrive $0xFFFF;
	s2 =	simm.s32 @!p0 $0x1C01  }
0x50b: {  	[timem:s3], [sflag:s2] =	dma.local @!p0 [hbm:s0], s1  }
0x50c: {  	s0 =	simm.s32 @!p0 $0x1  }
0x50d: {  	_ =	swait.ge @!p0 [sflag:s0], s1  }
0x50e: {  	s1 =	ssub.s32 @!p0 $0x0, s1;
	[sflag:s0] =	ssyncset.done @!p0 $0x0  }
0x50f: {  	[sflag:s0] =	ssyncadd.s32 @!p0 s1  }
0x510: {  	[bflag:$0x3] =	sbarrier.arrive $0xFFFF  }
0x511: {  	_ =	shalt  }

</sc_bundles>
